<compile_context>
chip_gen: v7x
topology: tpu7x:2x2x1
jax: 0.10.2.dev20260603
libtpu: 0.0.44.dev20260713+nightly
codegen_flags: <defaults>
</compile_context>

<pallas_src>
import functools

import jax
import jax.numpy as jnp
from jax import lax
from jax.experimental import pallas as pl
from jax.experimental.pallas import tpu as pltpu
from jax.experimental.pallas import tpu_sc as plsc

_NC = 2
_NS = 16
_NTILES = _NC * _NS
_CHUNK = 128
_CNTW = 16


def _make_sc_segsum(n_rows, n_acc, tile_e, nch, width):
    rows_per_tile = n_acc // _NS
    stage_per_tile = n_rows // _NS
    full_ch = tile_e // _CHUNK
    rem = tile_e - full_ch * _CHUNK
    mesh = plsc.VectorSubcoreMesh(core_axis_name="c", subcore_axis_name="s")

    out_type = jax.ShapeDtypeStruct((_NC, n_acc, width), jnp.float32)
    scratch = [
        pltpu.VMEM((nch, 2, _CHUNK), jnp.int32),
        pltpu.VMEM((_CHUNK, width), jnp.float32),
        pltpu.VMEM((_CHUNK, width), jnp.float32),
        pltpu.VMEM((_CHUNK, width), jnp.float32),
        pltpu.VMEM((_CHUNK, width), jnp.float32),
        pltpu.VMEM_SHARED((n_rows, width), jnp.float32),
        pltpu.VMEM_SHARED((n_acc, width), jnp.float32),
        pltpu.SemaphoreType.DMA,
        pltpu.SemaphoreType.DMA,
        pltpu.SemaphoreType.DMA,
        pltpu.SemaphoreType.DMA,
        pltpu.SemaphoreType.DMA,
        pltpu.SemaphoreType.DMA,
        pltpu.SemaphoreType.DMA,
        pltpu.SemaphoreType.DMA,
        pltpu.SemaphoreType.DMA,
    ]

    def body(y_hbm, ei_hbm, acc_out,
             idx_v, rows0, rows1, rows2, rows3, y_sh, acc_sh,
             sg0, sg1, sg2, sg3, sc0, sc1, sc2, sc3, ss):
        rows = (rows0, rows1, rows2, rows3)
        sg = (sg0, sg1, sg2, sg3)
        sc = (sc0, sc1, sc2, sc3)
        c = lax.axis_index("c")
        s = lax.axis_index("s")
        tile = c * _NS + s
        e0 = tile * tile_e

        def idx_fire(i, _):
            pltpu.async_copy(
                ei_hbm.at[:, pl.ds(e0 + i * _CHUNK, _CHUNK)], idx_v.at[i], ss)
            return 0

        lax.fori_loop(0, full_ch, idx_fire, 0)

        yrow0 = s * stage_per_tile
        pltpu.async_copy(y_hbm.at[pl.ds(yrow0, stage_per_tile)],
                         y_sh.at[pl.ds(yrow0, stage_per_tile)], sg1)

        z16 = jnp.zeros((16,), jnp.float32)
        wq = width // 16

        def zbody(i, _):
            rows0[i // wq, pl.ds((i % wq) * 16, 16)] = z16
            return 0

        lax.fori_loop(0, _CHUNK * wq, zbody, 0)
        row0 = s * rows_per_tile
        zcopies = []
        off = 0
        k = 0
        while off < rows_per_tile:
            sz = min(_CHUNK, rows_per_tile - off)
            zcopies.append(pltpu.async_copy(
                rows0.at[pl.ds(0, sz)], acc_sh.at[pl.ds(row0 + off, sz)],
                sc[k % 4]))
            off += sz
            k += 1

        dummy = jnp.full((16,), n_rows, jnp.int32)
        zi16 = jnp.zeros((16,), jnp.int32)
        for i in range(full_ch, nch):
            for k in range(_CHUNK // 16):
                idx_v[i, 0, pl.ds(k * 16, 16)] = zi16
                idx_v[i, 1, pl.ds(k * 16, 16)] = dummy
        if rem:
            pltpu.async_copy(
                ei_hbm.at[:, pl.ds(e0 + full_ch * _CHUNK, rem)],
                idx_v.at[full_ch, :, pl.ds(0, rem)], ss)

        def idx_drain(i, _):
            pltpu.make_async_copy(
                ei_hbm.at[:, pl.ds(e0 + i * _CHUNK, _CHUNK)],
                idx_v.at[i], ss).wait()
            return 0

        lax.fori_loop(0, full_ch, idx_drain, 0)
        if rem:
            pltpu.make_async_copy(
                ei_hbm.at[:, pl.ds(e0 + full_ch * _CHUNK, rem)],
                idx_v.at[full_ch, :, pl.ds(0, rem)], ss).wait()
        pltpu.make_async_copy(y_hbm.at[pl.ds(yrow0, stage_per_tile)],
                              y_sh.at[pl.ds(yrow0, stage_per_tile)], sg1
                              ).wait()
        for cp in zcopies:
            cp.wait()

        plsc.subcore_barrier()

        def g_start(i, b):
            pltpu.async_copy(y_sh.at[idx_v.at[i, 0]], rows[b], sg[b])

        def g_wait(i, b):
            pltpu.make_async_copy(y_sh.at[idx_v.at[i, 0]], rows[b], sg[b]
                                  ).wait()

        def s_start(i, b):
            pltpu.async_copy(rows[b], acc_sh.at[idx_v.at[i, 1]], sc[b],
                             add=True)

        def s_wait(i, b):
            pltpu.make_async_copy(
                rows[b], acc_sh.at[idx_v.at[i, 1]], sc[b]).wait()

        g_start(0, 0)
        g_start(1, 1)

        def quad_body(g, _):
            for b in range(4):
                i = 4 * g + b
                g_wait(i, b)
                s_start(i, b)
                b2 = (b + 2) % 4
                j = i - 2

                @pl.when(j >= 0)
                def _():
                    s_wait(j, b2)

                @pl.when(i + 2 < nch)
                def _():
                    g_start(i + 2, b2)
            return 0

        lax.fori_loop(0, nch // 4, quad_body, 0)
        s_wait(nch - 2, (nch - 2) % 4)
        s_wait(nch - 1, (nch - 1) % 4)

        plsc.subcore_barrier()

        pltpu.sync_copy(acc_sh.at[pl.ds(row0, rows_per_tile)],
                        acc_out.at[c, pl.ds(row0, rows_per_tile)])

    return pl.kernel(
        body, mesh=mesh, out_type=out_type, scratch_types=scratch,
        compiler_params=pltpu.CompilerParams(use_tc_tiling_on_sc=False))


def _matT(a, w):
    return lax.dot_general(a, w, (((1,), (1,)), ((), ())),
                           preferred_element_type=jnp.float32)


def _pre_body(x_ref, wl_ref, wr_ref, y_ref, r_ref):
    x = x_ref[...]
    yl = _matT(x, wl_ref[...])
    y_ref[...] = jnp.concatenate(
        [yl, jnp.ones((yl.shape[0], _CNTW), jnp.float32)], axis=1)
    r_ref[...] = _matT(x, wr_ref[...])


def _mid_body(acc_ref, r1_ref, b1_ref, wl_ref, wr_ref, emb_ref, y2_ref,
              r2_ref):
    h = r1_ref.shape[1]
    agg = acc_ref[0, :, :h] + acc_ref[1, :, :h]
    cnt = acc_ref[0, :, h:h + 1] + acc_ref[1, :, h:h + 1]
    o = agg / jnp.clip(cnt, 1.0, None) + b1_ref[0] + r1_ref[...]
    nrm = jnp.sqrt(jnp.sum(o * o, axis=1, keepdims=True))
    e = o / jnp.clip(nrm, 1e-12, None)
    emb_ref[...] = e
    hr = jnp.maximum(e, 0.0)
    y2_ref[...] = _matT(hr, wl_ref[...])
    r2_ref[...] = _matT(hr, wr_ref[...])


def _post_body(acc_ref, cnt_ref, r2_ref, b2_ref, out_ref):
    h = cnt_ref.shape[2] - _CNTW
    agg = acc_ref[0] + acc_ref[1]
    cnt = cnt_ref[0, :, h:h + 1] + cnt_ref[1, :, h:h + 1]
    o = agg / jnp.clip(cnt, 1.0, None) + b2_ref[0] + r2_ref[...]
    nrm = jnp.sqrt(jnp.sum(o * o, axis=1, keepdims=True))
    e = o / jnp.clip(nrm, 1e-12, None)
    m = jnp.max(e, axis=1, keepdims=True)
    lse = jnp.log(jnp.sum(jnp.exp(e - m), axis=1, keepdims=True)) + m
    out_ref[...] = e - lse


def kernel(x, edge_index, W1l, b1, W1r, W2l, b2, W2r):
    n, d = x.shape
    e = edge_index.shape[1]
    h = W1l.shape[0]
    o = W2l.shape[0]
    w1 = h + _CNTW

    n_acc = ((n + 1 + _NS * 8 - 1) // (_NS * 8)) * (_NS * 8)
    tile_e = e // _NTILES
    nch = (tile_e + _CHUNK - 1) // _CHUNK
    nch = ((nch + 3) // 4) * 4

    bn = 2000
    y1, r1 = pl.pallas_call(
        _pre_body,
        grid=(n // bn,),
        in_specs=[
            pl.BlockSpec((bn, d), lambda i: (i, 0)),
            pl.BlockSpec((h, d), lambda i: (0, 0)),
            pl.BlockSpec((h, d), lambda i: (0, 0)),
        ],
        out_specs=[
            pl.BlockSpec((bn, w1), lambda i: (i, 0)),
            pl.BlockSpec((bn, h), lambda i: (i, 0)),
        ],
        out_shape=[
            jax.ShapeDtypeStruct((n, w1), jnp.float32),
            jax.ShapeDtypeStruct((n, h), jnp.float32),
        ],
    )(x, W1l, W1r)

    seg1 = _make_sc_segsum(n, n_acc, tile_e, nch, w1)(y1, edge_index)

    emb, y2, r2 = pl.pallas_call(
        _mid_body,
        grid=(n // bn,),
        in_specs=[
            pl.BlockSpec((2, bn, w1), lambda i: (0, i, 0)),
            pl.BlockSpec((bn, h), lambda i: (i, 0)),
            pl.BlockSpec((1, h), lambda i: (0, 0)),
            pl.BlockSpec((o, h), lambda i: (0, 0)),
            pl.BlockSpec((o, h), lambda i: (0, 0)),
        ],
        out_specs=[
            pl.BlockSpec((bn, h), lambda i: (i, 0)),
            pl.BlockSpec((bn, o), lambda i: (i, 0)),
            pl.BlockSpec((bn, o), lambda i: (i, 0)),
        ],
        out_shape=[
            jax.ShapeDtypeStruct((n, h), jnp.float32),
            jax.ShapeDtypeStruct((n, o), jnp.float32),
            jax.ShapeDtypeStruct((n, o), jnp.float32),
        ],
    )(seg1, r1, b1.reshape(1, h), W2l, W2r)

    seg2 = _make_sc_segsum(n, n_acc, tile_e, nch, o)(y2, edge_index)

    out = pl.pallas_call(
        _post_body,
        grid=(n // bn,),
        in_specs=[
            pl.BlockSpec((2, bn, o), lambda i: (0, i, 0)),
            pl.BlockSpec((2, bn, w1), lambda i: (0, i, 0)),
            pl.BlockSpec((bn, o), lambda i: (i, 0)),
            pl.BlockSpec((1, o), lambda i: (0, 0)),
        ],
        out_specs=pl.BlockSpec((bn, o), lambda i: (i, 0)),
        out_shape=jax.ShapeDtypeStruct((n, o), jnp.float32),
    )(seg2, seg1, r2, b2.reshape(1, o))

    return (emb, out)

# --- scband reference (transcript-rebuilt; emitter-appended) ---
"""Pipeline reference for scband-graph-sage-83356725281380 (READ-ONLY COPY).

The authoritative reference and input builder live on the scoring server;
editing this copy changes nothing except your own understanding.
"""

import jax, jax.numpy as jnp
import numpy as np

N = 10000
E = 320000
D = 128
H = 32
O = 32


def setup_inputs(seed: int = 0) -> dict:
    key = jax.random.key(seed)
    ks = jax.random.split(key, 9)
    x = jax.random.normal(ks[0], (N, D), dtype=jnp.float32)
    edge_index = jax.random.randint(ks[1], (2, E), 0, N, dtype=jnp.int32)
    # SAGEConv layer 1: lin_l (applied to aggregated neighbors, has bias), lin_r (root weight)
    W1l = jax.random.normal(ks[2], (H, D), dtype=jnp.float32) * (1.0 / np.sqrt(D))
    b1 = jnp.zeros((H,), dtype=jnp.float32)
    W1r = jax.random.normal(ks[3], (H, D), dtype=jnp.float32) * (1.0 / np.sqrt(D))
    # SAGEConv layer 2
    W2l = jax.random.normal(ks[4], (O, H), dtype=jnp.float32) * (1.0 / np.sqrt(H))
    b2 = jnp.zeros((O,), dtype=jnp.float32)
    W2r = jax.random.normal(ks[5], (O, H), dtype=jnp.float32) * (1.0 / np.sqrt(H))
    return {"x": x, "edge_index": edge_index, "W1l": W1l, "b1": b1, "W1r": W1r,
            "W2l": W2l, "b2": b2, "W2r": W2r}


def _sage_conv(x, edge_index, Wl, b, Wr):
    # PyG SAGEConv with aggr='mean', normalize=True:
    # out = lin_l(mean_{j in N(i)} x_j) + lin_r(x_i); out = l2_normalize(out)
    src = edge_index[0]
    dst = edge_index[1]
    n = x.shape[0]
    msgs = jnp.take(x, src, axis=0)                      # gather (SparseCore)
    agg = jax.ops.segment_sum(msgs, dst, num_segments=n)  # scatter-add
    cnt = jax.ops.segment_sum(jnp.ones((msgs.shape[0], 1), x.dtype), dst, num_segments=n)
    agg = agg / jnp.clip(cnt, 1.0, None)                  # mean aggregation
    out = agg @ Wl.T + b + x @ Wr.T
    norm = jnp.linalg.norm(out, axis=-1, keepdims=True)
    out = out / jnp.clip(norm, 1e-12, None)               # F.normalize(p=2, dim=-1)
    return out


def reference(x, edge_index, W1l, b1, W1r, W2l, b2, W2r):
    h = _sage_conv(x, edge_index, W1l, b1, W1r)
    embedding = h
    h = jax.nn.relu(h)
    # F.dropout(training=self.training): identity in eval mode
    h = _sage_conv(h, edge_index, W2l, b2, W2r)
    output = jax.nn.log_softmax(h, axis=1)
    return (embedding, output)

if __name__ == "__main__":
    import jax
    _d = setup_inputs()
    print(jax.jit(kernel)(*tuple(_d.values())))

</pallas_src>

<mosaic_0001>
#map = affine_map<(d0, d1) -> (0, 0)>
#map1 = affine_map<(d0, d1) -> (0, 0, 0)>
module attributes {stable_mosaic.version = 14 : i64} {
  func.func @body(%arg0: i32, %arg1: i32, %arg2: memref<10000x48xf32, #tpu.memory_space<hbm>>, %arg3: memref<2x320000xi32, #tpu.memory_space<hbm>>, %arg4: memref<2x10112x48xf32, #tpu.memory_space<hbm>>, %arg5: memref<80x2x128xi32, #tpu.memory_space<vmem>>, %arg6: memref<128x48xf32, #tpu.memory_space<vmem>>, %arg7: memref<128x48xf32, #tpu.memory_space<vmem>>, %arg8: memref<128x48xf32, #tpu.memory_space<vmem>>, %arg9: memref<128x48xf32, #tpu.memory_space<vmem>>, %arg10: memref<10000x48xf32, #tpu.memory_space<vmem_shared>>, %arg11: memref<10112x48xf32, #tpu.memory_space<vmem_shared>>, %arg12: memref<!tpu.dma_semaphore, #tpu.memory_space<semaphore_mem>>, %arg13: memref<!tpu.dma_semaphore, #tpu.memory_space<semaphore_mem>>, %arg14: memref<!tpu.dma_semaphore, #tpu.memory_space<semaphore_mem>>, %arg15: memref<!tpu.dma_semaphore, #tpu.memory_space<semaphore_mem>>, %arg16: memref<!tpu.dma_semaphore, #tpu.memory_space<semaphore_mem>>, %arg17: memref<!tpu.dma_semaphore, #tpu.memory_space<semaphore_mem>>, %arg18: memref<!tpu.dma_semaphore, #tpu.memory_space<semaphore_mem>>, %arg19: memref<!tpu.dma_semaphore, #tpu.memory_space<semaphore_mem>>, %arg20: memref<!tpu.dma_semaphore, #tpu.memory_space<semaphore_mem>>) attributes {dimension_semantics = [#tpu.dimension_semantics<core_parallel>, #tpu.dimension_semantics<subcore_parallel>], iteration_bounds = array<i64: 2, 16>, scalar_prefetch = 0 : i64, scratch_operands = 16 : i64, tpu.core_type = #tpu.core_type<sc_vector_subcore>, window_params = [{transform_indices = #map}, {transform_indices = #map}, {transform_indices = #map1}]} {
    %mul3A = arith.constant 16 : i32
    %mul3A_0 = arith.muli %arg0, %mul3A : i32
    %add3A = arith.addi %mul3A_0, %arg1 : i32
    %mul3A_1 = arith.constant 10000 : i32
    %mul3A_2 = arith.muli %add3A, %mul3A_1 : i32
    %scan3A = arith.constant 0 : i32
    %scan3A_3 = arith.constant 0 : i32
    %scan3A_4 = arith.constant 78 : i32
    %scan3A_5 = arith.addi %scan3A_3, %scan3A_4 : i32
    %scan3A_6 = arith.constant 1 : i32
    %scan3A_7 = scf.for %scan3A_473 = %scan3A_3 to %scan3A_5 step %scan3A_6 iter_args(%scan3A_474 = %scan3A) -> (i32)  : i32 {
      %mul3A_475 = arith.constant 128 : i32
      %mul3A_476 = arith.muli %scan3A_473, %mul3A_475 : i32
      %add3A_477 = arith.addi %mul3A_2, %mul3A_476 : i32
      %dma_start3A_478 = arith.constant 0 : i32
      %dma_start3A_479 = arith.constant 0 : i32
      %dma_start3A_480 = tpu.memref_slice %arg5[%scan3A_473, %dma_start3A_478, %dma_start3A_479] : memref<80x2x128xi32, #tpu.memory_space<vmem>> -> memref<1x2x128xi32, #tpu.memory_space<vmem>>
      %dma_start3A_481 = tpu.memref_squeeze %dma_start3A_480 : memref<1x2x128xi32, #tpu.memory_space<vmem>> -> memref<2x128xi32, #tpu.memory_space<vmem>>
      %dma_start3A_482 = arith.constant 0 : i32
      %dma_start3A_483 = tpu.memref_slice %arg3[%dma_start3A_482, %add3A_477] : memref<2x320000xi32, #tpu.memory_space<hbm>> -> memref<2x128xi32, #tpu.memory_space<hbm>>
      %dma_start3A_484 = arith.constant 0 : i32
      %dma_start3A_485 = arith.constant 0 : i32
      %dma_start3A_486 = tpu.memref_slice %arg5[%scan3A_473, %dma_start3A_484, %dma_start3A_485] : memref<80x2x128xi32, #tpu.memory_space<vmem>> -> memref<1x2x128xi32, #tpu.memory_space<vmem>>
      %dma_start3A_487 = tpu.memref_squeeze %dma_start3A_486 : memref<1x2x128xi32, #tpu.memory_space<vmem>> -> memref<2x128xi32, #tpu.memory_space<vmem>>
      %dma_start3A_488 = arith.constant 0 : i32
      %dma_start3A_489 = tpu.memref_slice %arg3[%dma_start3A_488, %add3A_477] : memref<2x320000xi32, #tpu.memory_space<hbm>> -> memref<2x128xi32, #tpu.memory_space<hbm>>
      tpu.enqueue_dma source(%dma_start3A_489 : memref<2x128xi32, #tpu.memory_space<hbm>>) target(%dma_start3A_487 : memref<2x128xi32, #tpu.memory_space<vmem>>) target_semaphore(%arg20 : memref<!tpu.dma_semaphore, #tpu.memory_space<semaphore_mem>>)
      %scan3A_490 = arith.constant 0 : i32
      scf.yield %scan3A_490 : i32
    }
    %scan3A_8 = arith.constant 78 : i32
    %mul3A_9 = arith.constant 625 : i32
    %mul3A_10 = arith.muli %arg1, %mul3A_9 : i32
    %dma_start3A = arith.constant 0 : i32
    %dma_start3A_11 = tpu.memref_slice %arg10[%mul3A_10, %dma_start3A] : memref<10000x48xf32, #tpu.memory_space<vmem_shared>> -> memref<625x48xf32, #tpu.memory_space<vmem_shared>>
    %dma_start3A_12 = arith.constant 0 : i32
    %dma_start3A_13 = tpu.memref_slice %arg2[%mul3A_10, %dma_start3A_12] : memref<10000x48xf32, #tpu.memory_space<hbm>> -> memref<625x48xf32, #tpu.memory_space<hbm>>
    tpu.enqueue_dma source(%dma_start3A_13 : memref<625x48xf32, #tpu.memory_space<hbm>>) target(%dma_start3A_11 : memref<625x48xf32, #tpu.memory_space<vmem_shared>>) target_semaphore(%arg13 : memref<!tpu.dma_semaphore, #tpu.memory_space<semaphore_mem>>)
    %broadcast_in_dim3A = arith.constant 0.000000e+00 : f32
    %broadcast_in_dim3A_14 = vector.broadcast %broadcast_in_dim3A : f32 to vector<16xf32>
    %scan3A_15 = arith.constant 0 : i32
    %scan3A_16 = arith.constant 0 : i32
    %scan3A_17 = arith.constant 384 : i32
    %scan3A_18 = arith.addi %scan3A_16, %scan3A_17 : i32
    %scan3A_19 = arith.constant 1 : i32
    %scan3A_20 = scf.for %scan3A_473 = %scan3A_16 to %scan3A_18 step %scan3A_19 iter_args(%scan3A_474 = %scan3A_15) -> (i32)  : i32 {
      %jit3A = arith.constant 3 : i32
      %div3A = arith.divsi %scan3A_473, %jit3A : i32
      %sign3A = arith.constant 0 : i32
      %sign3A_475 = arith.cmpi sgt, %scan3A_473, %sign3A : i32
      %sign3A_476 = arith.extui %sign3A_475 : i1 to i32
      %sign3A_477 = arith.constant 0 : i32
      %sign3A_478 = arith.cmpi slt, %scan3A_473, %sign3A_477 : i32
      %sign3A_479 = arith.extui %sign3A_478 : i1 to i32
      %sign3A_480 = arith.subi %sign3A_476, %sign3A_479 : i32
      %sign3A_481 = arith.constant 0 : i32
      %sign3A_482 = arith.cmpi sgt, %jit3A, %sign3A_481 : i32
      %sign3A_483 = arith.extui %sign3A_482 : i1 to i32
      %sign3A_484 = arith.constant 0 : i32
      %sign3A_485 = arith.cmpi slt, %jit3A, %sign3A_484 : i32
      %sign3A_486 = arith.extui %sign3A_485 : i1 to i32
      %sign3A_487 = arith.subi %sign3A_483, %sign3A_486 : i32
      %ne3A = arith.cmpi ne, %sign3A_480, %sign3A_487 : i32
      %rem3A = arith.remsi %scan3A_473, %jit3A : i32
      %ne3A_488 = arith.constant 0 : i32
      %ne3A_489 = arith.cmpi ne, %rem3A, %ne3A_488 : i32
      %and3A = arith.andi %ne3A, %ne3A_489 : i1
      %sub3A = arith.constant 1 : i32
      %sub3A_490 = arith.subi %div3A, %sub3A : i32
      %select_n3A = arith.select %and3A, %sub3A_490, %div3A : i32
      %jit3A_491 = arith.constant 3 : i32
      %eq3A = arith.constant 0 : i32
      %eq3A_492 = arith.cmpi eq, %jit3A_491, %eq3A : i32
      %jit3A_493 = arith.constant 1 : i32
      %select_n3A_494 = arith.select %eq3A_492, %jit3A_493, %jit3A_491 : i32
      %rem3A_495 = arith.remsi %scan3A_473, %select_n3A_494 : i32
      %ne3A_496 = arith.constant 0 : i32
      %ne3A_497 = arith.cmpi ne, %rem3A_495, %ne3A_496 : i32
      %lt3A = arith.constant 0 : i32
      %lt3A_498 = arith.cmpi slt, %rem3A_495, %lt3A : i32
      %lt3A_499 = arith.constant 0 : i32
      %lt3A_500 = arith.cmpi slt, %select_n3A_494, %lt3A_499 : i32
      %ne3A_501 = arith.xori %lt3A_498, %lt3A_500 : i1
      %and3A_502 = arith.andi %ne3A_501, %ne3A_497 : i1
      %add3A_503 = arith.addi %rem3A_495, %select_n3A_494 : i32
      %select_n3A_504 = arith.select %and3A_502, %add3A_503, %rem3A_495 : i32
      %mul3A_505 = arith.constant 16 : i32
      %mul3A_506 = arith.muli %select_n3A_504, %mul3A_505 : i32
      %swap3A_507 = arith.index_cast %select_n3A : i32 to index
      %swap3A_508 = arith.index_cast %mul3A_506 : i32 to index
      %swap3A_509 = tpu.vector_load %arg6[%swap3A_507, %swap3A_508] {strides = array<i32>} : memref<128x48xf32, #tpu.memory_space<vmem>>, vector<1x16xf32>,
      %swap3A_510 = vector.shape_cast %swap3A_509 : vector<1x16xf32> to vector<16xf32>
      %swap3A_511 = vector.shape_cast %broadcast_in_dim3A_14 : vector<16xf32> to vector<1x16xf32>
      tpu.vector_store %arg6[%swap3A_507, %swap3A_508], %swap3A_511 {strides = array<i32>} : memref<128x48xf32, #tpu.memory_space<vmem>>, vector<1x16xf32>,
      %scan3A_512 = arith.constant 0 : i32
      scf.yield %scan3A_512 : i32
    }
    %scan3A_21 = arith.constant 384 : i32
    %mul3A_22 = arith.constant 632 : i32
    %mul3A_23 = arith.muli %arg1, %mul3A_22 : i32
    %add3A_24 = arith.constant 0 : i32
    %add3A_25 = arith.addi %mul3A_23, %add3A_24 : i32
    %dma_start3A_26 = arith.constant 0 : i32
    %dma_start3A_27 = arith.constant 0 : i32
    %dma_start3A_28 = tpu.memref_slice %arg6[%dma_start3A_26, %dma_start3A_27] : memref<128x48xf32, #tpu.memory_space<vmem>> -> memref<128x48xf32, #tpu.memory_space<vmem>>
    %dma_start3A_29 = arith.constant 0 : i32
    %dma_start3A_30 = tpu.memref_slice %arg11[%add3A_25, %dma_start3A_29] : memref<10112x48xf32, #tpu.memory_space<vmem_shared>> -> memref<128x48xf32, #tpu.memory_space<vmem_shared>>
    %dma_start3A_31 = arith.constant 0 : i32
    %dma_start3A_32 = tpu.memref_slice %arg11[%add3A_25, %dma_start3A_31] : memref<10112x48xf32, #tpu.memory_space<vmem_shared>> -> memref<128x48xf32, #tpu.memory_space<vmem_shared>>
    %dma_start3A_33 = arith.constant 0 : i32
    %dma_start3A_34 = arith.constant 0 : i32
    %dma_start3A_35 = tpu.memref_slice %arg6[%dma_start3A_33, %dma_start3A_34] : memref<128x48xf32, #tpu.memory_space<vmem>> -> memref<128x48xf32, #tpu.memory_space<vmem>>
    tpu.enqueue_dma source(%dma_start3A_35 : memref<128x48xf32, #tpu.memory_space<vmem>>) target(%dma_start3A_32 : memref<128x48xf32, #tpu.memory_space<vmem_shared>>) target_semaphore(%arg16 : memref<!tpu.dma_semaphore, #tpu.memory_space<semaphore_mem>>)
    %add3A_36 = arith.constant 128 : i32
    %add3A_37 = arith.addi %mul3A_23, %add3A_36 : i32
    %dma_start3A_38 = arith.constant 0 : i32
    %dma_start3A_39 = arith.constant 0 : i32
    %dma_start3A_40 = tpu.memref_slice %arg6[%dma_start3A_38, %dma_start3A_39] : memref<128x48xf32, #tpu.memory_space<vmem>> -> memref<128x48xf32, #tpu.memory_space<vmem>>
    %dma_start3A_41 = arith.constant 0 : i32
    %dma_start3A_42 = tpu.memref_slice %arg11[%add3A_37, %dma_start3A_41] : memref<10112x48xf32, #tpu.memory_space<vmem_shared>> -> memref<128x48xf32, #tpu.memory_space<vmem_shared>>
    %dma_start3A_43 = arith.constant 0 : i32
    %dma_start3A_44 = tpu.memref_slice %arg11[%add3A_37, %dma_start3A_43] : memref<10112x48xf32, #tpu.memory_space<vmem_shared>> -> memref<128x48xf32, #tpu.memory_space<vmem_shared>>
    %dma_start3A_45 = arith.constant 0 : i32
    %dma_start3A_46 = arith.constant 0 : i32
    %dma_start3A_47 = tpu.memref_slice %arg6[%dma_start3A_45, %dma_start3A_46] : memref<128x48xf32, #tpu.memory_space<vmem>> -> memref<128x48xf32, #tpu.memory_space<vmem>>
    tpu.enqueue_dma source(%dma_start3A_47 : memref<128x48xf32, #tpu.memory_space<vmem>>) target(%dma_start3A_44 : memref<128x48xf32, #tpu.memory_space<vmem_shared>>) target_semaphore(%arg17 : memref<!tpu.dma_semaphore, #tpu.memory_space<semaphore_mem>>)
    %add3A_48 = arith.constant 256 : i32
    %add3A_49 = arith.addi %mul3A_23, %add3A_48 : i32
    %dma_start3A_50 = arith.constant 0 : i32
    %dma_start3A_51 = arith.constant 0 : i32
    %dma_start3A_52 = tpu.memref_slice %arg6[%dma_start3A_50, %dma_start3A_51] : memref<128x48xf32, #tpu.memory_space<vmem>> -> memref<128x48xf32, #tpu.memory_space<vmem>>
    %dma_start3A_53 = arith.constant 0 : i32
    %dma_start3A_54 = tpu.memref_slice %arg11[%add3A_49, %dma_start3A_53] : memref<10112x48xf32, #tpu.memory_space<vmem_shared>> -> memref<128x48xf32, #tpu.memory_space<vmem_shared>>
    %dma_start3A_55 = arith.constant 0 : i32
    %dma_start3A_56 = tpu.memref_slice %arg11[%add3A_49, %dma_start3A_55] : memref<10112x48xf32, #tpu.memory_space<vmem_shared>> -> memref<128x48xf32, #tpu.memory_space<vmem_shared>>
    %dma_start3A_57 = arith.constant 0 : i32
    %dma_start3A_58 = arith.constant 0 : i32
    %dma_start3A_59 = tpu.memref_slice %arg6[%dma_start3A_57, %dma_start3A_58] : memref<128x48xf32, #tpu.memory_space<vmem>> -> memref<128x48xf32, #tpu.memory_space<vmem>>
    tpu.enqueue_dma source(%dma_start3A_59 : memref<128x48xf32, #tpu.memory_space<vmem>>) target(%dma_start3A_56 : memref<128x48xf32, #tpu.memory_space<vmem_shared>>) target_semaphore(%arg18 : memref<!tpu.dma_semaphore, #tpu.memory_space<semaphore_mem>>)
    %add3A_60 = arith.constant 384 : i32
    %add3A_61 = arith.addi %mul3A_23, %add3A_60 : i32
    %dma_start3A_62 = arith.constant 0 : i32
    %dma_start3A_63 = arith.constant 0 : i32
    %dma_start3A_64 = tpu.memref_slice %arg6[%dma_start3A_62, %dma_start3A_63] : memref<128x48xf32, #tpu.memory_space<vmem>> -> memref<128x48xf32, #tpu.memory_space<vmem>>
    %dma_start3A_65 = arith.constant 0 : i32
    %dma_start3A_66 = tpu.memref_slice %arg11[%add3A_61, %dma_start3A_65] : memref<10112x48xf32, #tpu.memory_space<vmem_shared>> -> memref<128x48xf32, #tpu.memory_space<vmem_shared>>
    %dma_start3A_67 = arith.constant 0 : i32
    %dma_start3A_68 = tpu.memref_slice %arg11[%add3A_61, %dma_start3A_67] : memref<10112x48xf32, #tpu.memory_space<vmem_shared>> -> memref<128x48xf32, #tpu.memory_space<vmem_shared>>
    %dma_start3A_69 = arith.constant 0 : i32
    %dma_start3A_70 = arith.constant 0 : i32
    %dma_start3A_71 = tpu.memref_slice %arg6[%dma_start3A_69, %dma_start3A_70] : memref<128x48xf32, #tpu.memory_space<vmem>> -> memref<128x48xf32, #tpu.memory_space<vmem>>
    tpu.enqueue_dma source(%dma_start3A_71 : memref<128x48xf32, #tpu.memory_space<vmem>>) target(%dma_start3A_68 : memref<128x48xf32, #tpu.memory_space<vmem_shared>>) target_semaphore(%arg19 : memref<!tpu.dma_semaphore, #tpu.memory_space<semaphore_mem>>)
    %add3A_72 = arith.constant 512 : i32
    %add3A_73 = arith.addi %mul3A_23, %add3A_72 : i32
    %dma_start3A_74 = arith.constant 0 : i32
    %dma_start3A_75 = arith.constant 0 : i32
    %dma_start3A_76 = tpu.memref_slice %arg6[%dma_start3A_74, %dma_start3A_75] : memref<128x48xf32, #tpu.memory_space<vmem>> -> memref<120x48xf32, #tpu.memory_space<vmem>>
    %dma_start3A_77 = arith.constant 0 : i32
    %dma_start3A_78 = tpu.memref_slice %arg11[%add3A_73, %dma_start3A_77] : memref<10112x48xf32, #tpu.memory_space<vmem_shared>> -> memref<120x48xf32, #tpu.memory_space<vmem_shared>>
    %dma_start3A_79 = arith.constant 0 : i32
    %dma_start3A_80 = tpu.memref_slice %arg11[%add3A_73, %dma_start3A_79] : memref<10112x48xf32, #tpu.memory_space<vmem_shared>> -> memref<120x48xf32, #tpu.memory_space<vmem_shared>>
    %dma_start3A_81 = arith.constant 0 : i32
    %dma_start3A_82 = arith.constant 0 : i32
    %dma_start3A_83 = tpu.memref_slice %arg6[%dma_start3A_81, %dma_start3A_82] : memref<128x48xf32, #tpu.memory_space<vmem>> -> memref<120x48xf32, #tpu.memory_space<vmem>>
    tpu.enqueue_dma source(%dma_start3A_83 : memref<120x48xf32, #tpu.memory_space<vmem>>) target(%dma_start3A_80 : memref<120x48xf32, #tpu.memory_space<vmem_shared>>) target_semaphore(%arg16 : memref<!tpu.dma_semaphore, #tpu.memory_space<semaphore_mem>>)
    %broadcast_in_dim3A_84 = arith.constant 10000 : i32
    %broadcast_in_dim3A_85 = vector.broadcast %broadcast_in_dim3A_84 : i32 to vector<16xi32>
    %broadcast_in_dim3A_86 = arith.constant 0 : i32
    %broadcast_in_dim3A_87 = vector.broadcast %broadcast_in_dim3A_86 : i32 to vector<16xi32>
    %swap3A = arith.constant 78 : i32
    %swap3A_88 = arith.constant 0 : i32
    %swap3A_89 = arith.index_cast %swap3A : i32 to index
    %swap3A_90 = arith.index_cast %swap3A_88 : i32 to index
    %swap3A_91 = arith.constant 0 : index
    %swap3A_92 = tpu.vector_load %arg5[%swap3A_89, %swap3A_90, %swap3A_91] {strides = array<i32>} : memref<80x2x128xi32, #tpu.memory_space<vmem>>, vector<1x1x16xi32>,
    %swap3A_93 = vector.shape_cast %swap3A_92 : vector<1x1x16xi32> to vector<16xi32>
    %swap3A_94 = vector.shape_cast %broadcast_in_dim3A_87 : vector<16xi32> to vector<1x1x16xi32>
    tpu.vector_store %arg5[%swap3A_89, %swap3A_90, %swap3A_91], %swap3A_94 {strides = array<i32>} : memref<80x2x128xi32, #tpu.memory_space<vmem>>, vector<1x1x16xi32>,
    %swap3A_95 = arith.constant 78 : i32
    %swap3A_96 = arith.constant 1 : i32
    %swap3A_97 = arith.index_cast %swap3A_95 : i32 to index
    %swap3A_98 = arith.index_cast %swap3A_96 : i32 to index
    %swap3A_99 = arith.constant 0 : index
    %swap3A_100 = tpu.vector_load %arg5[%swap3A_97, %swap3A_98, %swap3A_99] {strides = array<i32>} : memref<80x2x128xi32, #tpu.memory_space<vmem>>, vector<1x1x16xi32>,
    %swap3A_101 = vector.shape_cast %swap3A_100 : vector<1x1x16xi32> to vector<16xi32>
    %swap3A_102 = vector.shape_cast %broadcast_in_dim3A_85 : vector<16xi32> to vector<1x1x16xi32>
    tpu.vector_store %arg5[%swap3A_97, %swap3A_98, %swap3A_99], %swap3A_102 {strides = array<i32>} : memref<80x2x128xi32, #tpu.memory_space<vmem>>, vector<1x1x16xi32>,
    %swap3A_103 = arith.constant 78 : i32
    %swap3A_104 = arith.constant 0 : i32
    %swap3A_105 = arith.index_cast %swap3A_103 : i32 to index
    %swap3A_106 = arith.index_cast %swap3A_104 : i32 to index
    %swap3A_107 = arith.constant 16 : index
    %swap3A_108 = tpu.vector_load %arg5[%swap3A_105, %swap3A_106, %swap3A_107] {strides = array<i32>} : memref<80x2x128xi32, #tpu.memory_space<vmem>>, vector<1x1x16xi32>,
    %swap3A_109 = vector.shape_cast %swap3A_108 : vector<1x1x16xi32> to vector<16xi32>
    %swap3A_110 = vector.shape_cast %broadcast_in_dim3A_87 : vector<16xi32> to vector<1x1x16xi32>
    tpu.vector_store %arg5[%swap3A_105, %swap3A_106, %swap3A_107], %swap3A_110 {strides = array<i32>} : memref<80x2x128xi32, #tpu.memory_space<vmem>>, vector<1x1x16xi32>,
    %swap3A_111 = arith.constant 78 : i32
    %swap3A_112 = arith.constant 1 : i32
    %swap3A_113 = arith.index_cast %swap3A_111 : i32 to index
    %swap3A_114 = arith.index_cast %swap3A_112 : i32 to index
    %swap3A_115 = arith.constant 16 : index
    %swap3A_116 = tpu.vector_load %arg5[%swap3A_113, %swap3A_114, %swap3A_115] {strides = array<i32>} : memref<80x2x128xi32, #tpu.memory_space<vmem>>, vector<1x1x16xi32>,
    %swap3A_117 = vector.shape_cast %swap3A_116 : vector<1x1x16xi32> to vector<16xi32>
    %swap3A_118 = vector.shape_cast %broadcast_in_dim3A_85 : vector<16xi32> to vector<1x1x16xi32>
    tpu.vector_store %arg5[%swap3A_113, %swap3A_114, %swap3A_115], %swap3A_118 {strides = array<i32>} : memref<80x2x128xi32, #tpu.memory_space<vmem>>, vector<1x1x16xi32>,
    %swap3A_119 = arith.constant 78 : i32
    %swap3A_120 = arith.constant 0 : i32
    %swap3A_121 = arith.index_cast %swap3A_119 : i32 to index
    %swap3A_122 = arith.index_cast %swap3A_120 : i32 to index
    %swap3A_123 = arith.constant 32 : index
    %swap3A_124 = tpu.vector_load %arg5[%swap3A_121, %swap3A_122, %swap3A_123] {strides = array<i32>} : memref<80x2x128xi32, #tpu.memory_space<vmem>>, vector<1x1x16xi32>,
    %swap3A_125 = vector.shape_cast %swap3A_124 : vector<1x1x16xi32> to vector<16xi32>
    %swap3A_126 = vector.shape_cast %broadcast_in_dim3A_87 : vector<16xi32> to vector<1x1x16xi32>
    tpu.vector_store %arg5[%swap3A_121, %swap3A_122, %swap3A_123], %swap3A_126 {strides = array<i32>} : memref<80x2x128xi32, #tpu.memory_space<vmem>>, vector<1x1x16xi32>,
    %swap3A_127 = arith.constant 78 : i32
    %swap3A_128 = arith.constant 1 : i32
    %swap3A_129 = arith.index_cast %swap3A_127 : i32 to index
    %swap3A_130 = arith.index_cast %swap3A_128 : i32 to index
    %swap3A_131 = arith.constant 32 : index
    %swap3A_132 = tpu.vector_load %arg5[%swap3A_129, %swap3A_130, %swap3A_131] {strides = array<i32>} : memref<80x2x128xi32, #tpu.memory_space<vmem>>, vector<1x1x16xi32>,
    %swap3A_133 = vector.shape_cast %swap3A_132 : vector<1x1x16xi32> to vector<16xi32>
    %swap3A_134 = vector.shape_cast %broadcast_in_dim3A_85 : vector<16xi32> to vector<1x1x16xi32>
    tpu.vector_store %arg5[%swap3A_129, %swap3A_130, %swap3A_131], %swap3A_134 {strides = array<i32>} : memref<80x2x128xi32, #tpu.memory_space<vmem>>, vector<1x1x16xi32>,
    %swap3A_135 = arith.constant 78 : i32
    %swap3A_136 = arith.constant 0 : i32
    %swap3A_137 = arith.index_cast %swap3A_135 : i32 to index
    %swap3A_138 = arith.index_cast %swap3A_136 : i32 to index
    %swap3A_139 = arith.constant 48 : index
    %swap3A_140 = tpu.vector_load %arg5[%swap3A_137, %swap3A_138, %swap3A_139] {strides = array<i32>} : memref<80x2x128xi32, #tpu.memory_space<vmem>>, vector<1x1x16xi32>,
    %swap3A_141 = vector.shape_cast %swap3A_140 : vector<1x1x16xi32> to vector<16xi32>
    %swap3A_142 = vector.shape_cast %broadcast_in_dim3A_87 : vector<16xi32> to vector<1x1x16xi32>
    tpu.vector_store %arg5[%swap3A_137, %swap3A_138, %swap3A_139], %swap3A_142 {strides = array<i32>} : memref<80x2x128xi32, #tpu.memory_space<vmem>>, vector<1x1x16xi32>,
    %swap3A_143 = arith.constant 78 : i32
    %swap3A_144 = arith.constant 1 : i32
    %swap3A_145 = arith.index_cast %swap3A_143 : i32 to index
    %swap3A_146 = arith.index_cast %swap3A_144 : i32 to index
    %swap3A_147 = arith.constant 48 : index
    %swap3A_148 = tpu.vector_load %arg5[%swap3A_145, %swap3A_146, %swap3A_147] {strides = array<i32>} : memref<80x2x128xi32, #tpu.memory_space<vmem>>, vector<1x1x16xi32>,
    %swap3A_149 = vector.shape_cast %swap3A_148 : vector<1x1x16xi32> to vector<16xi32>
    %swap3A_150 = vector.shape_cast %broadcast_in_dim3A_85 : vector<16xi32> to vector<1x1x16xi32>
    tpu.vector_store %arg5[%swap3A_145, %swap3A_146, %swap3A_147], %swap3A_150 {strides = array<i32>} : memref<80x2x128xi32, #tpu.memory_space<vmem>>, vector<1x1x16xi32>,
    %swap3A_151 = arith.constant 78 : i32
    %swap3A_152 = arith.constant 0 : i32
    %swap3A_153 = arith.index_cast %swap3A_151 : i32 to index
    %swap3A_154 = arith.index_cast %swap3A_152 : i32 to index
    %swap3A_155 = arith.constant 64 : index
    %swap3A_156 = tpu.vector_load %arg5[%swap3A_153, %swap3A_154, %swap3A_155] {strides = array<i32>} : memref<80x2x128xi32, #tpu.memory_space<vmem>>, vector<1x1x16xi32>,
    %swap3A_157 = vector.shape_cast %swap3A_156 : vector<1x1x16xi32> to vector<16xi32>
    %swap3A_158 = vector.shape_cast %broadcast_in_dim3A_87 : vector<16xi32> to vector<1x1x16xi32>
    tpu.vector_store %arg5[%swap3A_153, %swap3A_154, %swap3A_155], %swap3A_158 {strides = array<i32>} : memref<80x2x128xi32, #tpu.memory_space<vmem>>, vector<1x1x16xi32>,
    %swap3A_159 = arith.constant 78 : i32
    %swap3A_160 = arith.constant 1 : i32
    %swap3A_161 = arith.index_cast %swap3A_159 : i32 to index
    %swap3A_162 = arith.index_cast %swap3A_160 : i32 to index
    %swap3A_163 = arith.constant 64 : index
    %swap3A_164 = tpu.vector_load %arg5[%swap3A_161, %swap3A_162, %swap3A_163] {strides = array<i32>} : memref<80x2x128xi32, #tpu.memory_space<vmem>>, vector<1x1x16xi32>,
    %swap3A_165 = vector.shape_cast %swap3A_164 : vector<1x1x16xi32> to vector<16xi32>
    %swap3A_166 = vector.shape_cast %broadcast_in_dim3A_85 : vector<16xi32> to vector<1x1x16xi32>
    tpu.vector_store %arg5[%swap3A_161, %swap3A_162, %swap3A_163], %swap3A_166 {strides = array<i32>} : memref<80x2x128xi32, #tpu.memory_space<vmem>>, vector<1x1x16xi32>,
    %swap3A_167 = arith.constant 78 : i32
    %swap3A_168 = arith.constant 0 : i32
    %swap3A_169 = arith.index_cast %swap3A_167 : i32 to index
    %swap3A_170 = arith.index_cast %swap3A_168 : i32 to index
    %swap3A_171 = arith.constant 80 : index
    %swap3A_172 = tpu.vector_load %arg5[%swap3A_169, %swap3A_170, %swap3A_171] {strides = array<i32>} : memref<80x2x128xi32, #tpu.memory_space<vmem>>, vector<1x1x16xi32>,
    %swap3A_173 = vector.shape_cast %swap3A_172 : vector<1x1x16xi32> to vector<16xi32>
    %swap3A_174 = vector.shape_cast %broadcast_in_dim3A_87 : vector<16xi32> to vector<1x1x16xi32>
    tpu.vector_store %arg5[%swap3A_169, %swap3A_170, %swap3A_171], %swap3A_174 {strides = array<i32>} : memref<80x2x128xi32, #tpu.memory_space<vmem>>, vector<1x1x16xi32>,
    %swap3A_175 = arith.constant 78 : i32
    %swap3A_176 = arith.constant 1 : i32
    %swap3A_177 = arith.index_cast %swap3A_175 : i32 to index
    %swap3A_178 = arith.index_cast %swap3A_176 : i32 to index
    %swap3A_179 = arith.constant 80 : index
    %swap3A_180 = tpu.vector_load %arg5[%swap3A_177, %swap3A_178, %swap3A_179] {strides = array<i32>} : memref<80x2x128xi32, #tpu.memory_space<vmem>>, vector<1x1x16xi32>,
    %swap3A_181 = vector.shape_cast %swap3A_180 : vector<1x1x16xi32> to vector<16xi32>
    %swap3A_182 = vector.shape_cast %broadcast_in_dim3A_85 : vector<16xi32> to vector<1x1x16xi32>
    tpu.vector_store %arg5[%swap3A_177, %swap3A_178, %swap3A_179], %swap3A_182 {strides = array<i32>} : memref<80x2x128xi32, #tpu.memory_space<vmem>>, vector<1x1x16xi32>,
    %swap3A_183 = arith.constant 78 : i32
    %swap3A_184 = arith.constant 0 : i32
    %swap3A_185 = arith.index_cast %swap3A_183 : i32 to index
    %swap3A_186 = arith.index_cast %swap3A_184 : i32 to index
    %swap3A_187 = arith.constant 96 : index
    %swap3A_188 = tpu.vector_load %arg5[%swap3A_185, %swap3A_186, %swap3A_187] {strides = array<i32>} : memref<80x2x128xi32, #tpu.memory_space<vmem>>, vector<1x1x16xi32>,
    %swap3A_189 = vector.shape_cast %swap3A_188 : vector<1x1x16xi32> to vector<16xi32>
    %swap3A_190 = vector.shape_cast %broadcast_in_dim3A_87 : vector<16xi32> to vector<1x1x16xi32>
    tpu.vector_store %arg5[%swap3A_185, %swap3A_186, %swap3A_187], %swap3A_190 {strides = array<i32>} : memref<80x2x128xi32, #tpu.memory_space<vmem>>, vector<1x1x16xi32>,
    %swap3A_191 = arith.constant 78 : i32
    %swap3A_192 = arith.constant 1 : i32
    %swap3A_193 = arith.index_cast %swap3A_191 : i32 to index
    %swap3A_194 = arith.index_cast %swap3A_192 : i32 to index
    %swap3A_195 = arith.constant 96 : index
    %swap3A_196 = tpu.vector_load %arg5[%swap3A_193, %swap3A_194, %swap3A_195] {strides = array<i32>} : memref<80x2x128xi32, #tpu.memory_space<vmem>>, vector<1x1x16xi32>,
    %swap3A_197 = vector.shape_cast %swap3A_196 : vector<1x1x16xi32> to vector<16xi32>
    %swap3A_198 = vector.shape_cast %broadcast_in_dim3A_85 : vector<16xi32> to vector<1x1x16xi32>
    tpu.vector_store %arg5[%swap3A_193, %swap3A_194, %swap3A_195], %swap3A_198 {strides = array<i32>} : memref<80x2x128xi32, #tpu.memory_space<vmem>>, vector<1x1x16xi32>,
    %swap3A_199 = arith.constant 78 : i32
    %swap3A_200 = arith.constant 0 : i32
    %swap3A_201 = arith.index_cast %swap3A_199 : i32 to index
    %swap3A_202 = arith.index_cast %swap3A_200 : i32 to index
    %swap3A_203 = arith.constant 112 : index
    %swap3A_204 = tpu.vector_load %arg5[%swap3A_201, %swap3A_202, %swap3A_203] {strides = array<i32>} : memref<80x2x128xi32, #tpu.memory_space<vmem>>, vector<1x1x16xi32>,
    %swap3A_205 = vector.shape_cast %swap3A_204 : vector<1x1x16xi32> to vector<16xi32>
    %swap3A_206 = vector.shape_cast %broadcast_in_dim3A_87 : vector<16xi32> to vector<1x1x16xi32>
    tpu.vector_store %arg5[%swap3A_201, %swap3A_202, %swap3A_203], %swap3A_206 {strides = array<i32>} : memref<80x2x128xi32, #tpu.memory_space<vmem>>, vector<1x1x16xi32>,
    %swap3A_207 = arith.constant 78 : i32
    %swap3A_208 = arith.constant 1 : i32
    %swap3A_209 = arith.index_cast %swap3A_207 : i32 to index
    %swap3A_210 = arith.index_cast %swap3A_208 : i32 to index
    %swap3A_211 = arith.constant 112 : index
    %swap3A_212 = tpu.vector_load %arg5[%swap3A_209, %swap3A_210, %swap3A_211] {strides = array<i32>} : memref<80x2x128xi32, #tpu.memory_space<vmem>>, vector<1x1x16xi32>,
    %swap3A_213 = vector.shape_cast %swap3A_212 : vector<1x1x16xi32> to vector<16xi32>
    %swap3A_214 = vector.shape_cast %broadcast_in_dim3A_85 : vector<16xi32> to vector<1x1x16xi32>
    tpu.vector_store %arg5[%swap3A_209, %swap3A_210, %swap3A_211], %swap3A_214 {strides = array<i32>} : memref<80x2x128xi32, #tpu.memory_space<vmem>>, vector<1x1x16xi32>,
    %swap3A_215 = arith.constant 79 : i32
    %swap3A_216 = arith.constant 0 : i32
    %swap3A_217 = arith.index_cast %swap3A_215 : i32 to index
    %swap3A_218 = arith.index_cast %swap3A_216 : i32 to index
    %swap3A_219 = arith.constant 0 : index
    %swap3A_220 = tpu.vector_load %arg5[%swap3A_217, %swap3A_218, %swap3A_219] {strides = array<i32>} : memref<80x2x128xi32, #tpu.memory_space<vmem>>, vector<1x1x16xi32>,
    %swap3A_221 = vector.shape_cast %swap3A_220 : vector<1x1x16xi32> to vector<16xi32>
    %swap3A_222 = vector.shape_cast %broadcast_in_dim3A_87 : vector<16xi32> to vector<1x1x16xi32>
    tpu.vector_store %arg5[%swap3A_217, %swap3A_218, %swap3A_219], %swap3A_222 {strides = array<i32>} : memref<80x2x128xi32, #tpu.memory_space<vmem>>, vector<1x1x16xi32>,
    %swap3A_223 = arith.constant 79 : i32
    %swap3A_224 = arith.constant 1 : i32
    %swap3A_225 = arith.index_cast %swap3A_223 : i32 to index
    %swap3A_226 = arith.index_cast %swap3A_224 : i32 to index
    %swap3A_227 = arith.constant 0 : index
    %swap3A_228 = tpu.vector_load %arg5[%swap3A_225, %swap3A_226, %swap3A_227] {strides = array<i32>} : memref<80x2x128xi32, #tpu.memory_space<vmem>>, vector<1x1x16xi32>,
    %swap3A_229 = vector.shape_cast %swap3A_228 : vector<1x1x16xi32> to vector<16xi32>
    %swap3A_230 = vector.shape_cast %broadcast_in_dim3A_85 : vector<16xi32> to vector<1x1x16xi32>
    tpu.vector_store %arg5[%swap3A_225, %swap3A_226, %swap3A_227], %swap3A_230 {strides = array<i32>} : memref<80x2x128xi32, #tpu.memory_space<vmem>>, vector<1x1x16xi32>,
    %swap3A_231 = arith.constant 79 : i32
    %swap3A_232 = arith.constant 0 : i32
    %swap3A_233 = arith.index_cast %swap3A_231 : i32 to index
    %swap3A_234 = arith.index_cast %swap3A_232 : i32 to index
    %swap3A_235 = arith.constant 16 : index
    %swap3A_236 = tpu.vector_load %arg5[%swap3A_233, %swap3A_234, %swap3A_235] {strides = array<i32>} : memref<80x2x128xi32, #tpu.memory_space<vmem>>, vector<1x1x16xi32>,
    %swap3A_237 = vector.shape_cast %swap3A_236 : vector<1x1x16xi32> to vector<16xi32>
    %swap3A_238 = vector.shape_cast %broadcast_in_dim3A_87 : vector<16xi32> to vector<1x1x16xi32>
    tpu.vector_store %arg5[%swap3A_233, %swap3A_234, %swap3A_235], %swap3A_238 {strides = array<i32>} : memref<80x2x128xi32, #tpu.memory_space<vmem>>, vector<1x1x16xi32>,
    %swap3A_239 = arith.constant 79 : i32
    %swap3A_240 = arith.constant 1 : i32
    %swap3A_241 = arith.index_cast %swap3A_239 : i32 to index
    %swap3A_242 = arith.index_cast %swap3A_240 : i32 to index
    %swap3A_243 = arith.constant 16 : index
    %swap3A_244 = tpu.vector_load %arg5[%swap3A_241, %swap3A_242, %swap3A_243] {strides = array<i32>} : memref<80x2x128xi32, #tpu.memory_space<vmem>>, vector<1x1x16xi32>,
    %swap3A_245 = vector.shape_cast %swap3A_244 : vector<1x1x16xi32> to vector<16xi32>
    %swap3A_246 = vector.shape_cast %broadcast_in_dim3A_85 : vector<16xi32> to vector<1x1x16xi32>
    tpu.vector_store %arg5[%swap3A_241, %swap3A_242, %swap3A_243], %swap3A_246 {strides = array<i32>} : memref<80x2x128xi32, #tpu.memory_space<vmem>>, vector<1x1x16xi32>,
    %swap3A_247 = arith.constant 79 : i32
    %swap3A_248 = arith.constant 0 : i32
    %swap3A_249 = arith.index_cast %swap3A_247 : i32 to index
    %swap3A_250 = arith.index_cast %swap3A_248 : i32 to index
    %swap3A_251 = arith.constant 32 : index
    %swap3A_252 = tpu.vector_load %arg5[%swap3A_249, %swap3A_250, %swap3A_251] {strides = array<i32>} : memref<80x2x128xi32, #tpu.memory_space<vmem>>, vector<1x1x16xi32>,
    %swap3A_253 = vector.shape_cast %swap3A_252 : vector<1x1x16xi32> to vector<16xi32>
    %swap3A_254 = vector.shape_cast %broadcast_in_dim3A_87 : vector<16xi32> to vector<1x1x16xi32>
    tpu.vector_store %arg5[%swap3A_249, %swap3A_250, %swap3A_251], %swap3A_254 {strides = array<i32>} : memref<80x2x128xi32, #tpu.memory_space<vmem>>, vector<1x1x16xi32>,
    %swap3A_255 = arith.constant 79 : i32
    %swap3A_256 = arith.constant 1 : i32
    %swap3A_257 = arith.index_cast %swap3A_255 : i32 to index
    %swap3A_258 = arith.index_cast %swap3A_256 : i32 to index
    %swap3A_259 = arith.constant 32 : index
    %swap3A_260 = tpu.vector_load %arg5[%swap3A_257, %swap3A_258, %swap3A_259] {strides = array<i32>} : memref<80x2x128xi32, #tpu.memory_space<vmem>>, vector<1x1x16xi32>,
    %swap3A_261 = vector.shape_cast %swap3A_260 : vector<1x1x16xi32> to vector<16xi32>
    %swap3A_262 = vector.shape_cast %broadcast_in_dim3A_85 : vector<16xi32> to vector<1x1x16xi32>
    tpu.vector_store %arg5[%swap3A_257, %swap3A_258, %swap3A_259], %swap3A_262 {strides = array<i32>} : memref<80x2x128xi32, #tpu.memory_space<vmem>>, vector<1x1x16xi32>,
    %swap3A_263 = arith.constant 79 : i32
    %swap3A_264 = arith.constant 0 : i32
    %swap3A_265 = arith.index_cast %swap3A_263 : i32 to index
    %swap3A_266 = arith.index_cast %swap3A_264 : i32 to index
    %swap3A_267 = arith.constant 48 : index
    %swap3A_268 = tpu.vector_load %arg5[%swap3A_265, %swap3A_266, %swap3A_267] {strides = array<i32>} : memref<80x2x128xi32, #tpu.memory_space<vmem>>, vector<1x1x16xi32>,
    %swap3A_269 = vector.shape_cast %swap3A_268 : vector<1x1x16xi32> to vector<16xi32>
    %swap3A_270 = vector.shape_cast %broadcast_in_dim3A_87 : vector<16xi32> to vector<1x1x16xi32>
    tpu.vector_store %arg5[%swap3A_265, %swap3A_266, %swap3A_267], %swap3A_270 {strides = array<i32>} : memref<80x2x128xi32, #tpu.memory_space<vmem>>, vector<1x1x16xi32>,
    %swap3A_271 = arith.constant 79 : i32
    %swap3A_272 = arith.constant 1 : i32
    %swap3A_273 = arith.index_cast %swap3A_271 : i32 to index
    %swap3A_274 = arith.index_cast %swap3A_272 : i32 to index
    %swap3A_275 = arith.constant 48 : index
    %swap3A_276 = tpu.vector_load %arg5[%swap3A_273, %swap3A_274, %swap3A_275] {strides = array<i32>} : memref<80x2x128xi32, #tpu.memory_space<vmem>>, vector<1x1x16xi32>,
    %swap3A_277 = vector.shape_cast %swap3A_276 : vector<1x1x16xi32> to vector<16xi32>
    %swap3A_278 = vector.shape_cast %broadcast_in_dim3A_85 : vector<16xi32> to vector<1x1x16xi32>
    tpu.vector_store %arg5[%swap3A_273, %swap3A_274, %swap3A_275], %swap3A_278 {strides = array<i32>} : memref<80x2x128xi32, #tpu.memory_space<vmem>>, vector<1x1x16xi32>,
    %swap3A_279 = arith.constant 79 : i32
    %swap3A_280 = arith.constant 0 : i32
    %swap3A_281 = arith.index_cast %swap3A_279 : i32 to index
    %swap3A_282 = arith.index_cast %swap3A_280 : i32 to index
    %swap3A_283 = arith.constant 64 : index
    %swap3A_284 = tpu.vector_load %arg5[%swap3A_281, %swap3A_282, %swap3A_283] {strides = array<i32>} : memref<80x2x128xi32, #tpu.memory_space<vmem>>, vector<1x1x16xi32>,
    %swap3A_285 = vector.shape_cast %swap3A_284 : vector<1x1x16xi32> to vector<16xi32>
    %swap3A_286 = vector.shape_cast %broadcast_in_dim3A_87 : vector<16xi32> to vector<1x1x16xi32>
    tpu.vector_store %arg5[%swap3A_281, %swap3A_282, %swap3A_283], %swap3A_286 {strides = array<i32>} : memref<80x2x128xi32, #tpu.memory_space<vmem>>, vector<1x1x16xi32>,
    %swap3A_287 = arith.constant 79 : i32
    %swap3A_288 = arith.constant 1 : i32
    %swap3A_289 = arith.index_cast %swap3A_287 : i32 to index
    %swap3A_290 = arith.index_cast %swap3A_288 : i32 to index
    %swap3A_291 = arith.constant 64 : index
    %swap3A_292 = tpu.vector_load %arg5[%swap3A_289, %swap3A_290, %swap3A_291] {strides = array<i32>} : memref<80x2x128xi32, #tpu.memory_space<vmem>>, vector<1x1x16xi32>,
    %swap3A_293 = vector.shape_cast %swap3A_292 : vector<1x1x16xi32> to vector<16xi32>
    %swap3A_294 = vector.shape_cast %broadcast_in_dim3A_85 : vector<16xi32> to vector<1x1x16xi32>
    tpu.vector_store %arg5[%swap3A_289, %swap3A_290, %swap3A_291], %swap3A_294 {strides = array<i32>} : memref<80x2x128xi32, #tpu.memory_space<vmem>>, vector<1x1x16xi32>,
    %swap3A_295 = arith.constant 79 : i32
    %swap3A_296 = arith.constant 0 : i32
    %swap3A_297 = arith.index_cast %swap3A_295 : i32 to index
    %swap3A_298 = arith.index_cast %swap3A_296 : i32 to index
    %swap3A_299 = arith.constant 80 : index
    %swap3A_300 = tpu.vector_load %arg5[%swap3A_297, %swap3A_298, %swap3A_299] {strides = array<i32>} : memref<80x2x128xi32, #tpu.memory_space<vmem>>, vector<1x1x16xi32>,
    %swap3A_301 = vector.shape_cast %swap3A_300 : vector<1x1x16xi32> to vector<16xi32>
    %swap3A_302 = vector.shape_cast %broadcast_in_dim3A_87 : vector<16xi32> to vector<1x1x16xi32>
    tpu.vector_store %arg5[%swap3A_297, %swap3A_298, %swap3A_299], %swap3A_302 {strides = array<i32>} : memref<80x2x128xi32, #tpu.memory_space<vmem>>, vector<1x1x16xi32>,
    %swap3A_303 = arith.constant 79 : i32
    %swap3A_304 = arith.constant 1 : i32
    %swap3A_305 = arith.index_cast %swap3A_303 : i32 to index
    %swap3A_306 = arith.index_cast %swap3A_304 : i32 to index
    %swap3A_307 = arith.constant 80 : index
    %swap3A_308 = tpu.vector_load %arg5[%swap3A_305, %swap3A_306, %swap3A_307] {strides = array<i32>} : memref<80x2x128xi32, #tpu.memory_space<vmem>>, vector<1x1x16xi32>,
    %swap3A_309 = vector.shape_cast %swap3A_308 : vector<1x1x16xi32> to vector<16xi32>
    %swap3A_310 = vector.shape_cast %broadcast_in_dim3A_85 : vector<16xi32> to vector<1x1x16xi32>
    tpu.vector_store %arg5[%swap3A_305, %swap3A_306, %swap3A_307], %swap3A_310 {strides = array<i32>} : memref<80x2x128xi32, #tpu.memory_space<vmem>>, vector<1x1x16xi32>,
    %swap3A_311 = arith.constant 79 : i32
    %swap3A_312 = arith.constant 0 : i32
    %swap3A_313 = arith.index_cast %swap3A_311 : i32 to index
    %swap3A_314 = arith.index_cast %swap3A_312 : i32 to index
    %swap3A_315 = arith.constant 96 : index
    %swap3A_316 = tpu.vector_load %arg5[%swap3A_313, %swap3A_314, %swap3A_315] {strides = array<i32>} : memref<80x2x128xi32, #tpu.memory_space<vmem>>, vector<1x1x16xi32>,
    %swap3A_317 = vector.shape_cast %swap3A_316 : vector<1x1x16xi32> to vector<16xi32>
    %swap3A_318 = vector.shape_cast %broadcast_in_dim3A_87 : vector<16xi32> to vector<1x1x16xi32>
    tpu.vector_store %arg5[%swap3A_313, %swap3A_314, %swap3A_315], %swap3A_318 {strides = array<i32>} : memref<80x2x128xi32, #tpu.memory_space<vmem>>, vector<1x1x16xi32>,
    %swap3A_319 = arith.constant 79 : i32
    %swap3A_320 = arith.constant 1 : i32
    %swap3A_321 = arith.index_cast %swap3A_319 : i32 to index
    %swap3A_322 = arith.index_cast %swap3A_320 : i32 to index
    %swap3A_323 = arith.constant 96 : index
    %swap3A_324 = tpu.vector_load %arg5[%swap3A_321, %swap3A_322, %swap3A_323] {strides = array<i32>} : memref<80x2x128xi32, #tpu.memory_space<vmem>>, vector<1x1x16xi32>,
    %swap3A_325 = vector.shape_cast %swap3A_324 : vector<1x1x16xi32> to vector<16xi32>
    %swap3A_326 = vector.shape_cast %broadcast_in_dim3A_85 : vector<16xi32> to vector<1x1x16xi32>
    tpu.vector_store %arg5[%swap3A_321, %swap3A_322, %swap3A_323], %swap3A_326 {strides = array<i32>} : memref<80x2x128xi32, #tpu.memory_space<vmem>>, vector<1x1x16xi32>,
    %swap3A_327 = arith.constant 79 : i32
    %swap3A_328 = arith.constant 0 : i32
    %swap3A_329 = arith.index_cast %swap3A_327 : i32 to index
    %swap3A_330 = arith.index_cast %swap3A_328 : i32 to index
    %swap3A_331 = arith.constant 112 : index
    %swap3A_332 = tpu.vector_load %arg5[%swap3A_329, %swap3A_330, %swap3A_331] {strides = array<i32>} : memref<80x2x128xi32, #tpu.memory_space<vmem>>, vector<1x1x16xi32>,
    %swap3A_333 = vector.shape_cast %swap3A_332 : vector<1x1x16xi32> to vector<16xi32>
    %swap3A_334 = vector.shape_cast %broadcast_in_dim3A_87 : vector<16xi32> to vector<1x1x16xi32>
    tpu.vector_store %arg5[%swap3A_329, %swap3A_330, %swap3A_331], %swap3A_334 {strides = array<i32>} : memref<80x2x128xi32, #tpu.memory_space<vmem>>, vector<1x1x16xi32>,
    %swap3A_335 = arith.constant 79 : i32
    %swap3A_336 = arith.constant 1 : i32
    %swap3A_337 = arith.index_cast %swap3A_335 : i32 to index
    %swap3A_338 = arith.index_cast %swap3A_336 : i32 to index
    %swap3A_339 = arith.constant 112 : index
    %swap3A_340 = tpu.vector_load %arg5[%swap3A_337, %swap3A_338, %swap3A_339] {strides = array<i32>} : memref<80x2x128xi32, #tpu.memory_space<vmem>>, vector<1x1x16xi32>,
    %swap3A_341 = vector.shape_cast %swap3A_340 : vector<1x1x16xi32> to vector<16xi32>
    %swap3A_342 = vector.shape_cast %broadcast_in_dim3A_85 : vector<16xi32> to vector<1x1x16xi32>
    tpu.vector_store %arg5[%swap3A_337, %swap3A_338, %swap3A_339], %swap3A_342 {strides = array<i32>} : memref<80x2x128xi32, #tpu.memory_space<vmem>>, vector<1x1x16xi32>,
    %add3A_343 = arith.constant 9984 : i32
    %add3A_344 = arith.addi %mul3A_2, %add3A_343 : i32
    %dma_start3A_345 = arith.constant 78 : i32
    %dma_start3A_346 = arith.constant 0 : i32
    %dma_start3A_347 = arith.constant 0 : i32
    %dma_start3A_348 = tpu.memref_slice %arg5[%dma_start3A_345, %dma_start3A_346, %dma_start3A_347] : memref<80x2x128xi32, #tpu.memory_space<vmem>> -> memref<1x2x16xi32, #tpu.memory_space<vmem>>
    %dma_start3A_349 = tpu.memref_squeeze %dma_start3A_348 : memref<1x2x16xi32, #tpu.memory_space<vmem>> -> memref<2x16xi32, #tpu.memory_space<vmem>>
    %dma_start3A_350 = arith.constant 0 : i32
    %dma_start3A_351 = tpu.memref_slice %arg3[%dma_start3A_350, %add3A_344] : memref<2x320000xi32, #tpu.memory_space<hbm>> -> memref<2x16xi32, #tpu.memory_space<hbm>>
    %dma_start3A_352 = arith.constant 0 : i32
    %dma_start3A_353 = arith.constant 0 : i32
    %dma_start3A_354 = tpu.memref_slice %arg5[%dma_start3A_345, %dma_start3A_352, %dma_start3A_353] : memref<80x2x128xi32, #tpu.memory_space<vmem>> -> memref<1x2x16xi32, #tpu.memory_space<vmem>>
    %dma_start3A_355 = tpu.memref_squeeze %dma_start3A_354 : memref<1x2x16xi32, #tpu.memory_space<vmem>> -> memref<2x16xi32, #tpu.memory_space<vmem>>
    %dma_start3A_356 = arith.constant 0 : i32
    %dma_start3A_357 = tpu.memref_slice %arg3[%dma_start3A_356, %add3A_344] : memref<2x320000xi32, #tpu.memory_space<hbm>> -> memref<2x16xi32, #tpu.memory_space<hbm>>
    tpu.enqueue_dma source(%dma_start3A_357 : memref<2x16xi32, #tpu.memory_space<hbm>>) target(%dma_start3A_355 : memref<2x16xi32, #tpu.memory_space<vmem>>) target_semaphore(%arg20 : memref<!tpu.dma_semaphore, #tpu.memory_space<semaphore_mem>>)
    %scan3A_358 = arith.constant 0 : i32
    %scan3A_359 = arith.constant 0 : i32
    %scan3A_360 = arith.constant 78 : i32
    %scan3A_361 = arith.addi %scan3A_359, %scan3A_360 : i32
    %scan3A_362 = arith.constant 1 : i32
    %scan3A_363 = scf.for %scan3A_473 = %scan3A_359 to %scan3A_361 step %scan3A_362 iter_args(%scan3A_474 = %scan3A_358) -> (i32)  : i32 {
      %mul3A_475 = arith.constant 128 : i32
      %mul3A_476 = arith.muli %scan3A_473, %mul3A_475 : i32
      %add3A_477 = arith.addi %mul3A_2, %mul3A_476 : i32
      %dma_wait3A_478 = arith.constant 0 : i32
      %dma_wait3A_479 = arith.constant 0 : i32
      %dma_wait3A_480 = tpu.memref_slice %arg5[%scan3A_473, %dma_wait3A_478, %dma_wait3A_479] : memref<80x2x128xi32, #tpu.memory_space<vmem>> -> memref<1x2x128xi32, #tpu.memory_space<vmem>>
      %dma_wait3A_481 = tpu.memref_squeeze %dma_wait3A_480 : memref<1x2x128xi32, #tpu.memory_space<vmem>> -> memref<2x128xi32, #tpu.memory_space<vmem>>
      %dma_wait3A_482 = arith.constant 0 : i32
      %dma_wait3A_483 = tpu.memref_slice %arg3[%dma_wait3A_482, %add3A_477] : memref<2x320000xi32, #tpu.memory_space<hbm>> -> memref<2x128xi32, #tpu.memory_space<hbm>>
      %dma_wait3A_484 = arith.constant 0 : i32
      %dma_wait3A_485 = arith.constant 0 : i32
      %dma_wait3A_486 = tpu.memref_slice %arg5[%scan3A_473, %dma_wait3A_484, %dma_wait3A_485] : memref<80x2x128xi32, #tpu.memory_space<vmem>> -> memref<1x2x128xi32, #tpu.memory_space<vmem>>
      %dma_wait3A_487 = tpu.memref_squeeze %dma_wait3A_486 : memref<1x2x128xi32, #tpu.memory_space<vmem>> -> memref<2x128xi32, #tpu.memory_space<vmem>>
      %dma_wait3A_488 = arith.constant 0 : i32
      %dma_wait3A_489 = tpu.memref_slice %arg3[%dma_wait3A_488, %add3A_477] : memref<2x320000xi32, #tpu.memory_space<hbm>> -> memref<2x128xi32, #tpu.memory_space<hbm>>
      tpu.wait_dma2 semaphore(%arg20 : memref<!tpu.dma_semaphore, #tpu.memory_space<semaphore_mem>>) src(%dma_wait3A_489 : memref<2x128xi32, #tpu.memory_space<hbm>>) dst(%dma_wait3A_487 : memref<2x128xi32, #tpu.memory_space<vmem>>)
      %scan3A_490 = arith.constant 0 : i32
      scf.yield %scan3A_490 : i32
    }
    %scan3A_364 = arith.constant 78 : i32
    %add3A_365 = arith.constant 9984 : i32
    %add3A_366 = arith.addi %mul3A_2, %add3A_365 : i32
    %dma_wait3A = arith.constant 78 : i32
    %dma_wait3A_367 = arith.constant 0 : i32
    %dma_wait3A_368 = arith.constant 0 : i32
    %dma_wait3A_369 = tpu.memref_slice %arg5[%dma_wait3A, %dma_wait3A_367, %dma_wait3A_368] : memref<80x2x128xi32, #tpu.memory_space<vmem>> -> memref<1x2x16xi32, #tpu.memory_space<vmem>>
    %dma_wait3A_370 = tpu.memref_squeeze %dma_wait3A_369 : memref<1x2x16xi32, #tpu.memory_space<vmem>> -> memref<2x16xi32, #tpu.memory_space<vmem>>
    %dma_wait3A_371 = arith.constant 0 : i32
    %dma_wait3A_372 = tpu.memref_slice %arg3[%dma_wait3A_371, %add3A_366] : memref<2x320000xi32, #tpu.memory_space<hbm>> -> memref<2x16xi32, #tpu.memory_space<hbm>>
    %dma_wait3A_373 = arith.constant 0 : i32
    %dma_wait3A_374 = arith.constant 0 : i32
    %dma_wait3A_375 = tpu.memref_slice %arg5[%dma_wait3A, %dma_wait3A_373, %dma_wait3A_374] : memref<80x2x128xi32, #tpu.memory_space<vmem>> -> memref<1x2x16xi32, #tpu.memory_space<vmem>>
    %dma_wait3A_376 = tpu.memref_squeeze %dma_wait3A_375 : memref<1x2x16xi32, #tpu.memory_space<vmem>> -> memref<2x16xi32, #tpu.memory_space<vmem>>
    %dma_wait3A_377 = arith.constant 0 : i32
    %dma_wait3A_378 = tpu.memref_slice %arg3[%dma_wait3A_377, %add3A_366] : memref<2x320000xi32, #tpu.memory_space<hbm>> -> memref<2x16xi32, #tpu.memory_space<hbm>>
    tpu.wait_dma2 semaphore(%arg20 : memref<!tpu.dma_semaphore, #tpu.memory_space<semaphore_mem>>) src(%dma_wait3A_378 : memref<2x16xi32, #tpu.memory_space<hbm>>) dst(%dma_wait3A_376 : memref<2x16xi32, #tpu.memory_space<vmem>>)
    %dma_wait3A_379 = arith.constant 0 : i32
    %dma_wait3A_380 = tpu.memref_slice %arg10[%mul3A_10, %dma_wait3A_379] : memref<10000x48xf32, #tpu.memory_space<vmem_shared>> -> memref<625x48xf32, #tpu.memory_space<vmem_shared>>
    %dma_wait3A_381 = arith.constant 0 : i32
    %dma_wait3A_382 = tpu.memref_slice %arg2[%mul3A_10, %dma_wait3A_381] : memref<10000x48xf32, #tpu.memory_space<hbm>> -> memref<625x48xf32, #tpu.memory_space<hbm>>
    tpu.wait_dma2 semaphore(%arg13 : memref<!tpu.dma_semaphore, #tpu.memory_space<semaphore_mem>>) src(%dma_wait3A_382 : memref<625x48xf32, #tpu.memory_space<hbm>>) dst(%dma_wait3A_380 : memref<625x48xf32, #tpu.memory_space<vmem_shared>>)
    %dma_wait3A_383 = arith.constant 0 : i32
    %dma_wait3A_384 = arith.constant 0 : i32
    %dma_wait3A_385 = tpu.memref_slice %arg6[%dma_wait3A_383, %dma_wait3A_384] : memref<128x48xf32, #tpu.memory_space<vmem>> -> memref<128x48xf32, #tpu.memory_space<vmem>>
    %dma_wait3A_386 = arith.constant 0 : i32
    %dma_wait3A_387 = tpu.memref_slice %arg11[%add3A_25, %dma_wait3A_386] : memref<10112x48xf32, #tpu.memory_space<vmem_shared>> -> memref<128x48xf32, #tpu.memory_space<vmem_shared>>
    %dma_wait3A_388 = arith.constant 0 : i32
    %dma_wait3A_389 = tpu.memref_slice %arg11[%add3A_25, %dma_wait3A_388] : memref<10112x48xf32, #tpu.memory_space<vmem_shared>> -> memref<128x48xf32, #tpu.memory_space<vmem_shared>>
    %dma_wait3A_390 = arith.constant 0 : i32
    %dma_wait3A_391 = arith.constant 0 : i32
    %dma_wait3A_392 = tpu.memref_slice %arg6[%dma_wait3A_390, %dma_wait3A_391] : memref<128x48xf32, #tpu.memory_space<vmem>> -> memref<128x48xf32, #tpu.memory_space<vmem>>
    tpu.wait_dma2 semaphore(%arg16 : memref<!tpu.dma_semaphore, #tpu.memory_space<semaphore_mem>>) src(%dma_wait3A_392 : memref<128x48xf32, #tpu.memory_space<vmem>>) dst(%dma_wait3A_389 : memref<128x48xf32, #tpu.memory_space<vmem_shared>>)
    %dma_wait3A_393 = arith.constant 0 : i32
    %dma_wait3A_394 = arith.constant 0 : i32
    %dma_wait3A_395 = tpu.memref_slice %arg6[%dma_wait3A_393, %dma_wait3A_394] : memref<128x48xf32, #tpu.memory_space<vmem>> -> memref<128x48xf32, #tpu.memory_space<vmem>>
    %dma_wait3A_396 = arith.constant 0 : i32
    %dma_wait3A_397 = tpu.memref_slice %arg11[%add3A_37, %dma_wait3A_396] : memref<10112x48xf32, #tpu.memory_space<vmem_shared>> -> memref<128x48xf32, #tpu.memory_space<vmem_shared>>
    %dma_wait3A_398 = arith.constant 0 : i32
    %dma_wait3A_399 = tpu.memref_slice %arg11[%add3A_37, %dma_wait3A_398] : memref<10112x48xf32, #tpu.memory_space<vmem_shared>> -> memref<128x48xf32, #tpu.memory_space<vmem_shared>>
    %dma_wait3A_400 = arith.constant 0 : i32
    %dma_wait3A_401 = arith.constant 0 : i32
    %dma_wait3A_402 = tpu.memref_slice %arg6[%dma_wait3A_400, %dma_wait3A_401] : memref<128x48xf32, #tpu.memory_space<vmem>> -> memref<128x48xf32, #tpu.memory_space<vmem>>
    tpu.wait_dma2 semaphore(%arg17 : memref<!tpu.dma_semaphore, #tpu.memory_space<semaphore_mem>>) src(%dma_wait3A_402 : memref<128x48xf32, #tpu.memory_space<vmem>>) dst(%dma_wait3A_399 : memref<128x48xf32, #tpu.memory_space<vmem_shared>>)
    %dma_wait3A_403 = arith.constant 0 : i32
    %dma_wait3A_404 = arith.constant 0 : i32
    %dma_wait3A_405 = tpu.memref_slice %arg6[%dma_wait3A_403, %dma_wait3A_404] : memref<128x48xf32, #tpu.memory_space<vmem>> -> memref<128x48xf32, #tpu.memory_space<vmem>>
    %dma_wait3A_406 = arith.constant 0 : i32
    %dma_wait3A_407 = tpu.memref_slice %arg11[%add3A_49, %dma_wait3A_406] : memref<10112x48xf32, #tpu.memory_space<vmem_shared>> -> memref<128x48xf32, #tpu.memory_space<vmem_shared>>
    %dma_wait3A_408 = arith.constant 0 : i32
    %dma_wait3A_409 = tpu.memref_slice %arg11[%add3A_49, %dma_wait3A_408] : memref<10112x48xf32, #tpu.memory_space<vmem_shared>> -> memref<128x48xf32, #tpu.memory_space<vmem_shared>>
    %dma_wait3A_410 = arith.constant 0 : i32
    %dma_wait3A_411 = arith.constant 0 : i32
    %dma_wait3A_412 = tpu.memref_slice %arg6[%dma_wait3A_410, %dma_wait3A_411] : memref<128x48xf32, #tpu.memory_space<vmem>> -> memref<128x48xf32, #tpu.memory_space<vmem>>
    tpu.wait_dma2 semaphore(%arg18 : memref<!tpu.dma_semaphore, #tpu.memory_space<semaphore_mem>>) src(%dma_wait3A_412 : memref<128x48xf32, #tpu.memory_space<vmem>>) dst(%dma_wait3A_409 : memref<128x48xf32, #tpu.memory_space<vmem_shared>>)
    %dma_wait3A_413 = arith.constant 0 : i32
    %dma_wait3A_414 = arith.constant 0 : i32
    %dma_wait3A_415 = tpu.memref_slice %arg6[%dma_wait3A_413, %dma_wait3A_414] : memref<128x48xf32, #tpu.memory_space<vmem>> -> memref<128x48xf32, #tpu.memory_space<vmem>>
    %dma_wait3A_416 = arith.constant 0 : i32
    %dma_wait3A_417 = tpu.memref_slice %arg11[%add3A_61, %dma_wait3A_416] : memref<10112x48xf32, #tpu.memory_space<vmem_shared>> -> memref<128x48xf32, #tpu.memory_space<vmem_shared>>
    %dma_wait3A_418 = arith.constant 0 : i32
    %dma_wait3A_419 = tpu.memref_slice %arg11[%add3A_61, %dma_wait3A_418] : memref<10112x48xf32, #tpu.memory_space<vmem_shared>> -> memref<128x48xf32, #tpu.memory_space<vmem_shared>>
    %dma_wait3A_420 = arith.constant 0 : i32
    %dma_wait3A_421 = arith.constant 0 : i32
    %dma_wait3A_422 = tpu.memref_slice %arg6[%dma_wait3A_420, %dma_wait3A_421] : memref<128x48xf32, #tpu.memory_space<vmem>> -> memref<128x48xf32, #tpu.memory_space<vmem>>
    tpu.wait_dma2 semaphore(%arg19 : memref<!tpu.dma_semaphore, #tpu.memory_space<semaphore_mem>>) src(%dma_wait3A_422 : memref<128x48xf32, #tpu.memory_space<vmem>>) dst(%dma_wait3A_419 : memref<128x48xf32, #tpu.memory_space<vmem_shared>>)
    %dma_wait3A_423 = arith.constant 0 : i32
    %dma_wait3A_424 = arith.constant 0 : i32
    %dma_wait3A_425 = tpu.memref_slice %arg6[%dma_wait3A_423, %dma_wait3A_424] : memref<128x48xf32, #tpu.memory_space<vmem>> -> memref<120x48xf32, #tpu.memory_space<vmem>>
    %dma_wait3A_426 = arith.constant 0 : i32
    %dma_wait3A_427 = tpu.memref_slice %arg11[%add3A_73, %dma_wait3A_426] : memref<10112x48xf32, #tpu.memory_space<vmem_shared>> -> memref<120x48xf32, #tpu.memory_space<vmem_shared>>
    %dma_wait3A_428 = arith.constant 0 : i32
    %dma_wait3A_429 = tpu.memref_slice %arg11[%add3A_73, %dma_wait3A_428] : memref<10112x48xf32, #tpu.memory_space<vmem_shared>> -> memref<120x48xf32, #tpu.memory_space<vmem_shared>>
    %dma_wait3A_430 = arith.constant 0 : i32
    %dma_wait3A_431 = arith.constant 0 : i32
    %dma_wait3A_432 = tpu.memref_slice %arg6[%dma_wait3A_430, %dma_wait3A_431] : memref<128x48xf32, #tpu.memory_space<vmem>> -> memref<120x48xf32, #tpu.memory_space<vmem>>
    tpu.wait_dma2 semaphore(%arg16 : memref<!tpu.dma_semaphore, #tpu.memory_space<semaphore_mem>>) src(%dma_wait3A_432 : memref<120x48xf32, #tpu.memory_space<vmem>>) dst(%dma_wait3A_429 : memref<120x48xf32, #tpu.memory_space<vmem_shared>>)
    %barrier3A = arith.constant 0 : index
    tpu.barrier barrier_id(%barrier3A)
    %dma_start3A_433 = arith.constant 0 : i32
    %dma_start3A_434 = arith.constant 0 : i32
    %dma_start3A_435 = arith.constant 0 : i32
    %dma_start3A_436 = tpu.memref_slice %arg5[%dma_start3A_433, %dma_start3A_434, %dma_start3A_435] : memref<80x2x128xi32, #tpu.memory_space<vmem>> -> memref<1x1x128xi32, #tpu.memory_space<vmem>>
    %dma_start3A_437 = tpu.memref_squeeze %dma_start3A_436 : memref<1x1x128xi32, #tpu.memory_space<vmem>> -> memref<128xi32, #tpu.memory_space<vmem>>
    %dma_start3A_438 = arith.constant 0 : i32
    %dma_start3A_439 = arith.constant 0 : i32
    %dma_start3A_440 = tpu.memref_slice %arg10[%dma_start3A_438, %dma_start3A_439] : memref<10000x48xf32, #tpu.memory_space<vmem_shared>> -> memref<10000x48xf32, #tpu.memory_space<vmem_shared>>
    tpu.enqueue_indirect_dma source(%dma_start3A_440 : memref<10000x48xf32, #tpu.memory_space<vmem_shared>>) target(%arg6 : memref<128x48xf32, #tpu.memory_space<vmem>>) offsets(%dma_start3A_437 : memref<128xi32, #tpu.memory_space<vmem>>) semaphore(%arg12 : memref<!tpu.dma_semaphore, #tpu.memory_space<semaphore_mem>>)
    %dma_start3A_441 = arith.constant 1 : i32
    %dma_start3A_442 = arith.constant 0 : i32
    %dma_start3A_443 = arith.constant 0 : i32
    %dma_start3A_444 = tpu.memref_slice %arg5[%dma_start3A_441, %dma_start3A_442, %dma_start3A_443] : memref<80x2x128xi32, #tpu.memory_space<vmem>> -> memref<1x1x128xi32, #tpu.memory_space<vmem>>
    %dma_start3A_445 = tpu.memref_squeeze %dma_start3A_444 : memref<1x1x128xi32, #tpu.memory_space<vmem>> -> memref<128xi32, #tpu.memory_space<vmem>>
    %dma_start3A_446 = arith.constant 0 : i32
    %dma_start3A_447 = arith.constant 0 : i32
    %dma_start3A_448 = tpu.memref_slice %arg10[%dma_start3A_446, %dma_start3A_447] : memref<10000x48xf32, #tpu.memory_space<vmem_shared>> -> memref<10000x48xf32, #tpu.memory_space<vmem_shared>>
    tpu.enqueue_indirect_dma source(%dma_start3A_448 : memref<10000x48xf32, #tpu.memory_space<vmem_shared>>) target(%arg7 : memref<128x48xf32, #tpu.memory_space<vmem>>) offsets(%dma_start3A_445 : memref<128xi32, #tpu.memory_space<vmem>>) semaphore(%arg13 : memref<!tpu.dma_semaphore, #tpu.memory_space<semaphore_mem>>)
    %scan3A_449 = arith.constant 0 : i32
    %scan3A_450 = arith.constant 0 : i32
    %scan3A_451 = arith.constant 20 : i32
    %scan3A_452 = arith.addi %scan3A_450, %scan3A_451 : i32
    %scan3A_453 = arith.constant 1 : i32
    %scan3A_454 = scf.for %scan3A_473 = %scan3A_450 to %scan3A_452 step %scan3A_453 iter_args(%scan3A_474 = %scan3A_449) -> (i32)  : i32 {
      %mul3A_475 = arith.constant 4 : i32
      %mul3A_476 = arith.muli %mul3A_475, %scan3A_473 : i32
      %add3A_477 = arith.constant 0 : i32
      %add3A_478 = arith.addi %mul3A_476, %add3A_477 : i32
      %dma_wait3A_479 = arith.constant 0 : i32
      %dma_wait3A_480 = arith.constant 0 : i32
      %dma_wait3A_481 = tpu.memref_slice %arg5[%add3A_478, %dma_wait3A_479, %dma_wait3A_480] : memref<80x2x128xi32, #tpu.memory_space<vmem>> -> memref<1x1x128xi32, #tpu.memory_space<vmem>>
      %dma_wait3A_482 = tpu.memref_squeeze %dma_wait3A_481 : memref<1x1x128xi32, #tpu.memory_space<vmem>> -> memref<128xi32, #tpu.memory_space<vmem>>
      %dma_wait3A_483 = arith.constant 0 : i32
      %dma_wait3A_484 = arith.constant 0 : i32
      %dma_wait3A_485 = tpu.memref_slice %arg10[%dma_wait3A_483, %dma_wait3A_484] : memref<10000x48xf32, #tpu.memory_space<vmem_shared>> -> memref<10000x48xf32, #tpu.memory_space<vmem_shared>>
      tpu.wait_indirect_dma semaphore(%arg12 : memref<!tpu.dma_semaphore, #tpu.memory_space<semaphore_mem>>) src(%dma_wait3A_485 : memref<10000x48xf32, #tpu.memory_space<vmem_shared>>) dst(%arg6 : memref<128x48xf32, #tpu.memory_space<vmem>>)
      %dma_start3A_486 = arith.constant 1 : i32
      %dma_start3A_487 = arith.constant 0 : i32
      %dma_start3A_488 = tpu.memref_slice %arg5[%add3A_478, %dma_start3A_486, %dma_start3A_487] : memref<80x2x128xi32, #tpu.memory_space<vmem>> -> memref<1x1x128xi32, #tpu.memory_space<vmem>>
      %dma_start3A_489 = tpu.memref_squeeze %dma_start3A_488 : memref<1x1x128xi32, #tpu.memory_space<vmem>> -> memref<128xi32, #tpu.memory_space<vmem>>
      %dma_start3A_490 = arith.constant 0 : i32
      %dma_start3A_491 = arith.constant 0 : i32
      %dma_start3A_492 = tpu.memref_slice %arg11[%dma_start3A_490, %dma_start3A_491] : memref<10112x48xf32, #tpu.memory_space<vmem_shared>> -> memref<10112x48xf32, #tpu.memory_space<vmem_shared>>
      tpu.enqueue_indirect_dma source(%arg6 : memref<128x48xf32, #tpu.memory_space<vmem>>) target(%dma_start3A_492 : memref<10112x48xf32, #tpu.memory_space<vmem_shared>>) offsets(%dma_start3A_489 : memref<128xi32, #tpu.memory_space<vmem>>) semaphore(%arg16 : memref<!tpu.dma_semaphore, #tpu.memory_space<semaphore_mem>>) {add = true}
      %sub3A = arith.constant 2 : i32
      %sub3A_493 = arith.subi %add3A_478, %sub3A : i32
      %ge3A = arith.constant 0 : i32
      %ge3A_494 = arith.cmpi sge, %sub3A_493, %ge3A : i32
      %convert_element_type3A = arith.extui %ge3A_494 : i1 to i32
      %cond3A = arith.constant 0 : i32
      %cond3A_495 = arith.cmpi ne, %convert_element_type3A, %cond3A : i32
      scf.if %cond3A_495 {
        %dma_wait3A_599 = arith.constant 1 : i32
        %dma_wait3A_600 = arith.constant 0 : i32
        %dma_wait3A_601 = tpu.memref_slice %arg5[%sub3A_493, %dma_wait3A_599, %dma_wait3A_600] : memref<80x2x128xi32, #tpu.memory_space<vmem>> -> memref<1x1x128xi32, #tpu.memory_space<vmem>>
        %dma_wait3A_602 = tpu.memref_squeeze %dma_wait3A_601 : memref<1x1x128xi32, #tpu.memory_space<vmem>> -> memref<128xi32, #tpu.memory_space<vmem>>
        %dma_wait3A_603 = arith.constant 0 : i32
        %dma_wait3A_604 = arith.constant 0 : i32
        %dma_wait3A_605 = tpu.memref_slice %arg11[%dma_wait3A_603, %dma_wait3A_604] : memref<10112x48xf32, #tpu.memory_space<vmem_shared>> -> memref<10112x48xf32, #tpu.memory_space<vmem_shared>>
        tpu.wait_indirect_dma semaphore(%arg18 : memref<!tpu.dma_semaphore, #tpu.memory_space<semaphore_mem>>) src(%arg8 : memref<128x48xf32, #tpu.memory_space<vmem>>) dst(%dma_wait3A_605 : memref<10112x48xf32, #tpu.memory_space<vmem_shared>>)
      } else {
      }
      %add3A_496 = arith.constant 2 : i32
      %add3A_497 = arith.addi %add3A_478, %add3A_496 : i32
      %lt3A = arith.constant 80 : i32
      %lt3A_498 = arith.cmpi slt, %add3A_497, %lt3A : i32
      %convert_element_type3A_499 = arith.extui %lt3A_498 : i1 to i32
      %cond3A_500 = arith.constant 0 : i32
      %cond3A_501 = arith.cmpi ne, %convert_element_type3A_499, %cond3A_500 : i32
      scf.if %cond3A_501 {
        %add3A_599 = arith.constant 2 : i32
        %add3A_600 = arith.addi %add3A_478, %add3A_599 : i32
        %dma_start3A_601 = arith.constant 0 : i32
        %dma_start3A_602 = arith.constant 0 : i32
        %dma_start3A_603 = tpu.memref_slice %arg5[%add3A_600, %dma_start3A_601, %dma_start3A_602] : memref<80x2x128xi32, #tpu.memory_space<vmem>> -> memref<1x1x128xi32, #tpu.memory_space<vmem>>
        %dma_start3A_604 = tpu.memref_squeeze %dma_start3A_603 : memref<1x1x128xi32, #tpu.memory_space<vmem>> -> memref<128xi32, #tpu.memory_space<vmem>>
        %dma_start3A_605 = arith.constant 0 : i32
        %dma_start3A_606 = arith.constant 0 : i32
        %dma_start3A_607 = tpu.memref_slice %arg10[%dma_start3A_605, %dma_start3A_606] : memref<10000x48xf32, #tpu.memory_space<vmem_shared>> -> memref<10000x48xf32, #tpu.memory_space<vmem_shared>>
        tpu.enqueue_indirect_dma source(%dma_start3A_607 : memref<10000x48xf32, #tpu.memory_space<vmem_shared>>) target(%arg8 : memref<128x48xf32, #tpu.memory_space<vmem>>) offsets(%dma_start3A_604 : memref<128xi32, #tpu.memory_space<vmem>>) semaphore(%arg14 : memref<!tpu.dma_semaphore, #tpu.memory_space<semaphore_mem>>)
      } else {
      }
      %mul3A_502 = arith.constant 4 : i32
      %mul3A_503 = arith.muli %mul3A_502, %scan3A_473 : i32
      %add3A_504 = arith.constant 1 : i32
      %add3A_505 = arith.addi %mul3A_503, %add3A_504 : i32
      %dma_wait3A_506 = arith.constant 0 : i32
      %dma_wait3A_507 = arith.constant 0 : i32
      %dma_wait3A_508 = tpu.memref_slice %arg5[%add3A_505, %dma_wait3A_506, %dma_wait3A_507] : memref<80x2x128xi32, #tpu.memory_space<vmem>> -> memref<1x1x128xi32, #tpu.memory_space<vmem>>
      %dma_wait3A_509 = tpu.memref_squeeze %dma_wait3A_508 : memref<1x1x128xi32, #tpu.memory_space<vmem>> -> memref<128xi32, #tpu.memory_space<vmem>>
      %dma_wait3A_510 = arith.constant 0 : i32
      %dma_wait3A_511 = arith.constant 0 : i32
      %dma_wait3A_512 = tpu.memref_slice %arg10[%dma_wait3A_510, %dma_wait3A_511] : memref<10000x48xf32, #tpu.memory_space<vmem_shared>> -> memref<10000x48xf32, #tpu.memory_space<vmem_shared>>
      tpu.wait_indirect_dma semaphore(%arg13 : memref<!tpu.dma_semaphore, #tpu.memory_space<semaphore_mem>>) src(%dma_wait3A_512 : memref<10000x48xf32, #tpu.memory_space<vmem_shared>>) dst(%arg7 : memref<128x48xf32, #tpu.memory_space<vmem>>)
      %dma_start3A_513 = arith.constant 1 : i32
      %dma_start3A_514 = arith.constant 0 : i32
      %dma_start3A_515 = tpu.memref_slice %arg5[%add3A_505, %dma_start3A_513, %dma_start3A_514] : memref<80x2x128xi32, #tpu.memory_space<vmem>> -> memref<1x1x128xi32, #tpu.memory_space<vmem>>
      %dma_start3A_516 = tpu.memref_squeeze %dma_start3A_515 : memref<1x1x128xi32, #tpu.memory_space<vmem>> -> memref<128xi32, #tpu.memory_space<vmem>>
      %dma_start3A_517 = arith.constant 0 : i32
      %dma_start3A_518 = arith.constant 0 : i32
      %dma_start3A_519 = tpu.memref_slice %arg11[%dma_start3A_517, %dma_start3A_518] : memref<10112x48xf32, #tpu.memory_space<vmem_shared>> -> memref<10112x48xf32, #tpu.memory_space<vmem_shared>>
      tpu.enqueue_indirect_dma source(%arg7 : memref<128x48xf32, #tpu.memory_space<vmem>>) target(%dma_start3A_519 : memref<10112x48xf32, #tpu.memory_space<vmem_shared>>) offsets(%dma_start3A_516 : memref<128xi32, #tpu.memory_space<vmem>>) semaphore(%arg17 : memref<!tpu.dma_semaphore, #tpu.memory_space<semaphore_mem>>) {add = true}
      %sub3A_520 = arith.constant 2 : i32
      %sub3A_521 = arith.subi %add3A_505, %sub3A_520 : i32
      %ge3A_522 = arith.constant 0 : i32
      %ge3A_523 = arith.cmpi sge, %sub3A_521, %ge3A_522 : i32
      %convert_element_type3A_524 = arith.extui %ge3A_523 : i1 to i32
      %cond3A_525 = arith.constant 0 : i32
      %cond3A_526 = arith.cmpi ne, %convert_element_type3A_524, %cond3A_525 : i32
      scf.if %cond3A_526 {
        %dma_wait3A_599 = arith.constant 1 : i32
        %dma_wait3A_600 = arith.constant 0 : i32
        %dma_wait3A_601 = tpu.memref_slice %arg5[%sub3A_521, %dma_wait3A_599, %dma_wait3A_600] : memref<80x2x128xi32, #tpu.memory_space<vmem>> -> memref<1x1x128xi32, #tpu.memory_space<vmem>>
        %dma_wait3A_602 = tpu.memref_squeeze %dma_wait3A_601 : memref<1x1x128xi32, #tpu.memory_space<vmem>> -> memref<128xi32, #tpu.memory_space<vmem>>
        %dma_wait3A_603 = arith.constant 0 : i32
        %dma_wait3A_604 = arith.constant 0 : i32
        %dma_wait3A_605 = tpu.memref_slice %arg11[%dma_wait3A_603, %dma_wait3A_604] : memref<10112x48xf32, #tpu.memory_space<vmem_shared>> -> memref<10112x48xf32, #tpu.memory_space<vmem_shared>>
        tpu.wait_indirect_dma semaphore(%arg19 : memref<!tpu.dma_semaphore, #tpu.memory_space<semaphore_mem>>) src(%arg9 : memref<128x48xf32, #tpu.memory_space<vmem>>) dst(%dma_wait3A_605 : memref<10112x48xf32, #tpu.memory_space<vmem_shared>>)
      } else {
      }
      %add3A_527 = arith.constant 2 : i32
      %add3A_528 = arith.addi %add3A_505, %add3A_527 : i32
      %lt3A_529 = arith.constant 80 : i32
      %lt3A_530 = arith.cmpi slt, %add3A_528, %lt3A_529 : i32
      %convert_element_type3A_531 = arith.extui %lt3A_530 : i1 to i32
      %cond3A_532 = arith.constant 0 : i32
      %cond3A_533 = arith.cmpi ne, %convert_element_type3A_531, %cond3A_532 : i32
      scf.if %cond3A_533 {
        %add3A_599 = arith.constant 2 : i32
        %add3A_600 = arith.addi %add3A_505, %add3A_599 : i32
        %dma_start3A_601 = arith.constant 0 : i32
        %dma_start3A_602 = arith.constant 0 : i32
        %dma_start3A_603 = tpu.memref_slice %arg5[%add3A_600, %dma_start3A_601, %dma_start3A_602] : memref<80x2x128xi32, #tpu.memory_space<vmem>> -> memref<1x1x128xi32, #tpu.memory_space<vmem>>
        %dma_start3A_604 = tpu.memref_squeeze %dma_start3A_603 : memref<1x1x128xi32, #tpu.memory_space<vmem>> -> memref<128xi32, #tpu.memory_space<vmem>>
        %dma_start3A_605 = arith.constant 0 : i32
        %dma_start3A_606 = arith.constant 0 : i32
        %dma_start3A_607 = tpu.memref_slice %arg10[%dma_start3A_605, %dma_start3A_606] : memref<10000x48xf32, #tpu.memory_space<vmem_shared>> -> memref<10000x48xf32, #tpu.memory_space<vmem_shared>>
        tpu.enqueue_indirect_dma source(%dma_start3A_607 : memref<10000x48xf32, #tpu.memory_space<vmem_shared>>) target(%arg9 : memref<128x48xf32, #tpu.memory_space<vmem>>) offsets(%dma_start3A_604 : memref<128xi32, #tpu.memory_space<vmem>>) semaphore(%arg15 : memref<!tpu.dma_semaphore, #tpu.memory_space<semaphore_mem>>)
      } else {
      }
      %mul3A_534 = arith.constant 4 : i32
      %mul3A_535 = arith.muli %mul3A_534, %scan3A_473 : i32
      %add3A_536 = arith.constant 2 : i32
      %add3A_537 = arith.addi %mul3A_535, %add3A_536 : i32
      %dma_wait3A_538 = arith.constant 0 : i32
      %dma_wait3A_539 = arith.constant 0 : i32
      %dma_wait3A_540 = tpu.memref_slice %arg5[%add3A_537, %dma_wait3A_538, %dma_wait3A_539] : memref<80x2x128xi32, #tpu.memory_space<vmem>> -> memref<1x1x128xi32, #tpu.memory_space<vmem>>
      %dma_wait3A_541 = tpu.memref_squeeze %dma_wait3A_540 : memref<1x1x128xi32, #tpu.memory_space<vmem>> -> memref<128xi32, #tpu.memory_space<vmem>>
      %dma_wait3A_542 = arith.constant 0 : i32
      %dma_wait3A_543 = arith.constant 0 : i32
      %dma_wait3A_544 = tpu.memref_slice %arg10[%dma_wait3A_542, %dma_wait3A_543] : memref<10000x48xf32, #tpu.memory_space<vmem_shared>> -> memref<10000x48xf32, #tpu.memory_space<vmem_shared>>
      tpu.wait_indirect_dma semaphore(%arg14 : memref<!tpu.dma_semaphore, #tpu.memory_space<semaphore_mem>>) src(%dma_wait3A_544 : memref<10000x48xf32, #tpu.memory_space<vmem_shared>>) dst(%arg8 : memref<128x48xf32, #tpu.memory_space<vmem>>)
      %dma_start3A_545 = arith.constant 1 : i32
      %dma_start3A_546 = arith.constant 0 : i32
      %dma_start3A_547 = tpu.memref_slice %arg5[%add3A_537, %dma_start3A_545, %dma_start3A_546] : memref<80x2x128xi32, #tpu.memory_space<vmem>> -> memref<1x1x128xi32, #tpu.memory_space<vmem>>
      %dma_start3A_548 = tpu.memref_squeeze %dma_start3A_547 : memref<1x1x128xi32, #tpu.memory_space<vmem>> -> memref<128xi32, #tpu.memory_space<vmem>>
      %dma_start3A_549 = arith.constant 0 : i32
      %dma_start3A_550 = arith.constant 0 : i32
      %dma_start3A_551 = tpu.memref_slice %arg11[%dma_start3A_549, %dma_start3A_550] : memref<10112x48xf32, #tpu.memory_space<vmem_shared>> -> memref<10112x48xf32, #tpu.memory_space<vmem_shared>>
      tpu.enqueue_indirect_dma source(%arg8 : memref<128x48xf32, #tpu.memory_space<vmem>>) target(%dma_start3A_551 : memref<10112x48xf32, #tpu.memory_space<vmem_shared>>) offsets(%dma_start3A_548 : memref<128xi32, #tpu.memory_space<vmem>>) semaphore(%arg18 : memref<!tpu.dma_semaphore, #tpu.memory_space<semaphore_mem>>) {add = true}
      %sub3A_552 = arith.constant 2 : i32
      %sub3A_553 = arith.subi %add3A_537, %sub3A_552 : i32
      %ge3A_554 = arith.constant 0 : i32
      %ge3A_555 = arith.cmpi sge, %sub3A_553, %ge3A_554 : i32
      %convert_element_type3A_556 = arith.extui %ge3A_555 : i1 to i32
      %cond3A_557 = arith.constant 0 : i32
      %cond3A_558 = arith.cmpi ne, %convert_element_type3A_556, %cond3A_557 : i32
      scf.if %cond3A_558 {
        %dma_wait3A_599 = arith.constant 1 : i32
        %dma_wait3A_600 = arith.constant 0 : i32
        %dma_wait3A_601 = tpu.memref_slice %arg5[%sub3A_553, %dma_wait3A_599, %dma_wait3A_600] : memref<80x2x128xi32, #tpu.memory_space<vmem>> -> memref<1x1x128xi32, #tpu.memory_space<vmem>>
        %dma_wait3A_602 = tpu.memref_squeeze %dma_wait3A_601 : memref<1x1x128xi32, #tpu.memory_space<vmem>> -> memref<128xi32, #tpu.memory_space<vmem>>
        %dma_wait3A_603 = arith.constant 0 : i32
        %dma_wait3A_604 = arith.constant 0 : i32
        %dma_wait3A_605 = tpu.memref_slice %arg11[%dma_wait3A_603, %dma_wait3A_604] : memref<10112x48xf32, #tpu.memory_space<vmem_shared>> -> memref<10112x48xf32, #tpu.memory_space<vmem_shared>>
        tpu.wait_indirect_dma semaphore(%arg16 : memref<!tpu.dma_semaphore, #tpu.memory_space<semaphore_mem>>) src(%arg6 : memref<128x48xf32, #tpu.memory_space<vmem>>) dst(%dma_wait3A_605 : memref<10112x48xf32, #tpu.memory_space<vmem_shared>>)
      } else {
      }
      %add3A_559 = arith.constant 2 : i32
      %add3A_560 = arith.addi %add3A_537, %add3A_559 : i32
      %lt3A_561 = arith.constant 80 : i32
      %lt3A_562 = arith.cmpi slt, %add3A_560, %lt3A_561 : i32
      %convert_element_type3A_563 = arith.extui %lt3A_562 : i1 to i32
      %cond3A_564 = arith.constant 0 : i32
      %cond3A_565 = arith.cmpi ne, %convert_element_type3A_563, %cond3A_564 : i32
      scf.if %cond3A_565 {
        %add3A_599 = arith.constant 2 : i32
        %add3A_600 = arith.addi %add3A_537, %add3A_599 : i32
        %dma_start3A_601 = arith.constant 0 : i32
        %dma_start3A_602 = arith.constant 0 : i32
        %dma_start3A_603 = tpu.memref_slice %arg5[%add3A_600, %dma_start3A_601, %dma_start3A_602] : memref<80x2x128xi32, #tpu.memory_space<vmem>> -> memref<1x1x128xi32, #tpu.memory_space<vmem>>
        %dma_start3A_604 = tpu.memref_squeeze %dma_start3A_603 : memref<1x1x128xi32, #tpu.memory_space<vmem>> -> memref<128xi32, #tpu.memory_space<vmem>>
        %dma_start3A_605 = arith.constant 0 : i32
        %dma_start3A_606 = arith.constant 0 : i32
        %dma_start3A_607 = tpu.memref_slice %arg10[%dma_start3A_605, %dma_start3A_606] : memref<10000x48xf32, #tpu.memory_space<vmem_shared>> -> memref<10000x48xf32, #tpu.memory_space<vmem_shared>>
        tpu.enqueue_indirect_dma source(%dma_start3A_607 : memref<10000x48xf32, #tpu.memory_space<vmem_shared>>) target(%arg6 : memref<128x48xf32, #tpu.memory_space<vmem>>) offsets(%dma_start3A_604 : memref<128xi32, #tpu.memory_space<vmem>>) semaphore(%arg12 : memref<!tpu.dma_semaphore, #tpu.memory_space<semaphore_mem>>)
      } else {
      }
      %mul3A_566 = arith.constant 4 : i32
      %mul3A_567 = arith.muli %mul3A_566, %scan3A_473 : i32
      %add3A_568 = arith.constant 3 : i32
      %add3A_569 = arith.addi %mul3A_567, %add3A_568 : i32
      %dma_wait3A_570 = arith.constant 0 : i32
      %dma_wait3A_571 = arith.constant 0 : i32
      %dma_wait3A_572 = tpu.memref_slice %arg5[%add3A_569, %dma_wait3A_570, %dma_wait3A_571] : memref<80x2x128xi32, #tpu.memory_space<vmem>> -> memref<1x1x128xi32, #tpu.memory_space<vmem>>
      %dma_wait3A_573 = tpu.memref_squeeze %dma_wait3A_572 : memref<1x1x128xi32, #tpu.memory_space<vmem>> -> memref<128xi32, #tpu.memory_space<vmem>>
      %dma_wait3A_574 = arith.constant 0 : i32
      %dma_wait3A_575 = arith.constant 0 : i32
      %dma_wait3A_576 = tpu.memref_slice %arg10[%dma_wait3A_574, %dma_wait3A_575] : memref<10000x48xf32, #tpu.memory_space<vmem_shared>> -> memref<10000x48xf32, #tpu.memory_space<vmem_shared>>
      tpu.wait_indirect_dma semaphore(%arg15 : memref<!tpu.dma_semaphore, #tpu.memory_space<semaphore_mem>>) src(%dma_wait3A_576 : memref<10000x48xf32, #tpu.memory_space<vmem_shared>>) dst(%arg9 : memref<128x48xf32, #tpu.memory_space<vmem>>)
      %dma_start3A_577 = arith.constant 1 : i32
      %dma_start3A_578 = arith.constant 0 : i32
      %dma_start3A_579 = tpu.memref_slice %arg5[%add3A_569, %dma_start3A_577, %dma_start3A_578] : memref<80x2x128xi32, #tpu.memory_space<vmem>> -> memref<1x1x128xi32, #tpu.memory_space<vmem>>
      %dma_start3A_580 = tpu.memref_squeeze %dma_start3A_579 : memref<1x1x128xi32, #tpu.memory_space<vmem>> -> memref<128xi32, #tpu.memory_space<vmem>>
      %dma_start3A_581 = arith.constant 0 : i32
      %dma_start3A_582 = arith.constant 0 : i32
      %dma_start3A_583 = tpu.memref_slice %arg11[%dma_start3A_581, %dma_start3A_582] : memref<10112x48xf32, #tpu.memory_space<vmem_shared>> -> memref<10112x48xf32, #tpu.memory_space<vmem_shared>>
      tpu.enqueue_indirect_dma source(%arg9 : memref<128x48xf32, #tpu.memory_space<vmem>>) target(%dma_start3A_583 : memref<10112x48xf32, #tpu.memory_space<vmem_shared>>) offsets(%dma_start3A_580 : memref<128xi32, #tpu.memory_space<vmem>>) semaphore(%arg19 : memref<!tpu.dma_semaphore, #tpu.memory_space<semaphore_mem>>) {add = true}
      %sub3A_584 = arith.constant 2 : i32
      %sub3A_585 = arith.subi %add3A_569, %sub3A_584 : i32
      %ge3A_586 = arith.constant 0 : i32
      %ge3A_587 = arith.cmpi sge, %sub3A_585, %ge3A_586 : i32
      %convert_element_type3A_588 = arith.extui %ge3A_587 : i1 to i32
      %cond3A_589 = arith.constant 0 : i32
      %cond3A_590 = arith.cmpi ne, %convert_element_type3A_588, %cond3A_589 : i32
      scf.if %cond3A_590 {
        %dma_wait3A_599 = arith.constant 1 : i32
        %dma_wait3A_600 = arith.constant 0 : i32
        %dma_wait3A_601 = tpu.memref_slice %arg5[%sub3A_585, %dma_wait3A_599, %dma_wait3A_600] : memref<80x2x128xi32, #tpu.memory_space<vmem>> -> memref<1x1x128xi32, #tpu.memory_space<vmem>>
        %dma_wait3A_602 = tpu.memref_squeeze %dma_wait3A_601 : memref<1x1x128xi32, #tpu.memory_space<vmem>> -> memref<128xi32, #tpu.memory_space<vmem>>
        %dma_wait3A_603 = arith.constant 0 : i32
        %dma_wait3A_604 = arith.constant 0 : i32
        %dma_wait3A_605 = tpu.memref_slice %arg11[%dma_wait3A_603, %dma_wait3A_604] : memref<10112x48xf32, #tpu.memory_space<vmem_shared>> -> memref<10112x48xf32, #tpu.memory_space<vmem_shared>>
        tpu.wait_indirect_dma semaphore(%arg17 : memref<!tpu.dma_semaphore, #tpu.memory_space<semaphore_mem>>) src(%arg7 : memref<128x48xf32, #tpu.memory_space<vmem>>) dst(%dma_wait3A_605 : memref<10112x48xf32, #tpu.memory_space<vmem_shared>>)
      } else {
      }
      %add3A_591 = arith.constant 2 : i32
      %add3A_592 = arith.addi %add3A_569, %add3A_591 : i32
      %lt3A_593 = arith.constant 80 : i32
      %lt3A_594 = arith.cmpi slt, %add3A_592, %lt3A_593 : i32
      %convert_element_type3A_595 = arith.extui %lt3A_594 : i1 to i32
      %cond3A_596 = arith.constant 0 : i32
      %cond3A_597 = arith.cmpi ne, %convert_element_type3A_595, %cond3A_596 : i32
      scf.if %cond3A_597 {
        %add3A_599 = arith.constant 2 : i32
        %add3A_600 = arith.addi %add3A_569, %add3A_599 : i32
        %dma_start3A_601 = arith.constant 0 : i32
        %dma_start3A_602 = arith.constant 0 : i32
        %dma_start3A_603 = tpu.memref_slice %arg5[%add3A_600, %dma_start3A_601, %dma_start3A_602] : memref<80x2x128xi32, #tpu.memory_space<vmem>> -> memref<1x1x128xi32, #tpu.memory_space<vmem>>
        %dma_start3A_604 = tpu.memref_squeeze %dma_start3A_603 : memref<1x1x128xi32, #tpu.memory_space<vmem>> -> memref<128xi32, #tpu.memory_space<vmem>>
        %dma_start3A_605 = arith.constant 0 : i32
        %dma_start3A_606 = arith.constant 0 : i32
        %dma_start3A_607 = tpu.memref_slice %arg10[%dma_start3A_605, %dma_start3A_606] : memref<10000x48xf32, #tpu.memory_space<vmem_shared>> -> memref<10000x48xf32, #tpu.memory_space<vmem_shared>>
        tpu.enqueue_indirect_dma source(%dma_start3A_607 : memref<10000x48xf32, #tpu.memory_space<vmem_shared>>) target(%arg7 : memref<128x48xf32, #tpu.memory_space<vmem>>) offsets(%dma_start3A_604 : memref<128xi32, #tpu.memory_space<vmem>>) semaphore(%arg13 : memref<!tpu.dma_semaphore, #tpu.memory_space<semaphore_mem>>)
      } else {
      }
      %scan3A_598 = arith.constant 0 : i32
      scf.yield %scan3A_598 : i32
    }
    %scan3A_455 = arith.constant 20 : i32
    %dma_wait3A_456 = arith.constant 78 : i32
    %dma_wait3A_457 = arith.constant 1 : i32
    %dma_wait3A_458 = arith.constant 0 : i32
    %dma_wait3A_459 = tpu.memref_slice %arg5[%dma_wait3A_456, %dma_wait3A_457, %dma_wait3A_458] : memref<80x2x128xi32, #tpu.memory_space<vmem>> -> memref<1x1x128xi32, #tpu.memory_space<vmem>>
    %dma_wait3A_460 = tpu.memref_squeeze %dma_wait3A_459 : memref<1x1x128xi32, #tpu.memory_space<vmem>> -> memref<128xi32, #tpu.memory_space<vmem>>
    %dma_wait3A_461 = arith.constant 0 : i32
    %dma_wait3A_462 = arith.constant 0 : i32
    %dma_wait3A_463 = tpu.memref_slice %arg11[%dma_wait3A_461, %dma_wait3A_462] : memref<10112x48xf32, #tpu.memory_space<vmem_shared>> -> memref<10112x48xf32, #tpu.memory_space<vmem_shared>>
    tpu.wait_indirect_dma semaphore(%arg18 : memref<!tpu.dma_semaphore, #tpu.memory_space<semaphore_mem>>) src(%arg8 : memref<128x48xf32, #tpu.memory_space<vmem>>) dst(%dma_wait3A_463 : memref<10112x48xf32, #tpu.memory_space<vmem_shared>>)
    %dma_wait3A_464 = arith.constant 79 : i32
    %dma_wait3A_465 = arith.constant 1 : i32
    %dma_wait3A_466 = arith.constant 0 : i32
    %dma_wait3A_467 = tpu.memref_slice %arg5[%dma_wait3A_464, %dma_wait3A_465, %dma_wait3A_466] : memref<80x2x128xi32, #tpu.memory_space<vmem>> -> memref<1x1x128xi32, #tpu.memory_space<vmem>>
    %dma_wait3A_468 = tpu.memref_squeeze %dma_wait3A_467 : memref<1x1x128xi32, #tpu.memory_space<vmem>> -> memref<128xi32, #tpu.memory_space<vmem>>
    %dma_wait3A_469 = arith.constant 0 : i32
    %dma_wait3A_470 = arith.constant 0 : i32
    %dma_wait3A_471 = tpu.memref_slice %arg11[%dma_wait3A_469, %dma_wait3A_470] : memref<10112x48xf32, #tpu.memory_space<vmem_shared>> -> memref<10112x48xf32, #tpu.memory_space<vmem_shared>>
    tpu.wait_indirect_dma semaphore(%arg19 : memref<!tpu.dma_semaphore, #tpu.memory_space<semaphore_mem>>) src(%arg9 : memref<128x48xf32, #tpu.memory_space<vmem>>) dst(%dma_wait3A_471 : memref<10112x48xf32, #tpu.memory_space<vmem_shared>>)
    %barrier3A_472 = arith.constant 0 : index
    tpu.barrier barrier_id(%barrier3A_472)
    "tpu.region"() ({
      %run_scoped3A = tpu.sem_alloc : memref<!tpu.dma_semaphore, #tpu.memory_space<semaphore_mem>>
      %dma_start3A_473 = arith.constant 0 : i32
      %dma_start3A_474 = tpu.memref_slice %arg4[%arg0, %mul3A_23, %dma_start3A_473] : memref<2x10112x48xf32, #tpu.memory_space<hbm>> -> memref<1x632x48xf32, #tpu.memory_space<hbm>>
      %dma_start3A_475 = tpu.memref_squeeze %dma_start3A_474 : memref<1x632x48xf32, #tpu.memory_space<hbm>> -> memref<632x48xf32, #tpu.memory_space<hbm>>
      %dma_start3A_476 = arith.constant 0 : i32
      %dma_start3A_477 = tpu.memref_slice %arg11[%mul3A_23, %dma_start3A_476] : memref<10112x48xf32, #tpu.memory_space<vmem_shared>> -> memref<632x48xf32, #tpu.memory_space<vmem_shared>>
      tpu.enqueue_dma source(%dma_start3A_477 : memref<632x48xf32, #tpu.memory_space<vmem_shared>>) target(%dma_start3A_475 : memref<632x48xf32, #tpu.memory_space<hbm>>) target_semaphore(%run_scoped3A : memref<!tpu.dma_semaphore, #tpu.memory_space<semaphore_mem>>)
      %dma_wait3A_478 = arith.constant 0 : i32
      %dma_wait3A_479 = tpu.memref_slice %arg4[%arg0, %mul3A_23, %dma_wait3A_478] : memref<2x10112x48xf32, #tpu.memory_space<hbm>> -> memref<1x632x48xf32, #tpu.memory_space<hbm>>
      %dma_wait3A_480 = tpu.memref_squeeze %dma_wait3A_479 : memref<1x632x48xf32, #tpu.memory_space<hbm>> -> memref<632x48xf32, #tpu.memory_space<hbm>>
      %dma_wait3A_481 = arith.constant 0 : i32
      %dma_wait3A_482 = tpu.memref_slice %arg11[%mul3A_23, %dma_wait3A_481] : memref<10112x48xf32, #tpu.memory_space<vmem_shared>> -> memref<632x48xf32, #tpu.memory_space<vmem_shared>>
      tpu.wait_dma2 semaphore(%run_scoped3A : memref<!tpu.dma_semaphore, #tpu.memory_space<semaphore_mem>>) src(%dma_wait3A_482 : memref<632x48xf32, #tpu.memory_space<vmem_shared>>) dst(%dma_wait3A_480 : memref<632x48xf32, #tpu.memory_space<hbm>>)
      tpu.yield
    }) : () -> ()
    return
  }
}

#map = affine_map<(d0, d1) -> (0, 0)>
#map1 = affine_map<(d0, d1) -> (0, 0, 0)>
module attributes {stable_mosaic.version = 14 : i64} {
  func.func @body(%arg0: i32, %arg1: i32, %arg2: memref<10000x32xf32, #tpu.memory_space<hbm>>, %arg3: memref<2x320000xi32, #tpu.memory_space<hbm>>, %arg4: memref<2x10112x32xf32, #tpu.memory_space<hbm>>, %arg5: memref<80x2x128xi32, #tpu.memory_space<vmem>>, %arg6: memref<128x32xf32, #tpu.memory_space<vmem>>, %arg7: memref<128x32xf32, #tpu.memory_space<vmem>>, %arg8: memref<128x32xf32, #tpu.memory_space<vmem>>, %arg9: memref<128x32xf32, #tpu.memory_space<vmem>>, %arg10: memref<10000x32xf32, #tpu.memory_space<vmem_shared>>, %arg11: memref<10112x32xf32, #tpu.memory_space<vmem_shared>>, %arg12: memref<!tpu.dma_semaphore, #tpu.memory_space<semaphore_mem>>, %arg13: memref<!tpu.dma_semaphore, #tpu.memory_space<semaphore_mem>>, %arg14: memref<!tpu.dma_semaphore, #tpu.memory_space<semaphore_mem>>, %arg15: memref<!tpu.dma_semaphore, #tpu.memory_space<semaphore_mem>>, %arg16: memref<!tpu.dma_semaphore, #tpu.memory_space<semaphore_mem>>, %arg17: memref<!tpu.dma_semaphore, #tpu.memory_space<semaphore_mem>>, %arg18: memref<!tpu.dma_semaphore, #tpu.memory_space<semaphore_mem>>, %arg19: memref<!tpu.dma_semaphore, #tpu.memory_space<semaphore_mem>>, %arg20: memref<!tpu.dma_semaphore, #tpu.memory_space<semaphore_mem>>) attributes {dimension_semantics = [#tpu.dimension_semantics<core_parallel>, #tpu.dimension_semantics<subcore_parallel>], iteration_bounds = array<i64: 2, 16>, scalar_prefetch = 0 : i64, scratch_operands = 16 : i64, tpu.core_type = #tpu.core_type<sc_vector_subcore>, window_params = [{transform_indices = #map}, {transform_indices = #map}, {transform_indices = #map1}]} {
    %mul3A = arith.constant 16 : i32
    %mul3A_0 = arith.muli %arg0, %mul3A : i32
    %add3A = arith.addi %mul3A_0, %arg1 : i32
    %mul3A_1 = arith.constant 10000 : i32
    %mul3A_2 = arith.muli %add3A, %mul3A_1 : i32
    %scan3A = arith.constant 0 : i32
    %scan3A_3 = arith.constant 0 : i32
    %scan3A_4 = arith.constant 78 : i32
    %scan3A_5 = arith.addi %scan3A_3, %scan3A_4 : i32
    %scan3A_6 = arith.constant 1 : i32
    %scan3A_7 = scf.for %scan3A_473 = %scan3A_3 to %scan3A_5 step %scan3A_6 iter_args(%scan3A_474 = %scan3A) -> (i32)  : i32 {
      %mul3A_475 = arith.constant 128 : i32
      %mul3A_476 = arith.muli %scan3A_473, %mul3A_475 : i32
      %add3A_477 = arith.addi %mul3A_2, %mul3A_476 : i32
      %dma_start3A_478 = arith.constant 0 : i32
      %dma_start3A_479 = arith.constant 0 : i32
      %dma_start3A_480 = tpu.memref_slice %arg5[%scan3A_473, %dma_start3A_478, %dma_start3A_479] : memref<80x2x128xi32, #tpu.memory_space<vmem>> -> memref<1x2x128xi32, #tpu.memory_space<vmem>>
      %dma_start3A_481 = tpu.memref_squeeze %dma_start3A_480 : memref<1x2x128xi32, #tpu.memory_space<vmem>> -> memref<2x128xi32, #tpu.memory_space<vmem>>
      %dma_start3A_482 = arith.constant 0 : i32
      %dma_start3A_483 = tpu.memref_slice %arg3[%dma_start3A_482, %add3A_477] : memref<2x320000xi32, #tpu.memory_space<hbm>> -> memref<2x128xi32, #tpu.memory_space<hbm>>
      %dma_start3A_484 = arith.constant 0 : i32
      %dma_start3A_485 = arith.constant 0 : i32
      %dma_start3A_486 = tpu.memref_slice %arg5[%scan3A_473, %dma_start3A_484, %dma_start3A_485] : memref<80x2x128xi32, #tpu.memory_space<vmem>> -> memref<1x2x128xi32, #tpu.memory_space<vmem>>
      %dma_start3A_487 = tpu.memref_squeeze %dma_start3A_486 : memref<1x2x128xi32, #tpu.memory_space<vmem>> -> memref<2x128xi32, #tpu.memory_space<vmem>>
      %dma_start3A_488 = arith.constant 0 : i32
      %dma_start3A_489 = tpu.memref_slice %arg3[%dma_start3A_488, %add3A_477] : memref<2x320000xi32, #tpu.memory_space<hbm>> -> memref<2x128xi32, #tpu.memory_space<hbm>>
      tpu.enqueue_dma source(%dma_start3A_489 : memref<2x128xi32, #tpu.memory_space<hbm>>) target(%dma_start3A_487 : memref<2x128xi32, #tpu.memory_space<vmem>>) target_semaphore(%arg20 : memref<!tpu.dma_semaphore, #tpu.memory_space<semaphore_mem>>)
      %scan3A_490 = arith.constant 0 : i32
      scf.yield %scan3A_490 : i32
    }
    %scan3A_8 = arith.constant 78 : i32
    %mul3A_9 = arith.constant 625 : i32
    %mul3A_10 = arith.muli %arg1, %mul3A_9 : i32
    %dma_start3A = arith.constant 0 : i32
    %dma_start3A_11 = tpu.memref_slice %arg10[%mul3A_10, %dma_start3A] : memref<10000x32xf32, #tpu.memory_space<vmem_shared>> -> memref<625x32xf32, #tpu.memory_space<vmem_shared>>
    %dma_start3A_12 = arith.constant 0 : i32
    %dma_start3A_13 = tpu.memref_slice %arg2[%mul3A_10, %dma_start3A_12] : memref<10000x32xf32, #tpu.memory_space<hbm>> -> memref<625x32xf32, #tpu.memory_space<hbm>>
    tpu.enqueue_dma source(%dma_start3A_13 : memref<625x32xf32, #tpu.memory_space<hbm>>) target(%dma_start3A_11 : memref<625x32xf32, #tpu.memory_space<vmem_shared>>) target_semaphore(%arg13 : memref<!tpu.dma_semaphore, #tpu.memory_space<semaphore_mem>>)
    %broadcast_in_dim3A = arith.constant 0.000000e+00 : f32
    %broadcast_in_dim3A_14 = vector.broadcast %broadcast_in_dim3A : f32 to vector<16xf32>
    %scan3A_15 = arith.constant 0 : i32
    %scan3A_16 = arith.constant 0 : i32
    %scan3A_17 = arith.constant 256 : i32
    %scan3A_18 = arith.addi %scan3A_16, %scan3A_17 : i32
    %scan3A_19 = arith.constant 1 : i32
    %scan3A_20 = scf.for %scan3A_473 = %scan3A_16 to %scan3A_18 step %scan3A_19 iter_args(%scan3A_474 = %scan3A_15) -> (i32)  : i32 {
      %jit3A = arith.constant 2 : i32
      %div3A = arith.divsi %scan3A_473, %jit3A : i32
      %sign3A = arith.constant 0 : i32
      %sign3A_475 = arith.cmpi sgt, %scan3A_473, %sign3A : i32
      %sign3A_476 = arith.extui %sign3A_475 : i1 to i32
      %sign3A_477 = arith.constant 0 : i32
      %sign3A_478 = arith.cmpi slt, %scan3A_473, %sign3A_477 : i32
      %sign3A_479 = arith.extui %sign3A_478 : i1 to i32
      %sign3A_480 = arith.subi %sign3A_476, %sign3A_479 : i32
      %sign3A_481 = arith.constant 0 : i32
      %sign3A_482 = arith.cmpi sgt, %jit3A, %sign3A_481 : i32
      %sign3A_483 = arith.extui %sign3A_482 : i1 to i32
      %sign3A_484 = arith.constant 0 : i32
      %sign3A_485 = arith.cmpi slt, %jit3A, %sign3A_484 : i32
      %sign3A_486 = arith.extui %sign3A_485 : i1 to i32
      %sign3A_487 = arith.subi %sign3A_483, %sign3A_486 : i32
      %ne3A = arith.cmpi ne, %sign3A_480, %sign3A_487 : i32
      %rem3A = arith.remsi %scan3A_473, %jit3A : i32
      %ne3A_488 = arith.constant 0 : i32
      %ne3A_489 = arith.cmpi ne, %rem3A, %ne3A_488 : i32
      %and3A = arith.andi %ne3A, %ne3A_489 : i1
      %sub3A = arith.constant 1 : i32
      %sub3A_490 = arith.subi %div3A, %sub3A : i32
      %select_n3A = arith.select %and3A, %sub3A_490, %div3A : i32
      %jit3A_491 = arith.constant 2 : i32
      %eq3A = arith.constant 0 : i32
      %eq3A_492 = arith.cmpi eq, %jit3A_491, %eq3A : i32
      %jit3A_493 = arith.constant 1 : i32
      %select_n3A_494 = arith.select %eq3A_492, %jit3A_493, %jit3A_491 : i32
      %rem3A_495 = arith.remsi %scan3A_473, %select_n3A_494 : i32
      %ne3A_496 = arith.constant 0 : i32
      %ne3A_497 = arith.cmpi ne, %rem3A_495, %ne3A_496 : i32
      %lt3A = arith.constant 0 : i32
      %lt3A_498 = arith.cmpi slt, %rem3A_495, %lt3A : i32
      %lt3A_499 = arith.constant 0 : i32
      %lt3A_500 = arith.cmpi slt, %select_n3A_494, %lt3A_499 : i32
      %ne3A_501 = arith.xori %lt3A_498, %lt3A_500 : i1
      %and3A_502 = arith.andi %ne3A_501, %ne3A_497 : i1
      %add3A_503 = arith.addi %rem3A_495, %select_n3A_494 : i32
      %select_n3A_504 = arith.select %and3A_502, %add3A_503, %rem3A_495 : i32
      %mul3A_505 = arith.constant 16 : i32
      %mul3A_506 = arith.muli %select_n3A_504, %mul3A_505 : i32
      %swap3A_507 = arith.index_cast %select_n3A : i32 to index
      %swap3A_508 = arith.index_cast %mul3A_506 : i32 to index
      %swap3A_509 = tpu.vector_load %arg6[%swap3A_507, %swap3A_508] {strides = array<i32>} : memref<128x32xf32, #tpu.memory_space<vmem>>, vector<1x16xf32>,
      %swap3A_510 = vector.shape_cast %swap3A_509 : vector<1x16xf32> to vector<16xf32>
      %swap3A_511 = vector.shape_cast %broadcast_in_dim3A_14 : vector<16xf32> to vector<1x16xf32>
      tpu.vector_store %arg6[%swap3A_507, %swap3A_508], %swap3A_511 {strides = array<i32>} : memref<128x32xf32, #tpu.memory_space<vmem>>, vector<1x16xf32>,
      %scan3A_512 = arith.constant 0 : i32
      scf.yield %scan3A_512 : i32
    }
    %scan3A_21 = arith.constant 256 : i32
    %mul3A_22 = arith.constant 632 : i32
    %mul3A_23 = arith.muli %arg1, %mul3A_22 : i32
    %add3A_24 = arith.constant 0 : i32
    %add3A_25 = arith.addi %mul3A_23, %add3A_24 : i32
    %dma_start3A_26 = arith.constant 0 : i32
    %dma_start3A_27 = arith.constant 0 : i32
    %dma_start3A_28 = tpu.memref_slice %arg6[%dma_start3A_26, %dma_start3A_27] : memref<128x32xf32, #tpu.memory_space<vmem>> -> memref<128x32xf32, #tpu.memory_space<vmem>>
    %dma_start3A_29 = arith.constant 0 : i32
    %dma_start3A_30 = tpu.memref_slice %arg11[%add3A_25, %dma_start3A_29] : memref<10112x32xf32, #tpu.memory_space<vmem_shared>> -> memref<128x32xf32, #tpu.memory_space<vmem_shared>>
    %dma_start3A_31 = arith.constant 0 : i32
    %dma_start3A_32 = tpu.memref_slice %arg11[%add3A_25, %dma_start3A_31] : memref<10112x32xf32, #tpu.memory_space<vmem_shared>> -> memref<128x32xf32, #tpu.memory_space<vmem_shared>>
    %dma_start3A_33 = arith.constant 0 : i32
    %dma_start3A_34 = arith.constant 0 : i32
    %dma_start3A_35 = tpu.memref_slice %arg6[%dma_start3A_33, %dma_start3A_34] : memref<128x32xf32, #tpu.memory_space<vmem>> -> memref<128x32xf32, #tpu.memory_space<vmem>>
    tpu.enqueue_dma source(%dma_start3A_35 : memref<128x32xf32, #tpu.memory_space<vmem>>) target(%dma_start3A_32 : memref<128x32xf32, #tpu.memory_space<vmem_shared>>) target_semaphore(%arg16 : memref<!tpu.dma_semaphore, #tpu.memory_space<semaphore_mem>>)
    %add3A_36 = arith.constant 128 : i32
    %add3A_37 = arith.addi %mul3A_23, %add3A_36 : i32
    %dma_start3A_38 = arith.constant 0 : i32
    %dma_start3A_39 = arith.constant 0 : i32
    %dma_start3A_40 = tpu.memref_slice %arg6[%dma_start3A_38, %dma_start3A_39] : memref<128x32xf32, #tpu.memory_space<vmem>> -> memref<128x32xf32, #tpu.memory_space<vmem>>
    %dma_start3A_41 = arith.constant 0 : i32
    %dma_start3A_42 = tpu.memref_slice %arg11[%add3A_37, %dma_start3A_41] : memref<10112x32xf32, #tpu.memory_space<vmem_shared>> -> memref<128x32xf32, #tpu.memory_space<vmem_shared>>
    %dma_start3A_43 = arith.constant 0 : i32
    %dma_start3A_44 = tpu.memref_slice %arg11[%add3A_37, %dma_start3A_43] : memref<10112x32xf32, #tpu.memory_space<vmem_shared>> -> memref<128x32xf32, #tpu.memory_space<vmem_shared>>
    %dma_start3A_45 = arith.constant 0 : i32
    %dma_start3A_46 = arith.constant 0 : i32
    %dma_start3A_47 = tpu.memref_slice %arg6[%dma_start3A_45, %dma_start3A_46] : memref<128x32xf32, #tpu.memory_space<vmem>> -> memref<128x32xf32, #tpu.memory_space<vmem>>
    tpu.enqueue_dma source(%dma_start3A_47 : memref<128x32xf32, #tpu.memory_space<vmem>>) target(%dma_start3A_44 : memref<128x32xf32, #tpu.memory_space<vmem_shared>>) target_semaphore(%arg17 : memref<!tpu.dma_semaphore, #tpu.memory_space<semaphore_mem>>)
    %add3A_48 = arith.constant 256 : i32
    %add3A_49 = arith.addi %mul3A_23, %add3A_48 : i32
    %dma_start3A_50 = arith.constant 0 : i32
    %dma_start3A_51 = arith.constant 0 : i32
    %dma_start3A_52 = tpu.memref_slice %arg6[%dma_start3A_50, %dma_start3A_51] : memref<128x32xf32, #tpu.memory_space<vmem>> -> memref<128x32xf32, #tpu.memory_space<vmem>>
    %dma_start3A_53 = arith.constant 0 : i32
    %dma_start3A_54 = tpu.memref_slice %arg11[%add3A_49, %dma_start3A_53] : memref<10112x32xf32, #tpu.memory_space<vmem_shared>> -> memref<128x32xf32, #tpu.memory_space<vmem_shared>>
    %dma_start3A_55 = arith.constant 0 : i32
    %dma_start3A_56 = tpu.memref_slice %arg11[%add3A_49, %dma_start3A_55] : memref<10112x32xf32, #tpu.memory_space<vmem_shared>> -> memref<128x32xf32, #tpu.memory_space<vmem_shared>>
    %dma_start3A_57 = arith.constant 0 : i32
    %dma_start3A_58 = arith.constant 0 : i32
    %dma_start3A_59 = tpu.memref_slice %arg6[%dma_start3A_57, %dma_start3A_58] : memref<128x32xf32, #tpu.memory_space<vmem>> -> memref<128x32xf32, #tpu.memory_space<vmem>>
    tpu.enqueue_dma source(%dma_start3A_59 : memref<128x32xf32, #tpu.memory_space<vmem>>) target(%dma_start3A_56 : memref<128x32xf32, #tpu.memory_space<vmem_shared>>) target_semaphore(%arg18 : memref<!tpu.dma_semaphore, #tpu.memory_space<semaphore_mem>>)
    %add3A_60 = arith.constant 384 : i32
    %add3A_61 = arith.addi %mul3A_23, %add3A_60 : i32
    %dma_start3A_62 = arith.constant 0 : i32
    %dma_start3A_63 = arith.constant 0 : i32
    %dma_start3A_64 = tpu.memref_slice %arg6[%dma_start3A_62, %dma_start3A_63] : memref<128x32xf32, #tpu.memory_space<vmem>> -> memref<128x32xf32, #tpu.memory_space<vmem>>
    %dma_start3A_65 = arith.constant 0 : i32
    %dma_start3A_66 = tpu.memref_slice %arg11[%add3A_61, %dma_start3A_65] : memref<10112x32xf32, #tpu.memory_space<vmem_shared>> -> memref<128x32xf32, #tpu.memory_space<vmem_shared>>
    %dma_start3A_67 = arith.constant 0 : i32
    %dma_start3A_68 = tpu.memref_slice %arg11[%add3A_61, %dma_start3A_67] : memref<10112x32xf32, #tpu.memory_space<vmem_shared>> -> memref<128x32xf32, #tpu.memory_space<vmem_shared>>
    %dma_start3A_69 = arith.constant 0 : i32
    %dma_start3A_70 = arith.constant 0 : i32
    %dma_start3A_71 = tpu.memref_slice %arg6[%dma_start3A_69, %dma_start3A_70] : memref<128x32xf32, #tpu.memory_space<vmem>> -> memref<128x32xf32, #tpu.memory_space<vmem>>
    tpu.enqueue_dma source(%dma_start3A_71 : memref<128x32xf32, #tpu.memory_space<vmem>>) target(%dma_start3A_68 : memref<128x32xf32, #tpu.memory_space<vmem_shared>>) target_semaphore(%arg19 : memref<!tpu.dma_semaphore, #tpu.memory_space<semaphore_mem>>)
    %add3A_72 = arith.constant 512 : i32
    %add3A_73 = arith.addi %mul3A_23, %add3A_72 : i32
    %dma_start3A_74 = arith.constant 0 : i32
    %dma_start3A_75 = arith.constant 0 : i32
    %dma_start3A_76 = tpu.memref_slice %arg6[%dma_start3A_74, %dma_start3A_75] : memref<128x32xf32, #tpu.memory_space<vmem>> -> memref<120x32xf32, #tpu.memory_space<vmem>>
    %dma_start3A_77 = arith.constant 0 : i32
    %dma_start3A_78 = tpu.memref_slice %arg11[%add3A_73, %dma_start3A_77] : memref<10112x32xf32, #tpu.memory_space<vmem_shared>> -> memref<120x32xf32, #tpu.memory_space<vmem_shared>>
    %dma_start3A_79 = arith.constant 0 : i32
    %dma_start3A_80 = tpu.memref_slice %arg11[%add3A_73, %dma_start3A_79] : memref<10112x32xf32, #tpu.memory_space<vmem_shared>> -> memref<120x32xf32, #tpu.memory_space<vmem_shared>>
    %dma_start3A_81 = arith.constant 0 : i32
    %dma_start3A_82 = arith.constant 0 : i32
    %dma_start3A_83 = tpu.memref_slice %arg6[%dma_start3A_81, %dma_start3A_82] : memref<128x32xf32, #tpu.memory_space<vmem>> -> memref<120x32xf32, #tpu.memory_space<vmem>>
    tpu.enqueue_dma source(%dma_start3A_83 : memref<120x32xf32, #tpu.memory_space<vmem>>) target(%dma_start3A_80 : memref<120x32xf32, #tpu.memory_space<vmem_shared>>) target_semaphore(%arg16 : memref<!tpu.dma_semaphore, #tpu.memory_space<semaphore_mem>>)
    %broadcast_in_dim3A_84 = arith.constant 10000 : i32
    %broadcast_in_dim3A_85 = vector.broadcast %broadcast_in_dim3A_84 : i32 to vector<16xi32>
    %broadcast_in_dim3A_86 = arith.constant 0 : i32
    %broadcast_in_dim3A_87 = vector.broadcast %broadcast_in_dim3A_86 : i32 to vector<16xi32>
    %swap3A = arith.constant 78 : i32
    %swap3A_88 = arith.constant 0 : i32
    %swap3A_89 = arith.index_cast %swap3A : i32 to index
    %swap3A_90 = arith.index_cast %swap3A_88 : i32 to index
    %swap3A_91 = arith.constant 0 : index
    %swap3A_92 = tpu.vector_load %arg5[%swap3A_89, %swap3A_90, %swap3A_91] {strides = array<i32>} : memref<80x2x128xi32, #tpu.memory_space<vmem>>, vector<1x1x16xi32>,
    %swap3A_93 = vector.shape_cast %swap3A_92 : vector<1x1x16xi32> to vector<16xi32>
    %swap3A_94 = vector.shape_cast %broadcast_in_dim3A_87 : vector<16xi32> to vector<1x1x16xi32>
    tpu.vector_store %arg5[%swap3A_89, %swap3A_90, %swap3A_91], %swap3A_94 {strides = array<i32>} : memref<80x2x128xi32, #tpu.memory_space<vmem>>, vector<1x1x16xi32>,
    %swap3A_95 = arith.constant 78 : i32
    %swap3A_96 = arith.constant 1 : i32
    %swap3A_97 = arith.index_cast %swap3A_95 : i32 to index
    %swap3A_98 = arith.index_cast %swap3A_96 : i32 to index
    %swap3A_99 = arith.constant 0 : index
    %swap3A_100 = tpu.vector_load %arg5[%swap3A_97, %swap3A_98, %swap3A_99] {strides = array<i32>} : memref<80x2x128xi32, #tpu.memory_space<vmem>>, vector<1x1x16xi32>,
    %swap3A_101 = vector.shape_cast %swap3A_100 : vector<1x1x16xi32> to vector<16xi32>
    %swap3A_102 = vector.shape_cast %broadcast_in_dim3A_85 : vector<16xi32> to vector<1x1x16xi32>
    tpu.vector_store %arg5[%swap3A_97, %swap3A_98, %swap3A_99], %swap3A_102 {strides = array<i32>} : memref<80x2x128xi32, #tpu.memory_space<vmem>>, vector<1x1x16xi32>,
    %swap3A_103 = arith.constant 78 : i32
    %swap3A_104 = arith.constant 0 : i32
    %swap3A_105 = arith.index_cast %swap3A_103 : i32 to index
    %swap3A_106 = arith.index_cast %swap3A_104 : i32 to index
    %swap3A_107 = arith.constant 16 : index
    %swap3A_108 = tpu.vector_load %arg5[%swap3A_105, %swap3A_106, %swap3A_107] {strides = array<i32>} : memref<80x2x128xi32, #tpu.memory_space<vmem>>, vector<1x1x16xi32>,
    %swap3A_109 = vector.shape_cast %swap3A_108 : vector<1x1x16xi32> to vector<16xi32>
    %swap3A_110 = vector.shape_cast %broadcast_in_dim3A_87 : vector<16xi32> to vector<1x1x16xi32>
    tpu.vector_store %arg5[%swap3A_105, %swap3A_106, %swap3A_107], %swap3A_110 {strides = array<i32>} : memref<80x2x128xi32, #tpu.memory_space<vmem>>, vector<1x1x16xi32>,
    %swap3A_111 = arith.constant 78 : i32
    %swap3A_112 = arith.constant 1 : i32
    %swap3A_113 = arith.index_cast %swap3A_111 : i32 to index
    %swap3A_114 = arith.index_cast %swap3A_112 : i32 to index
    %swap3A_115 = arith.constant 16 : index
    %swap3A_116 = tpu.vector_load %arg5[%swap3A_113, %swap3A_114, %swap3A_115] {strides = array<i32>} : memref<80x2x128xi32, #tpu.memory_space<vmem>>, vector<1x1x16xi32>,
    %swap3A_117 = vector.shape_cast %swap3A_116 : vector<1x1x16xi32> to vector<16xi32>
    %swap3A_118 = vector.shape_cast %broadcast_in_dim3A_85 : vector<16xi32> to vector<1x1x16xi32>
    tpu.vector_store %arg5[%swap3A_113, %swap3A_114, %swap3A_115], %swap3A_118 {strides = array<i32>} : memref<80x2x128xi32, #tpu.memory_space<vmem>>, vector<1x1x16xi32>,
    %swap3A_119 = arith.constant 78 : i32
    %swap3A_120 = arith.constant 0 : i32
    %swap3A_121 = arith.index_cast %swap3A_119 : i32 to index
    %swap3A_122 = arith.index_cast %swap3A_120 : i32 to index
    %swap3A_123 = arith.constant 32 : index
    %swap3A_124 = tpu.vector_load %arg5[%swap3A_121, %swap3A_122, %swap3A_123] {strides = array<i32>} : memref<80x2x128xi32, #tpu.memory_space<vmem>>, vector<1x1x16xi32>,
    %swap3A_125 = vector.shape_cast %swap3A_124 : vector<1x1x16xi32> to vector<16xi32>
    %swap3A_126 = vector.shape_cast %broadcast_in_dim3A_87 : vector<16xi32> to vector<1x1x16xi32>
    tpu.vector_store %arg5[%swap3A_121, %swap3A_122, %swap3A_123], %swap3A_126 {strides = array<i32>} : memref<80x2x128xi32, #tpu.memory_space<vmem>>, vector<1x1x16xi32>,
    %swap3A_127 = arith.constant 78 : i32
    %swap3A_128 = arith.constant 1 : i32
    %swap3A_129 = arith.index_cast %swap3A_127 : i32 to index
    %swap3A_130 = arith.index_cast %swap3A_128 : i32 to index
    %swap3A_131 = arith.constant 32 : index
    %swap3A_132 = tpu.vector_load %arg5[%swap3A_129, %swap3A_130, %swap3A_131] {strides = array<i32>} : memref<80x2x128xi32, #tpu.memory_space<vmem>>, vector<1x1x16xi32>,
    %swap3A_133 = vector.shape_cast %swap3A_132 : vector<1x1x16xi32> to vector<16xi32>
    %swap3A_134 = vector.shape_cast %broadcast_in_dim3A_85 : vector<16xi32> to vector<1x1x16xi32>
    tpu.vector_store %arg5[%swap3A_129, %swap3A_130, %swap3A_131], %swap3A_134 {strides = array<i32>} : memref<80x2x128xi32, #tpu.memory_space<vmem>>, vector<1x1x16xi32>,
    %swap3A_135 = arith.constant 78 : i32
    %swap3A_136 = arith.constant 0 : i32
    %swap3A_137 = arith.index_cast %swap3A_135 : i32 to index
    %swap3A_138 = arith.index_cast %swap3A_136 : i32 to index
    %swap3A_139 = arith.constant 48 : index
    %swap3A_140 = tpu.vector_load %arg5[%swap3A_137, %swap3A_138, %swap3A_139] {strides = array<i32>} : memref<80x2x128xi32, #tpu.memory_space<vmem>>, vector<1x1x16xi32>,
    %swap3A_141 = vector.shape_cast %swap3A_140 : vector<1x1x16xi32> to vector<16xi32>
    %swap3A_142 = vector.shape_cast %broadcast_in_dim3A_87 : vector<16xi32> to vector<1x1x16xi32>
    tpu.vector_store %arg5[%swap3A_137, %swap3A_138, %swap3A_139], %swap3A_142 {strides = array<i32>} : memref<80x2x128xi32, #tpu.memory_space<vmem>>, vector<1x1x16xi32>,
    %swap3A_143 = arith.constant 78 : i32
    %swap3A_144 = arith.constant 1 : i32
    %swap3A_145 = arith.index_cast %swap3A_143 : i32 to index
    %swap3A_146 = arith.index_cast %swap3A_144 : i32 to index
    %swap3A_147 = arith.constant 48 : index
    %swap3A_148 = tpu.vector_load %arg5[%swap3A_145, %swap3A_146, %swap3A_147] {strides = array<i32>} : memref<80x2x128xi32, #tpu.memory_space<vmem>>, vector<1x1x16xi32>,
    %swap3A_149 = vector.shape_cast %swap3A_148 : vector<1x1x16xi32> to vector<16xi32>
    %swap3A_150 = vector.shape_cast %broadcast_in_dim3A_85 : vector<16xi32> to vector<1x1x16xi32>
    tpu.vector_store %arg5[%swap3A_145, %swap3A_146, %swap3A_147], %swap3A_150 {strides = array<i32>} : memref<80x2x128xi32, #tpu.memory_space<vmem>>, vector<1x1x16xi32>,
    %swap3A_151 = arith.constant 78 : i32
    %swap3A_152 = arith.constant 0 : i32
    %swap3A_153 = arith.index_cast %swap3A_151 : i32 to index
    %swap3A_154 = arith.index_cast %swap3A_152 : i32 to index
    %swap3A_155 = arith.constant 64 : index
    %swap3A_156 = tpu.vector_load %arg5[%swap3A_153, %swap3A_154, %swap3A_155] {strides = array<i32>} : memref<80x2x128xi32, #tpu.memory_space<vmem>>, vector<1x1x16xi32>,
    %swap3A_157 = vector.shape_cast %swap3A_156 : vector<1x1x16xi32> to vector<16xi32>
    %swap3A_158 = vector.shape_cast %broadcast_in_dim3A_87 : vector<16xi32> to vector<1x1x16xi32>
    tpu.vector_store %arg5[%swap3A_153, %swap3A_154, %swap3A_155], %swap3A_158 {strides = array<i32>} : memref<80x2x128xi32, #tpu.memory_space<vmem>>, vector<1x1x16xi32>,
    %swap3A_159 = arith.constant 78 : i32
    %swap3A_160 = arith.constant 1 : i32
    %swap3A_161 = arith.index_cast %swap3A_159 : i32 to index
    %swap3A_162 = arith.index_cast %swap3A_160 : i32 to index
    %swap3A_163 = arith.constant 64 : index
    %swap3A_164 = tpu.vector_load %arg5[%swap3A_161, %swap3A_162, %swap3A_163] {strides = array<i32>} : memref<80x2x128xi32, #tpu.memory_space<vmem>>, vector<1x1x16xi32>,
    %swap3A_165 = vector.shape_cast %swap3A_164 : vector<1x1x16xi32> to vector<16xi32>
    %swap3A_166 = vector.shape_cast %broadcast_in_dim3A_85 : vector<16xi32> to vector<1x1x16xi32>
    tpu.vector_store %arg5[%swap3A_161, %swap3A_162, %swap3A_163], %swap3A_166 {strides = array<i32>} : memref<80x2x128xi32, #tpu.memory_space<vmem>>, vector<1x1x16xi32>,
    %swap3A_167 = arith.constant 78 : i32
    %swap3A_168 = arith.constant 0 : i32
    %swap3A_169 = arith.index_cast %swap3A_167 : i32 to index
    %swap3A_170 = arith.index_cast %swap3A_168 : i32 to index
    %swap3A_171 = arith.constant 80 : index
    %swap3A_172 = tpu.vector_load %arg5[%swap3A_169, %swap3A_170, %swap3A_171] {strides = array<i32>} : memref<80x2x128xi32, #tpu.memory_space<vmem>>, vector<1x1x16xi32>,
    %swap3A_173 = vector.shape_cast %swap3A_172 : vector<1x1x16xi32> to vector<16xi32>
    %swap3A_174 = vector.shape_cast %broadcast_in_dim3A_87 : vector<16xi32> to vector<1x1x16xi32>
    tpu.vector_store %arg5[%swap3A_169, %swap3A_170, %swap3A_171], %swap3A_174 {strides = array<i32>} : memref<80x2x128xi32, #tpu.memory_space<vmem>>, vector<1x1x16xi32>,
    %swap3A_175 = arith.constant 78 : i32
    %swap3A_176 = arith.constant 1 : i32
    %swap3A_177 = arith.index_cast %swap3A_175 : i32 to index
    %swap3A_178 = arith.index_cast %swap3A_176 : i32 to index
    %swap3A_179 = arith.constant 80 : index
    %swap3A_180 = tpu.vector_load %arg5[%swap3A_177, %swap3A_178, %swap3A_179] {strides = array<i32>} : memref<80x2x128xi32, #tpu.memory_space<vmem>>, vector<1x1x16xi32>,
    %swap3A_181 = vector.shape_cast %swap3A_180 : vector<1x1x16xi32> to vector<16xi32>
    %swap3A_182 = vector.shape_cast %broadcast_in_dim3A_85 : vector<16xi32> to vector<1x1x16xi32>
    tpu.vector_store %arg5[%swap3A_177, %swap3A_178, %swap3A_179], %swap3A_182 {strides = array<i32>} : memref<80x2x128xi32, #tpu.memory_space<vmem>>, vector<1x1x16xi32>,
    %swap3A_183 = arith.constant 78 : i32
    %swap3A_184 = arith.constant 0 : i32
    %swap3A_185 = arith.index_cast %swap3A_183 : i32 to index
    %swap3A_186 = arith.index_cast %swap3A_184 : i32 to index
    %swap3A_187 = arith.constant 96 : index
    %swap3A_188 = tpu.vector_load %arg5[%swap3A_185, %swap3A_186, %swap3A_187] {strides = array<i32>} : memref<80x2x128xi32, #tpu.memory_space<vmem>>, vector<1x1x16xi32>,
    %swap3A_189 = vector.shape_cast %swap3A_188 : vector<1x1x16xi32> to vector<16xi32>
    %swap3A_190 = vector.shape_cast %broadcast_in_dim3A_87 : vector<16xi32> to vector<1x1x16xi32>
    tpu.vector_store %arg5[%swap3A_185, %swap3A_186, %swap3A_187], %swap3A_190 {strides = array<i32>} : memref<80x2x128xi32, #tpu.memory_space<vmem>>, vector<1x1x16xi32>,
    %swap3A_191 = arith.constant 78 : i32
    %swap3A_192 = arith.constant 1 : i32
    %swap3A_193 = arith.index_cast %swap3A_191 : i32 to index
    %swap3A_194 = arith.index_cast %swap3A_192 : i32 to index
    %swap3A_195 = arith.constant 96 : index
    %swap3A_196 = tpu.vector_load %arg5[%swap3A_193, %swap3A_194, %swap3A_195] {strides = array<i32>} : memref<80x2x128xi32, #tpu.memory_space<vmem>>, vector<1x1x16xi32>,
    %swap3A_197 = vector.shape_cast %swap3A_196 : vector<1x1x16xi32> to vector<16xi32>
    %swap3A_198 = vector.shape_cast %broadcast_in_dim3A_85 : vector<16xi32> to vector<1x1x16xi32>
    tpu.vector_store %arg5[%swap3A_193, %swap3A_194, %swap3A_195], %swap3A_198 {strides = array<i32>} : memref<80x2x128xi32, #tpu.memory_space<vmem>>, vector<1x1x16xi32>,
    %swap3A_199 = arith.constant 78 : i32
    %swap3A_200 = arith.constant 0 : i32
    %swap3A_201 = arith.index_cast %swap3A_199 : i32 to index
    %swap3A_202 = arith.index_cast %swap3A_200 : i32 to index
    %swap3A_203 = arith.constant 112 : index
    %swap3A_204 = tpu.vector_load %arg5[%swap3A_201, %swap3A_202, %swap3A_203] {strides = array<i32>} : memref<80x2x128xi32, #tpu.memory_space<vmem>>, vector<1x1x16xi32>,
    %swap3A_205 = vector.shape_cast %swap3A_204 : vector<1x1x16xi32> to vector<16xi32>
    %swap3A_206 = vector.shape_cast %broadcast_in_dim3A_87 : vector<16xi32> to vector<1x1x16xi32>
    tpu.vector_store %arg5[%swap3A_201, %swap3A_202, %swap3A_203], %swap3A_206 {strides = array<i32>} : memref<80x2x128xi32, #tpu.memory_space<vmem>>, vector<1x1x16xi32>,
    %swap3A_207 = arith.constant 78 : i32
    %swap3A_208 = arith.constant 1 : i32
    %swap3A_209 = arith.index_cast %swap3A_207 : i32 to index
    %swap3A_210 = arith.index_cast %swap3A_208 : i32 to index
    %swap3A_211 = arith.constant 112 : index
    %swap3A_212 = tpu.vector_load %arg5[%swap3A_209, %swap3A_210, %swap3A_211] {strides = array<i32>} : memref<80x2x128xi32, #tpu.memory_space<vmem>>, vector<1x1x16xi32>,
    %swap3A_213 = vector.shape_cast %swap3A_212 : vector<1x1x16xi32> to vector<16xi32>
    %swap3A_214 = vector.shape_cast %broadcast_in_dim3A_85 : vector<16xi32> to vector<1x1x16xi32>
    tpu.vector_store %arg5[%swap3A_209, %swap3A_210, %swap3A_211], %swap3A_214 {strides = array<i32>} : memref<80x2x128xi32, #tpu.memory_space<vmem>>, vector<1x1x16xi32>,
    %swap3A_215 = arith.constant 79 : i32
    %swap3A_216 = arith.constant 0 : i32
    %swap3A_217 = arith.index_cast %swap3A_215 : i32 to index
    %swap3A_218 = arith.index_cast %swap3A_216 : i32 to index
    %swap3A_219 = arith.constant 0 : index
    %swap3A_220 = tpu.vector_load %arg5[%swap3A_217, %swap3A_218, %swap3A_219] {strides = array<i32>} : memref<80x2x128xi32, #tpu.memory_space<vmem>>, vector<1x1x16xi32>,
    %swap3A_221 = vector.shape_cast %swap3A_220 : vector<1x1x16xi32> to vector<16xi32>
    %swap3A_222 = vector.shape_cast %broadcast_in_dim3A_87 : vector<16xi32> to vector<1x1x16xi32>
    tpu.vector_store %arg5[%swap3A_217, %swap3A_218, %swap3A_219], %swap3A_222 {strides = array<i32>} : memref<80x2x128xi32, #tpu.memory_space<vmem>>, vector<1x1x16xi32>,
    %swap3A_223 = arith.constant 79 : i32
    %swap3A_224 = arith.constant 1 : i32
    %swap3A_225 = arith.index_cast %swap3A_223 : i32 to index
    %swap3A_226 = arith.index_cast %swap3A_224 : i32 to index
    %swap3A_227 = arith.constant 0 : index
    %swap3A_228 = tpu.vector_load %arg5[%swap3A_225, %swap3A_226, %swap3A_227] {strides = array<i32>} : memref<80x2x128xi32, #tpu.memory_space<vmem>>, vector<1x1x16xi32>,
    %swap3A_229 = vector.shape_cast %swap3A_228 : vector<1x1x16xi32> to vector<16xi32>
    %swap3A_230 = vector.shape_cast %broadcast_in_dim3A_85 : vector<16xi32> to vector<1x1x16xi32>
    tpu.vector_store %arg5[%swap3A_225, %swap3A_226, %swap3A_227], %swap3A_230 {strides = array<i32>} : memref<80x2x128xi32, #tpu.memory_space<vmem>>, vector<1x1x16xi32>,
    %swap3A_231 = arith.constant 79 : i32
    %swap3A_232 = arith.constant 0 : i32
    %swap3A_233 = arith.index_cast %swap3A_231 : i32 to index
    %swap3A_234 = arith.index_cast %swap3A_232 : i32 to index
    %swap3A_235 = arith.constant 16 : index
    %swap3A_236 = tpu.vector_load %arg5[%swap3A_233, %swap3A_234, %swap3A_235] {strides = array<i32>} : memref<80x2x128xi32, #tpu.memory_space<vmem>>, vector<1x1x16xi32>,
    %swap3A_237 = vector.shape_cast %swap3A_236 : vector<1x1x16xi32> to vector<16xi32>
    %swap3A_238 = vector.shape_cast %broadcast_in_dim3A_87 : vector<16xi32> to vector<1x1x16xi32>
    tpu.vector_store %arg5[%swap3A_233, %swap3A_234, %swap3A_235], %swap3A_238 {strides = array<i32>} : memref<80x2x128xi32, #tpu.memory_space<vmem>>, vector<1x1x16xi32>,
    %swap3A_239 = arith.constant 79 : i32
    %swap3A_240 = arith.constant 1 : i32
    %swap3A_241 = arith.index_cast %swap3A_239 : i32 to index
    %swap3A_242 = arith.index_cast %swap3A_240 : i32 to index
    %swap3A_243 = arith.constant 16 : index
    %swap3A_244 = tpu.vector_load %arg5[%swap3A_241, %swap3A_242, %swap3A_243] {strides = array<i32>} : memref<80x2x128xi32, #tpu.memory_space<vmem>>, vector<1x1x16xi32>,
    %swap3A_245 = vector.shape_cast %swap3A_244 : vector<1x1x16xi32> to vector<16xi32>
    %swap3A_246 = vector.shape_cast %broadcast_in_dim3A_85 : vector<16xi32> to vector<1x1x16xi32>
    tpu.vector_store %arg5[%swap3A_241, %swap3A_242, %swap3A_243], %swap3A_246 {strides = array<i32>} : memref<80x2x128xi32, #tpu.memory_space<vmem>>, vector<1x1x16xi32>,
    %swap3A_247 = arith.constant 79 : i32
    %swap3A_248 = arith.constant 0 : i32
    %swap3A_249 = arith.index_cast %swap3A_247 : i32 to index
    %swap3A_250 = arith.index_cast %swap3A_248 : i32 to index
    %swap3A_251 = arith.constant 32 : index
    %swap3A_252 = tpu.vector_load %arg5[%swap3A_249, %swap3A_250, %swap3A_251] {strides = array<i32>} : memref<80x2x128xi32, #tpu.memory_space<vmem>>, vector<1x1x16xi32>,
    %swap3A_253 = vector.shape_cast %swap3A_252 : vector<1x1x16xi32> to vector<16xi32>
    %swap3A_254 = vector.shape_cast %broadcast_in_dim3A_87 : vector<16xi32> to vector<1x1x16xi32>
    tpu.vector_store %arg5[%swap3A_249, %swap3A_250, %swap3A_251], %swap3A_254 {strides = array<i32>} : memref<80x2x128xi32, #tpu.memory_space<vmem>>, vector<1x1x16xi32>,
    %swap3A_255 = arith.constant 79 : i32
    %swap3A_256 = arith.constant 1 : i32
    %swap3A_257 = arith.index_cast %swap3A_255 : i32 to index
    %swap3A_258 = arith.index_cast %swap3A_256 : i32 to index
    %swap3A_259 = arith.constant 32 : index
    %swap3A_260 = tpu.vector_load %arg5[%swap3A_257, %swap3A_258, %swap3A_259] {strides = array<i32>} : memref<80x2x128xi32, #tpu.memory_space<vmem>>, vector<1x1x16xi32>,
    %swap3A_261 = vector.shape_cast %swap3A_260 : vector<1x1x16xi32> to vector<16xi32>
    %swap3A_262 = vector.shape_cast %broadcast_in_dim3A_85 : vector<16xi32> to vector<1x1x16xi32>
    tpu.vector_store %arg5[%swap3A_257, %swap3A_258, %swap3A_259], %swap3A_262 {strides = array<i32>} : memref<80x2x128xi32, #tpu.memory_space<vmem>>, vector<1x1x16xi32>,
    %swap3A_263 = arith.constant 79 : i32
    %swap3A_264 = arith.constant 0 : i32
    %swap3A_265 = arith.index_cast %swap3A_263 : i32 to index
    %swap3A_266 = arith.index_cast %swap3A_264 : i32 to index
    %swap3A_267 = arith.constant 48 : index
    %swap3A_268 = tpu.vector_load %arg5[%swap3A_265, %swap3A_266, %swap3A_267] {strides = array<i32>} : memref<80x2x128xi32, #tpu.memory_space<vmem>>, vector<1x1x16xi32>,
    %swap3A_269 = vector.shape_cast %swap3A_268 : vector<1x1x16xi32> to vector<16xi32>
    %swap3A_270 = vector.shape_cast %broadcast_in_dim3A_87 : vector<16xi32> to vector<1x1x16xi32>
    tpu.vector_store %arg5[%swap3A_265, %swap3A_266, %swap3A_267], %swap3A_270 {strides = array<i32>} : memref<80x2x128xi32, #tpu.memory_space<vmem>>, vector<1x1x16xi32>,
    %swap3A_271 = arith.constant 79 : i32
    %swap3A_272 = arith.constant 1 : i32
    %swap3A_273 = arith.index_cast %swap3A_271 : i32 to index
    %swap3A_274 = arith.index_cast %swap3A_272 : i32 to index
    %swap3A_275 = arith.constant 48 : index
    %swap3A_276 = tpu.vector_load %arg5[%swap3A_273, %swap3A_274, %swap3A_275] {strides = array<i32>} : memref<80x2x128xi32, #tpu.memory_space<vmem>>, vector<1x1x16xi32>,
    %swap3A_277 = vector.shape_cast %swap3A_276 : vector<1x1x16xi32> to vector<16xi32>
    %swap3A_278 = vector.shape_cast %broadcast_in_dim3A_85 : vector<16xi32> to vector<1x1x16xi32>
    tpu.vector_store %arg5[%swap3A_273, %swap3A_274, %swap3A_275], %swap3A_278 {strides = array<i32>} : memref<80x2x128xi32, #tpu.memory_space<vmem>>, vector<1x1x16xi32>,
    %swap3A_279 = arith.constant 79 : i32
    %swap3A_280 = arith.constant 0 : i32
    %swap3A_281 = arith.index_cast %swap3A_279 : i32 to index
    %swap3A_282 = arith.index_cast %swap3A_280 : i32 to index
    %swap3A_283 = arith.constant 64 : index
    %swap3A_284 = tpu.vector_load %arg5[%swap3A_281, %swap3A_282, %swap3A_283] {strides = array<i32>} : memref<80x2x128xi32, #tpu.memory_space<vmem>>, vector<1x1x16xi32>,
    %swap3A_285 = vector.shape_cast %swap3A_284 : vector<1x1x16xi32> to vector<16xi32>
    %swap3A_286 = vector.shape_cast %broadcast_in_dim3A_87 : vector<16xi32> to vector<1x1x16xi32>
    tpu.vector_store %arg5[%swap3A_281, %swap3A_282, %swap3A_283], %swap3A_286 {strides = array<i32>} : memref<80x2x128xi32, #tpu.memory_space<vmem>>, vector<1x1x16xi32>,
    %swap3A_287 = arith.constant 79 : i32
    %swap3A_288 = arith.constant 1 : i32
    %swap3A_289 = arith.index_cast %swap3A_287 : i32 to index
    %swap3A_290 = arith.index_cast %swap3A_288 : i32 to index
    %swap3A_291 = arith.constant 64 : index
    %swap3A_292 = tpu.vector_load %arg5[%swap3A_289, %swap3A_290, %swap3A_291] {strides = array<i32>} : memref<80x2x128xi32, #tpu.memory_space<vmem>>, vector<1x1x16xi32>,
    %swap3A_293 = vector.shape_cast %swap3A_292 : vector<1x1x16xi32> to vector<16xi32>
    %swap3A_294 = vector.shape_cast %broadcast_in_dim3A_85 : vector<16xi32> to vector<1x1x16xi32>
    tpu.vector_store %arg5[%swap3A_289, %swap3A_290, %swap3A_291], %swap3A_294 {strides = array<i32>} : memref<80x2x128xi32, #tpu.memory_space<vmem>>, vector<1x1x16xi32>,
    %swap3A_295 = arith.constant 79 : i32
    %swap3A_296 = arith.constant 0 : i32
    %swap3A_297 = arith.index_cast %swap3A_295 : i32 to index
    %swap3A_298 = arith.index_cast %swap3A_296 : i32 to index
    %swap3A_299 = arith.constant 80 : index
    %swap3A_300 = tpu.vector_load %arg5[%swap3A_297, %swap3A_298, %swap3A_299] {strides = array<i32>} : memref<80x2x128xi32, #tpu.memory_space<vmem>>, vector<1x1x16xi32>,
    %swap3A_301 = vector.shape_cast %swap3A_300 : vector<1x1x16xi32> to vector<16xi32>
    %swap3A_302 = vector.shape_cast %broadcast_in_dim3A_87 : vector<16xi32> to vector<1x1x16xi32>
    tpu.vector_store %arg5[%swap3A_297, %swap3A_298, %swap3A_299], %swap3A_302 {strides = array<i32>} : memref<80x2x128xi32, #tpu.memory_space<vmem>>, vector<1x1x16xi32>,
    %swap3A_303 = arith.constant 79 : i32
    %swap3A_304 = arith.constant 1 : i32
    %swap3A_305 = arith.index_cast %swap3A_303 : i32 to index
    %swap3A_306 = arith.index_cast %swap3A_304 : i32 to index
    %swap3A_307 = arith.constant 80 : index
    %swap3A_308 = tpu.vector_load %arg5[%swap3A_305, %swap3A_306, %swap3A_307] {strides = array<i32>} : memref<80x2x128xi32, #tpu.memory_space<vmem>>, vector<1x1x16xi32>,
    %swap3A_309 = vector.shape_cast %swap3A_308 : vector<1x1x16xi32> to vector<16xi32>
    %swap3A_310 = vector.shape_cast %broadcast_in_dim3A_85 : vector<16xi32> to vector<1x1x16xi32>
    tpu.vector_store %arg5[%swap3A_305, %swap3A_306, %swap3A_307], %swap3A_310 {strides = array<i32>} : memref<80x2x128xi32, #tpu.memory_space<vmem>>, vector<1x1x16xi32>,
    %swap3A_311 = arith.constant 79 : i32
    %swap3A_312 = arith.constant 0 : i32
    %swap3A_313 = arith.index_cast %swap3A_311 : i32 to index
    %swap3A_314 = arith.index_cast %swap3A_312 : i32 to index
    %swap3A_315 = arith.constant 96 : index
    %swap3A_316 = tpu.vector_load %arg5[%swap3A_313, %swap3A_314, %swap3A_315] {strides = array<i32>} : memref<80x2x128xi32, #tpu.memory_space<vmem>>, vector<1x1x16xi32>,
    %swap3A_317 = vector.shape_cast %swap3A_316 : vector<1x1x16xi32> to vector<16xi32>
    %swap3A_318 = vector.shape_cast %broadcast_in_dim3A_87 : vector<16xi32> to vector<1x1x16xi32>
    tpu.vector_store %arg5[%swap3A_313, %swap3A_314, %swap3A_315], %swap3A_318 {strides = array<i32>} : memref<80x2x128xi32, #tpu.memory_space<vmem>>, vector<1x1x16xi32>,
    %swap3A_319 = arith.constant 79 : i32
    %swap3A_320 = arith.constant 1 : i32
    %swap3A_321 = arith.index_cast %swap3A_319 : i32 to index
    %swap3A_322 = arith.index_cast %swap3A_320 : i32 to index
    %swap3A_323 = arith.constant 96 : index
    %swap3A_324 = tpu.vector_load %arg5[%swap3A_321, %swap3A_322, %swap3A_323] {strides = array<i32>} : memref<80x2x128xi32, #tpu.memory_space<vmem>>, vector<1x1x16xi32>,
    %swap3A_325 = vector.shape_cast %swap3A_324 : vector<1x1x16xi32> to vector<16xi32>
    %swap3A_326 = vector.shape_cast %broadcast_in_dim3A_85 : vector<16xi32> to vector<1x1x16xi32>
    tpu.vector_store %arg5[%swap3A_321, %swap3A_322, %swap3A_323], %swap3A_326 {strides = array<i32>} : memref<80x2x128xi32, #tpu.memory_space<vmem>>, vector<1x1x16xi32>,
    %swap3A_327 = arith.constant 79 : i32
    %swap3A_328 = arith.constant 0 : i32
    %swap3A_329 = arith.index_cast %swap3A_327 : i32 to index
    %swap3A_330 = arith.index_cast %swap3A_328 : i32 to index
    %swap3A_331 = arith.constant 112 : index
    %swap3A_332 = tpu.vector_load %arg5[%swap3A_329, %swap3A_330, %swap3A_331] {strides = array<i32>} : memref<80x2x128xi32, #tpu.memory_space<vmem>>, vector<1x1x16xi32>,
    %swap3A_333 = vector.shape_cast %swap3A_332 : vector<1x1x16xi32> to vector<16xi32>
    %swap3A_334 = vector.shape_cast %broadcast_in_dim3A_87 : vector<16xi32> to vector<1x1x16xi32>
    tpu.vector_store %arg5[%swap3A_329, %swap3A_330, %swap3A_331], %swap3A_334 {strides = array<i32>} : memref<80x2x128xi32, #tpu.memory_space<vmem>>, vector<1x1x16xi32>,
    %swap3A_335 = arith.constant 79 : i32
    %swap3A_336 = arith.constant 1 : i32
    %swap3A_337 = arith.index_cast %swap3A_335 : i32 to index
    %swap3A_338 = arith.index_cast %swap3A_336 : i32 to index
    %swap3A_339 = arith.constant 112 : index
    %swap3A_340 = tpu.vector_load %arg5[%swap3A_337, %swap3A_338, %swap3A_339] {strides = array<i32>} : memref<80x2x128xi32, #tpu.memory_space<vmem>>, vector<1x1x16xi32>,
    %swap3A_341 = vector.shape_cast %swap3A_340 : vector<1x1x16xi32> to vector<16xi32>
    %swap3A_342 = vector.shape_cast %broadcast_in_dim3A_85 : vector<16xi32> to vector<1x1x16xi32>
    tpu.vector_store %arg5[%swap3A_337, %swap3A_338, %swap3A_339], %swap3A_342 {strides = array<i32>} : memref<80x2x128xi32, #tpu.memory_space<vmem>>, vector<1x1x16xi32>,
    %add3A_343 = arith.constant 9984 : i32
    %add3A_344 = arith.addi %mul3A_2, %add3A_343 : i32
    %dma_start3A_345 = arith.constant 78 : i32
    %dma_start3A_346 = arith.constant 0 : i32
    %dma_start3A_347 = arith.constant 0 : i32
    %dma_start3A_348 = tpu.memref_slice %arg5[%dma_start3A_345, %dma_start3A_346, %dma_start3A_347] : memref<80x2x128xi32, #tpu.memory_space<vmem>> -> memref<1x2x16xi32, #tpu.memory_space<vmem>>
    %dma_start3A_349 = tpu.memref_squeeze %dma_start3A_348 : memref<1x2x16xi32, #tpu.memory_space<vmem>> -> memref<2x16xi32, #tpu.memory_space<vmem>>
    %dma_start3A_350 = arith.constant 0 : i32
    %dma_start3A_351 = tpu.memref_slice %arg3[%dma_start3A_350, %add3A_344] : memref<2x320000xi32, #tpu.memory_space<hbm>> -> memref<2x16xi32, #tpu.memory_space<hbm>>
    %dma_start3A_352 = arith.constant 0 : i32
    %dma_start3A_353 = arith.constant 0 : i32
    %dma_start3A_354 = tpu.memref_slice %arg5[%dma_start3A_345, %dma_start3A_352, %dma_start3A_353] : memref<80x2x128xi32, #tpu.memory_space<vmem>> -> memref<1x2x16xi32, #tpu.memory_space<vmem>>
    %dma_start3A_355 = tpu.memref_squeeze %dma_start3A_354 : memref<1x2x16xi32, #tpu.memory_space<vmem>> -> memref<2x16xi32, #tpu.memory_space<vmem>>
    %dma_start3A_356 = arith.constant 0 : i32
    %dma_start3A_357 = tpu.memref_slice %arg3[%dma_start3A_356, %add3A_344] : memref<2x320000xi32, #tpu.memory_space<hbm>> -> memref<2x16xi32, #tpu.memory_space<hbm>>
    tpu.enqueue_dma source(%dma_start3A_357 : memref<2x16xi32, #tpu.memory_space<hbm>>) target(%dma_start3A_355 : memref<2x16xi32, #tpu.memory_space<vmem>>) target_semaphore(%arg20 : memref<!tpu.dma_semaphore, #tpu.memory_space<semaphore_mem>>)
    %scan3A_358 = arith.constant 0 : i32
    %scan3A_359 = arith.constant 0 : i32
    %scan3A_360 = arith.constant 78 : i32
    %scan3A_361 = arith.addi %scan3A_359, %scan3A_360 : i32
    %scan3A_362 = arith.constant 1 : i32
    %scan3A_363 = scf.for %scan3A_473 = %scan3A_359 to %scan3A_361 step %scan3A_362 iter_args(%scan3A_474 = %scan3A_358) -> (i32)  : i32 {
      %mul3A_475 = arith.constant 128 : i32
      %mul3A_476 = arith.muli %scan3A_473, %mul3A_475 : i32
      %add3A_477 = arith.addi %mul3A_2, %mul3A_476 : i32
      %dma_wait3A_478 = arith.constant 0 : i32
      %dma_wait3A_479 = arith.constant 0 : i32
      %dma_wait3A_480 = tpu.memref_slice %arg5[%scan3A_473, %dma_wait3A_478, %dma_wait3A_479] : memref<80x2x128xi32, #tpu.memory_space<vmem>> -> memref<1x2x128xi32, #tpu.memory_space<vmem>>
      %dma_wait3A_481 = tpu.memref_squeeze %dma_wait3A_480 : memref<1x2x128xi32, #tpu.memory_space<vmem>> -> memref<2x128xi32, #tpu.memory_space<vmem>>
      %dma_wait3A_482 = arith.constant 0 : i32
      %dma_wait3A_483 = tpu.memref_slice %arg3[%dma_wait3A_482, %add3A_477] : memref<2x320000xi32, #tpu.memory_space<hbm>> -> memref<2x128xi32, #tpu.memory_space<hbm>>
      %dma_wait3A_484 = arith.constant 0 : i32
      %dma_wait3A_485 = arith.constant 0 : i32
      %dma_wait3A_486 = tpu.memref_slice %arg5[%scan3A_473, %dma_wait3A_484, %dma_wait3A_485] : memref<80x2x128xi32, #tpu.memory_space<vmem>> -> memref<1x2x128xi32, #tpu.memory_space<vmem>>
      %dma_wait3A_487 = tpu.memref_squeeze %dma_wait3A_486 : memref<1x2x128xi32, #tpu.memory_space<vmem>> -> memref<2x128xi32, #tpu.memory_space<vmem>>
      %dma_wait3A_488 = arith.constant 0 : i32
      %dma_wait3A_489 = tpu.memref_slice %arg3[%dma_wait3A_488, %add3A_477] : memref<2x320000xi32, #tpu.memory_space<hbm>> -> memref<2x128xi32, #tpu.memory_space<hbm>>
      tpu.wait_dma2 semaphore(%arg20 : memref<!tpu.dma_semaphore, #tpu.memory_space<semaphore_mem>>) src(%dma_wait3A_489 : memref<2x128xi32, #tpu.memory_space<hbm>>) dst(%dma_wait3A_487 : memref<2x128xi32, #tpu.memory_space<vmem>>)
      %scan3A_490 = arith.constant 0 : i32
      scf.yield %scan3A_490 : i32
    }
    %scan3A_364 = arith.constant 78 : i32
    %add3A_365 = arith.constant 9984 : i32
    %add3A_366 = arith.addi %mul3A_2, %add3A_365 : i32
    %dma_wait3A = arith.constant 78 : i32
    %dma_wait3A_367 = arith.constant 0 : i32
    %dma_wait3A_368 = arith.constant 0 : i32
    %dma_wait3A_369 = tpu.memref_slice %arg5[%dma_wait3A, %dma_wait3A_367, %dma_wait3A_368] : memref<80x2x128xi32, #tpu.memory_space<vmem>> -> memref<1x2x16xi32, #tpu.memory_space<vmem>>
    %dma_wait3A_370 = tpu.memref_squeeze %dma_wait3A_369 : memref<1x2x16xi32, #tpu.memory_space<vmem>> -> memref<2x16xi32, #tpu.memory_space<vmem>>
    %dma_wait3A_371 = arith.constant 0 : i32
    %dma_wait3A_372 = tpu.memref_slice %arg3[%dma_wait3A_371, %add3A_366] : memref<2x320000xi32, #tpu.memory_space<hbm>> -> memref<2x16xi32, #tpu.memory_space<hbm>>
    %dma_wait3A_373 = arith.constant 0 : i32
    %dma_wait3A_374 = arith.constant 0 : i32
    %dma_wait3A_375 = tpu.memref_slice %arg5[%dma_wait3A, %dma_wait3A_373, %dma_wait3A_374] : memref<80x2x128xi32, #tpu.memory_space<vmem>> -> memref<1x2x16xi32, #tpu.memory_space<vmem>>
    %dma_wait3A_376 = tpu.memref_squeeze %dma_wait3A_375 : memref<1x2x16xi32, #tpu.memory_space<vmem>> -> memref<2x16xi32, #tpu.memory_space<vmem>>
    %dma_wait3A_377 = arith.constant 0 : i32
    %dma_wait3A_378 = tpu.memref_slice %arg3[%dma_wait3A_377, %add3A_366] : memref<2x320000xi32, #tpu.memory_space<hbm>> -> memref<2x16xi32, #tpu.memory_space<hbm>>
    tpu.wait_dma2 semaphore(%arg20 : memref<!tpu.dma_semaphore, #tpu.memory_space<semaphore_mem>>) src(%dma_wait3A_378 : memref<2x16xi32, #tpu.memory_space<hbm>>) dst(%dma_wait3A_376 : memref<2x16xi32, #tpu.memory_space<vmem>>)
    %dma_wait3A_379 = arith.constant 0 : i32
    %dma_wait3A_380 = tpu.memref_slice %arg10[%mul3A_10, %dma_wait3A_379] : memref<10000x32xf32, #tpu.memory_space<vmem_shared>> -> memref<625x32xf32, #tpu.memory_space<vmem_shared>>
    %dma_wait3A_381 = arith.constant 0 : i32
    %dma_wait3A_382 = tpu.memref_slice %arg2[%mul3A_10, %dma_wait3A_381] : memref<10000x32xf32, #tpu.memory_space<hbm>> -> memref<625x32xf32, #tpu.memory_space<hbm>>
    tpu.wait_dma2 semaphore(%arg13 : memref<!tpu.dma_semaphore, #tpu.memory_space<semaphore_mem>>) src(%dma_wait3A_382 : memref<625x32xf32, #tpu.memory_space<hbm>>) dst(%dma_wait3A_380 : memref<625x32xf32, #tpu.memory_space<vmem_shared>>)
    %dma_wait3A_383 = arith.constant 0 : i32
    %dma_wait3A_384 = arith.constant 0 : i32
    %dma_wait3A_385 = tpu.memref_slice %arg6[%dma_wait3A_383, %dma_wait3A_384] : memref<128x32xf32, #tpu.memory_space<vmem>> -> memref<128x32xf32, #tpu.memory_space<vmem>>
    %dma_wait3A_386 = arith.constant 0 : i32
    %dma_wait3A_387 = tpu.memref_slice %arg11[%add3A_25, %dma_wait3A_386] : memref<10112x32xf32, #tpu.memory_space<vmem_shared>> -> memref<128x32xf32, #tpu.memory_space<vmem_shared>>
    %dma_wait3A_388 = arith.constant 0 : i32
    %dma_wait3A_389 = tpu.memref_slice %arg11[%add3A_25, %dma_wait3A_388] : memref<10112x32xf32, #tpu.memory_space<vmem_shared>> -> memref<128x32xf32, #tpu.memory_space<vmem_shared>>
    %dma_wait3A_390 = arith.constant 0 : i32
    %dma_wait3A_391 = arith.constant 0 : i32
    %dma_wait3A_392 = tpu.memref_slice %arg6[%dma_wait3A_390, %dma_wait3A_391] : memref<128x32xf32, #tpu.memory_space<vmem>> -> memref<128x32xf32, #tpu.memory_space<vmem>>
    tpu.wait_dma2 semaphore(%arg16 : memref<!tpu.dma_semaphore, #tpu.memory_space<semaphore_mem>>) src(%dma_wait3A_392 : memref<128x32xf32, #tpu.memory_space<vmem>>) dst(%dma_wait3A_389 : memref<128x32xf32, #tpu.memory_space<vmem_shared>>)
    %dma_wait3A_393 = arith.constant 0 : i32
    %dma_wait3A_394 = arith.constant 0 : i32
    %dma_wait3A_395 = tpu.memref_slice %arg6[%dma_wait3A_393, %dma_wait3A_394] : memref<128x32xf32, #tpu.memory_space<vmem>> -> memref<128x32xf32, #tpu.memory_space<vmem>>
    %dma_wait3A_396 = arith.constant 0 : i32
    %dma_wait3A_397 = tpu.memref_slice %arg11[%add3A_37, %dma_wait3A_396] : memref<10112x32xf32, #tpu.memory_space<vmem_shared>> -> memref<128x32xf32, #tpu.memory_space<vmem_shared>>
    %dma_wait3A_398 = arith.constant 0 : i32
    %dma_wait3A_399 = tpu.memref_slice %arg11[%add3A_37, %dma_wait3A_398] : memref<10112x32xf32, #tpu.memory_space<vmem_shared>> -> memref<128x32xf32, #tpu.memory_space<vmem_shared>>
    %dma_wait3A_400 = arith.constant 0 : i32
    %dma_wait3A_401 = arith.constant 0 : i32
    %dma_wait3A_402 = tpu.memref_slice %arg6[%dma_wait3A_400, %dma_wait3A_401] : memref<128x32xf32, #tpu.memory_space<vmem>> -> memref<128x32xf32, #tpu.memory_space<vmem>>
    tpu.wait_dma2 semaphore(%arg17 : memref<!tpu.dma_semaphore, #tpu.memory_space<semaphore_mem>>) src(%dma_wait3A_402 : memref<128x32xf32, #tpu.memory_space<vmem>>) dst(%dma_wait3A_399 : memref<128x32xf32, #tpu.memory_space<vmem_shared>>)
    %dma_wait3A_403 = arith.constant 0 : i32
    %dma_wait3A_404 = arith.constant 0 : i32
    %dma_wait3A_405 = tpu.memref_slice %arg6[%dma_wait3A_403, %dma_wait3A_404] : memref<128x32xf32, #tpu.memory_space<vmem>> -> memref<128x32xf32, #tpu.memory_space<vmem>>
    %dma_wait3A_406 = arith.constant 0 : i32
    %dma_wait3A_407 = tpu.memref_slice %arg11[%add3A_49, %dma_wait3A_406] : memref<10112x32xf32, #tpu.memory_space<vmem_shared>> -> memref<128x32xf32, #tpu.memory_space<vmem_shared>>
    %dma_wait3A_408 = arith.constant 0 : i32
    %dma_wait3A_409 = tpu.memref_slice %arg11[%add3A_49, %dma_wait3A_408] : memref<10112x32xf32, #tpu.memory_space<vmem_shared>> -> memref<128x32xf32, #tpu.memory_space<vmem_shared>>
    %dma_wait3A_410 = arith.constant 0 : i32
    %dma_wait3A_411 = arith.constant 0 : i32
    %dma_wait3A_412 = tpu.memref_slice %arg6[%dma_wait3A_410, %dma_wait3A_411] : memref<128x32xf32, #tpu.memory_space<vmem>> -> memref<128x32xf32, #tpu.memory_space<vmem>>
    tpu.wait_dma2 semaphore(%arg18 : memref<!tpu.dma_semaphore, #tpu.memory_space<semaphore_mem>>) src(%dma_wait3A_412 : memref<128x32xf32, #tpu.memory_space<vmem>>) dst(%dma_wait3A_409 : memref<128x32xf32, #tpu.memory_space<vmem_shared>>)
    %dma_wait3A_413 = arith.constant 0 : i32
    %dma_wait3A_414 = arith.constant 0 : i32
    %dma_wait3A_415 = tpu.memref_slice %arg6[%dma_wait3A_413, %dma_wait3A_414] : memref<128x32xf32, #tpu.memory_space<vmem>> -> memref<128x32xf32, #tpu.memory_space<vmem>>
    %dma_wait3A_416 = arith.constant 0 : i32
    %dma_wait3A_417 = tpu.memref_slice %arg11[%add3A_61, %dma_wait3A_416] : memref<10112x32xf32, #tpu.memory_space<vmem_shared>> -> memref<128x32xf32, #tpu.memory_space<vmem_shared>>
    %dma_wait3A_418 = arith.constant 0 : i32
    %dma_wait3A_419 = tpu.memref_slice %arg11[%add3A_61, %dma_wait3A_418] : memref<10112x32xf32, #tpu.memory_space<vmem_shared>> -> memref<128x32xf32, #tpu.memory_space<vmem_shared>>
    %dma_wait3A_420 = arith.constant 0 : i32
    %dma_wait3A_421 = arith.constant 0 : i32
    %dma_wait3A_422 = tpu.memref_slice %arg6[%dma_wait3A_420, %dma_wait3A_421] : memref<128x32xf32, #tpu.memory_space<vmem>> -> memref<128x32xf32, #tpu.memory_space<vmem>>
    tpu.wait_dma2 semaphore(%arg19 : memref<!tpu.dma_semaphore, #tpu.memory_space<semaphore_mem>>) src(%dma_wait3A_422 : memref<128x32xf32, #tpu.memory_space<vmem>>) dst(%dma_wait3A_419 : memref<128x32xf32, #tpu.memory_space<vmem_shared>>)
    %dma_wait3A_423 = arith.constant 0 : i32
    %dma_wait3A_424 = arith.constant 0 : i32
    %dma_wait3A_425 = tpu.memref_slice %arg6[%dma_wait3A_423, %dma_wait3A_424] : memref<128x32xf32, #tpu.memory_space<vmem>> -> memref<120x32xf32, #tpu.memory_space<vmem>>
    %dma_wait3A_426 = arith.constant 0 : i32
    %dma_wait3A_427 = tpu.memref_slice %arg11[%add3A_73, %dma_wait3A_426] : memref<10112x32xf32, #tpu.memory_space<vmem_shared>> -> memref<120x32xf32, #tpu.memory_space<vmem_shared>>
    %dma_wait3A_428 = arith.constant 0 : i32
    %dma_wait3A_429 = tpu.memref_slice %arg11[%add3A_73, %dma_wait3A_428] : memref<10112x32xf32, #tpu.memory_space<vmem_shared>> -> memref<120x32xf32, #tpu.memory_space<vmem_shared>>
    %dma_wait3A_430 = arith.constant 0 : i32
    %dma_wait3A_431 = arith.constant 0 : i32
    %dma_wait3A_432 = tpu.memref_slice %arg6[%dma_wait3A_430, %dma_wait3A_431] : memref<128x32xf32, #tpu.memory_space<vmem>> -> memref<120x32xf32, #tpu.memory_space<vmem>>
    tpu.wait_dma2 semaphore(%arg16 : memref<!tpu.dma_semaphore, #tpu.memory_space<semaphore_mem>>) src(%dma_wait3A_432 : memref<120x32xf32, #tpu.memory_space<vmem>>) dst(%dma_wait3A_429 : memref<120x32xf32, #tpu.memory_space<vmem_shared>>)
    %barrier3A = arith.constant 0 : index
    tpu.barrier barrier_id(%barrier3A)
    %dma_start3A_433 = arith.constant 0 : i32
    %dma_start3A_434 = arith.constant 0 : i32
    %dma_start3A_435 = arith.constant 0 : i32
    %dma_start3A_436 = tpu.memref_slice %arg5[%dma_start3A_433, %dma_start3A_434, %dma_start3A_435] : memref<80x2x128xi32, #tpu.memory_space<vmem>> -> memref<1x1x128xi32, #tpu.memory_space<vmem>>
    %dma_start3A_437 = tpu.memref_squeeze %dma_start3A_436 : memref<1x1x128xi32, #tpu.memory_space<vmem>> -> memref<128xi32, #tpu.memory_space<vmem>>
    %dma_start3A_438 = arith.constant 0 : i32
    %dma_start3A_439 = arith.constant 0 : i32
    %dma_start3A_440 = tpu.memref_slice %arg10[%dma_start3A_438, %dma_start3A_439] : memref<10000x32xf32, #tpu.memory_space<vmem_shared>> -> memref<10000x32xf32, #tpu.memory_space<vmem_shared>>
    tpu.enqueue_indirect_dma source(%dma_start3A_440 : memref<10000x32xf32, #tpu.memory_space<vmem_shared>>) target(%arg6 : memref<128x32xf32, #tpu.memory_space<vmem>>) offsets(%dma_start3A_437 : memref<128xi32, #tpu.memory_space<vmem>>) semaphore(%arg12 : memref<!tpu.dma_semaphore, #tpu.memory_space<semaphore_mem>>)
    %dma_start3A_441 = arith.constant 1 : i32
    %dma_start3A_442 = arith.constant 0 : i32
    %dma_start3A_443 = arith.constant 0 : i32
    %dma_start3A_444 = tpu.memref_slice %arg5[%dma_start3A_441, %dma_start3A_442, %dma_start3A_443] : memref<80x2x128xi32, #tpu.memory_space<vmem>> -> memref<1x1x128xi32, #tpu.memory_space<vmem>>
    %dma_start3A_445 = tpu.memref_squeeze %dma_start3A_444 : memref<1x1x128xi32, #tpu.memory_space<vmem>> -> memref<128xi32, #tpu.memory_space<vmem>>
    %dma_start3A_446 = arith.constant 0 : i32
    %dma_start3A_447 = arith.constant 0 : i32
    %dma_start3A_448 = tpu.memref_slice %arg10[%dma_start3A_446, %dma_start3A_447] : memref<10000x32xf32, #tpu.memory_space<vmem_shared>> -> memref<10000x32xf32, #tpu.memory_space<vmem_shared>>
    tpu.enqueue_indirect_dma source(%dma_start3A_448 : memref<10000x32xf32, #tpu.memory_space<vmem_shared>>) target(%arg7 : memref<128x32xf32, #tpu.memory_space<vmem>>) offsets(%dma_start3A_445 : memref<128xi32, #tpu.memory_space<vmem>>) semaphore(%arg13 : memref<!tpu.dma_semaphore, #tpu.memory_space<semaphore_mem>>)
    %scan3A_449 = arith.constant 0 : i32
    %scan3A_450 = arith.constant 0 : i32
    %scan3A_451 = arith.constant 20 : i32
    %scan3A_452 = arith.addi %scan3A_450, %scan3A_451 : i32
    %scan3A_453 = arith.constant 1 : i32
    %scan3A_454 = scf.for %scan3A_473 = %scan3A_450 to %scan3A_452 step %scan3A_453 iter_args(%scan3A_474 = %scan3A_449) -> (i32)  : i32 {
      %mul3A_475 = arith.constant 4 : i32
      %mul3A_476 = arith.muli %mul3A_475, %scan3A_473 : i32
      %add3A_477 = arith.constant 0 : i32
      %add3A_478 = arith.addi %mul3A_476, %add3A_477 : i32
      %dma_wait3A_479 = arith.constant 0 : i32
      %dma_wait3A_480 = arith.constant 0 : i32
      %dma_wait3A_481 = tpu.memref_slice %arg5[%add3A_478, %dma_wait3A_479, %dma_wait3A_480] : memref<80x2x128xi32, #tpu.memory_space<vmem>> -> memref<1x1x128xi32, #tpu.memory_space<vmem>>
      %dma_wait3A_482 = tpu.memref_squeeze %dma_wait3A_481 : memref<1x1x128xi32, #tpu.memory_space<vmem>> -> memref<128xi32, #tpu.memory_space<vmem>>
      %dma_wait3A_483 = arith.constant 0 : i32
      %dma_wait3A_484 = arith.constant 0 : i32
      %dma_wait3A_485 = tpu.memref_slice %arg10[%dma_wait3A_483, %dma_wait3A_484] : memref<10000x32xf32, #tpu.memory_space<vmem_shared>> -> memref<10000x32xf32, #tpu.memory_space<vmem_shared>>
      tpu.wait_indirect_dma semaphore(%arg12 : memref<!tpu.dma_semaphore, #tpu.memory_space<semaphore_mem>>) src(%dma_wait3A_485 : memref<10000x32xf32, #tpu.memory_space<vmem_shared>>) dst(%arg6 : memref<128x32xf32, #tpu.memory_space<vmem>>)
      %dma_start3A_486 = arith.constant 1 : i32
      %dma_start3A_487 = arith.constant 0 : i32
      %dma_start3A_488 = tpu.memref_slice %arg5[%add3A_478, %dma_start3A_486, %dma_start3A_487] : memref<80x2x128xi32, #tpu.memory_space<vmem>> -> memref<1x1x128xi32, #tpu.memory_space<vmem>>
      %dma_start3A_489 = tpu.memref_squeeze %dma_start3A_488 : memref<1x1x128xi32, #tpu.memory_space<vmem>> -> memref<128xi32, #tpu.memory_space<vmem>>
      %dma_start3A_490 = arith.constant 0 : i32
      %dma_start3A_491 = arith.constant 0 : i32
      %dma_start3A_492 = tpu.memref_slice %arg11[%dma_start3A_490, %dma_start3A_491] : memref<10112x32xf32, #tpu.memory_space<vmem_shared>> -> memref<10112x32xf32, #tpu.memory_space<vmem_shared>>
      tpu.enqueue_indirect_dma source(%arg6 : memref<128x32xf32, #tpu.memory_space<vmem>>) target(%dma_start3A_492 : memref<10112x32xf32, #tpu.memory_space<vmem_shared>>) offsets(%dma_start3A_489 : memref<128xi32, #tpu.memory_space<vmem>>) semaphore(%arg16 : memref<!tpu.dma_semaphore, #tpu.memory_space<semaphore_mem>>) {add = true}
      %sub3A = arith.constant 2 : i32
      %sub3A_493 = arith.subi %add3A_478, %sub3A : i32
      %ge3A = arith.constant 0 : i32
      %ge3A_494 = arith.cmpi sge, %sub3A_493, %ge3A : i32
      %convert_element_type3A = arith.extui %ge3A_494 : i1 to i32
      %cond3A = arith.constant 0 : i32
      %cond3A_495 = arith.cmpi ne, %convert_element_type3A, %cond3A : i32
      scf.if %cond3A_495 {
        %dma_wait3A_599 = arith.constant 1 : i32
        %dma_wait3A_600 = arith.constant 0 : i32
        %dma_wait3A_601 = tpu.memref_slice %arg5[%sub3A_493, %dma_wait3A_599, %dma_wait3A_600] : memref<80x2x128xi32, #tpu.memory_space<vmem>> -> memref<1x1x128xi32, #tpu.memory_space<vmem>>
        %dma_wait3A_602 = tpu.memref_squeeze %dma_wait3A_601 : memref<1x1x128xi32, #tpu.memory_space<vmem>> -> memref<128xi32, #tpu.memory_space<vmem>>
        %dma_wait3A_603 = arith.constant 0 : i32
        %dma_wait3A_604 = arith.constant 0 : i32
        %dma_wait3A_605 = tpu.memref_slice %arg11[%dma_wait3A_603, %dma_wait3A_604] : memref<10112x32xf32, #tpu.memory_space<vmem_shared>> -> memref<10112x32xf32, #tpu.memory_space<vmem_shared>>
        tpu.wait_indirect_dma semaphore(%arg18 : memref<!tpu.dma_semaphore, #tpu.memory_space<semaphore_mem>>) src(%arg8 : memref<128x32xf32, #tpu.memory_space<vmem>>) dst(%dma_wait3A_605 : memref<10112x32xf32, #tpu.memory_space<vmem_shared>>)
      } else {
      }
      %add3A_496 = arith.constant 2 : i32
      %add3A_497 = arith.addi %add3A_478, %add3A_496 : i32
      %lt3A = arith.constant 80 : i32
      %lt3A_498 = arith.cmpi slt, %add3A_497, %lt3A : i32
      %convert_element_type3A_499 = arith.extui %lt3A_498 : i1 to i32
      %cond3A_500 = arith.constant 0 : i32
      %cond3A_501 = arith.cmpi ne, %convert_element_type3A_499, %cond3A_500 : i32
      scf.if %cond3A_501 {
        %add3A_599 = arith.constant 2 : i32
        %add3A_600 = arith.addi %add3A_478, %add3A_599 : i32
        %dma_start3A_601 = arith.constant 0 : i32
        %dma_start3A_602 = arith.constant 0 : i32
        %dma_start3A_603 = tpu.memref_slice %arg5[%add3A_600, %dma_start3A_601, %dma_start3A_602] : memref<80x2x128xi32, #tpu.memory_space<vmem>> -> memref<1x1x128xi32, #tpu.memory_space<vmem>>
        %dma_start3A_604 = tpu.memref_squeeze %dma_start3A_603 : memref<1x1x128xi32, #tpu.memory_space<vmem>> -> memref<128xi32, #tpu.memory_space<vmem>>
        %dma_start3A_605 = arith.constant 0 : i32
        %dma_start3A_606 = arith.constant 0 : i32
        %dma_start3A_607 = tpu.memref_slice %arg10[%dma_start3A_605, %dma_start3A_606] : memref<10000x32xf32, #tpu.memory_space<vmem_shared>> -> memref<10000x32xf32, #tpu.memory_space<vmem_shared>>
        tpu.enqueue_indirect_dma source(%dma_start3A_607 : memref<10000x32xf32, #tpu.memory_space<vmem_shared>>) target(%arg8 : memref<128x32xf32, #tpu.memory_space<vmem>>) offsets(%dma_start3A_604 : memref<128xi32, #tpu.memory_space<vmem>>) semaphore(%arg14 : memref<!tpu.dma_semaphore, #tpu.memory_space<semaphore_mem>>)
      } else {
      }
      %mul3A_502 = arith.constant 4 : i32
      %mul3A_503 = arith.muli %mul3A_502, %scan3A_473 : i32
      %add3A_504 = arith.constant 1 : i32
      %add3A_505 = arith.addi %mul3A_503, %add3A_504 : i32
      %dma_wait3A_506 = arith.constant 0 : i32
      %dma_wait3A_507 = arith.constant 0 : i32
      %dma_wait3A_508 = tpu.memref_slice %arg5[%add3A_505, %dma_wait3A_506, %dma_wait3A_507] : memref<80x2x128xi32, #tpu.memory_space<vmem>> -> memref<1x1x128xi32, #tpu.memory_space<vmem>>
      %dma_wait3A_509 = tpu.memref_squeeze %dma_wait3A_508 : memref<1x1x128xi32, #tpu.memory_space<vmem>> -> memref<128xi32, #tpu.memory_space<vmem>>
      %dma_wait3A_510 = arith.constant 0 : i32
      %dma_wait3A_511 = arith.constant 0 : i32
      %dma_wait3A_512 = tpu.memref_slice %arg10[%dma_wait3A_510, %dma_wait3A_511] : memref<10000x32xf32, #tpu.memory_space<vmem_shared>> -> memref<10000x32xf32, #tpu.memory_space<vmem_shared>>
      tpu.wait_indirect_dma semaphore(%arg13 : memref<!tpu.dma_semaphore, #tpu.memory_space<semaphore_mem>>) src(%dma_wait3A_512 : memref<10000x32xf32, #tpu.memory_space<vmem_shared>>) dst(%arg7 : memref<128x32xf32, #tpu.memory_space<vmem>>)
      %dma_start3A_513 = arith.constant 1 : i32
      %dma_start3A_514 = arith.constant 0 : i32
      %dma_start3A_515 = tpu.memref_slice %arg5[%add3A_505, %dma_start3A_513, %dma_start3A_514] : memref<80x2x128xi32, #tpu.memory_space<vmem>> -> memref<1x1x128xi32, #tpu.memory_space<vmem>>
      %dma_start3A_516 = tpu.memref_squeeze %dma_start3A_515 : memref<1x1x128xi32, #tpu.memory_space<vmem>> -> memref<128xi32, #tpu.memory_space<vmem>>
      %dma_start3A_517 = arith.constant 0 : i32
      %dma_start3A_518 = arith.constant 0 : i32
      %dma_start3A_519 = tpu.memref_slice %arg11[%dma_start3A_517, %dma_start3A_518] : memref<10112x32xf32, #tpu.memory_space<vmem_shared>> -> memref<10112x32xf32, #tpu.memory_space<vmem_shared>>
      tpu.enqueue_indirect_dma source(%arg7 : memref<128x32xf32, #tpu.memory_space<vmem>>) target(%dma_start3A_519 : memref<10112x32xf32, #tpu.memory_space<vmem_shared>>) offsets(%dma_start3A_516 : memref<128xi32, #tpu.memory_space<vmem>>) semaphore(%arg17 : memref<!tpu.dma_semaphore, #tpu.memory_space<semaphore_mem>>) {add = true}
      %sub3A_520 = arith.constant 2 : i32
      %sub3A_521 = arith.subi %add3A_505, %sub3A_520 : i32
      %ge3A_522 = arith.constant 0 : i32
      %ge3A_523 = arith.cmpi sge, %sub3A_521, %ge3A_522 : i32
      %convert_element_type3A_524 = arith.extui %ge3A_523 : i1 to i32
      %cond3A_525 = arith.constant 0 : i32
      %cond3A_526 = arith.cmpi ne, %convert_element_type3A_524, %cond3A_525 : i32
      scf.if %cond3A_526 {
        %dma_wait3A_599 = arith.constant 1 : i32
        %dma_wait3A_600 = arith.constant 0 : i32
        %dma_wait3A_601 = tpu.memref_slice %arg5[%sub3A_521, %dma_wait3A_599, %dma_wait3A_600] : memref<80x2x128xi32, #tpu.memory_space<vmem>> -> memref<1x1x128xi32, #tpu.memory_space<vmem>>
        %dma_wait3A_602 = tpu.memref_squeeze %dma_wait3A_601 : memref<1x1x128xi32, #tpu.memory_space<vmem>> -> memref<128xi32, #tpu.memory_space<vmem>>
        %dma_wait3A_603 = arith.constant 0 : i32
        %dma_wait3A_604 = arith.constant 0 : i32
        %dma_wait3A_605 = tpu.memref_slice %arg11[%dma_wait3A_603, %dma_wait3A_604] : memref<10112x32xf32, #tpu.memory_space<vmem_shared>> -> memref<10112x32xf32, #tpu.memory_space<vmem_shared>>
        tpu.wait_indirect_dma semaphore(%arg19 : memref<!tpu.dma_semaphore, #tpu.memory_space<semaphore_mem>>) src(%arg9 : memref<128x32xf32, #tpu.memory_space<vmem>>) dst(%dma_wait3A_605 : memref<10112x32xf32, #tpu.memory_space<vmem_shared>>)
      } else {
      }
      %add3A_527 = arith.constant 2 : i32
      %add3A_528 = arith.addi %add3A_505, %add3A_527 : i32
      %lt3A_529 = arith.constant 80 : i32
      %lt3A_530 = arith.cmpi slt, %add3A_528, %lt3A_529 : i32
      %convert_element_type3A_531 = arith.extui %lt3A_530 : i1 to i32
      %cond3A_532 = arith.constant 0 : i32
      %cond3A_533 = arith.cmpi ne, %convert_element_type3A_531, %cond3A_532 : i32
      scf.if %cond3A_533 {
        %add3A_599 = arith.constant 2 : i32
        %add3A_600 = arith.addi %add3A_505, %add3A_599 : i32
        %dma_start3A_601 = arith.constant 0 : i32
        %dma_start3A_602 = arith.constant 0 : i32
        %dma_start3A_603 = tpu.memref_slice %arg5[%add3A_600, %dma_start3A_601, %dma_start3A_602] : memref<80x2x128xi32, #tpu.memory_space<vmem>> -> memref<1x1x128xi32, #tpu.memory_space<vmem>>
        %dma_start3A_604 = tpu.memref_squeeze %dma_start3A_603 : memref<1x1x128xi32, #tpu.memory_space<vmem>> -> memref<128xi32, #tpu.memory_space<vmem>>
        %dma_start3A_605 = arith.constant 0 : i32
        %dma_start3A_606 = arith.constant 0 : i32
        %dma_start3A_607 = tpu.memref_slice %arg10[%dma_start3A_605, %dma_start3A_606] : memref<10000x32xf32, #tpu.memory_space<vmem_shared>> -> memref<10000x32xf32, #tpu.memory_space<vmem_shared>>
        tpu.enqueue_indirect_dma source(%dma_start3A_607 : memref<10000x32xf32, #tpu.memory_space<vmem_shared>>) target(%arg9 : memref<128x32xf32, #tpu.memory_space<vmem>>) offsets(%dma_start3A_604 : memref<128xi32, #tpu.memory_space<vmem>>) semaphore(%arg15 : memref<!tpu.dma_semaphore, #tpu.memory_space<semaphore_mem>>)
      } else {
      }
      %mul3A_534 = arith.constant 4 : i32
      %mul3A_535 = arith.muli %mul3A_534, %scan3A_473 : i32
      %add3A_536 = arith.constant 2 : i32
      %add3A_537 = arith.addi %mul3A_535, %add3A_536 : i32
      %dma_wait3A_538 = arith.constant 0 : i32
      %dma_wait3A_539 = arith.constant 0 : i32
      %dma_wait3A_540 = tpu.memref_slice %arg5[%add3A_537, %dma_wait3A_538, %dma_wait3A_539] : memref<80x2x128xi32, #tpu.memory_space<vmem>> -> memref<1x1x128xi32, #tpu.memory_space<vmem>>
      %dma_wait3A_541 = tpu.memref_squeeze %dma_wait3A_540 : memref<1x1x128xi32, #tpu.memory_space<vmem>> -> memref<128xi32, #tpu.memory_space<vmem>>
      %dma_wait3A_542 = arith.constant 0 : i32
      %dma_wait3A_543 = arith.constant 0 : i32
      %dma_wait3A_544 = tpu.memref_slice %arg10[%dma_wait3A_542, %dma_wait3A_543] : memref<10000x32xf32, #tpu.memory_space<vmem_shared>> -> memref<10000x32xf32, #tpu.memory_space<vmem_shared>>
      tpu.wait_indirect_dma semaphore(%arg14 : memref<!tpu.dma_semaphore, #tpu.memory_space<semaphore_mem>>) src(%dma_wait3A_544 : memref<10000x32xf32, #tpu.memory_space<vmem_shared>>) dst(%arg8 : memref<128x32xf32, #tpu.memory_space<vmem>>)
      %dma_start3A_545 = arith.constant 1 : i32
      %dma_start3A_546 = arith.constant 0 : i32
      %dma_start3A_547 = tpu.memref_slice %arg5[%add3A_537, %dma_start3A_545, %dma_start3A_546] : memref<80x2x128xi32, #tpu.memory_space<vmem>> -> memref<1x1x128xi32, #tpu.memory_space<vmem>>
      %dma_start3A_548 = tpu.memref_squeeze %dma_start3A_547 : memref<1x1x128xi32, #tpu.memory_space<vmem>> -> memref<128xi32, #tpu.memory_space<vmem>>
      %dma_start3A_549 = arith.constant 0 : i32
      %dma_start3A_550 = arith.constant 0 : i32
      %dma_start3A_551 = tpu.memref_slice %arg11[%dma_start3A_549, %dma_start3A_550] : memref<10112x32xf32, #tpu.memory_space<vmem_shared>> -> memref<10112x32xf32, #tpu.memory_space<vmem_shared>>
      tpu.enqueue_indirect_dma source(%arg8 : memref<128x32xf32, #tpu.memory_space<vmem>>) target(%dma_start3A_551 : memref<10112x32xf32, #tpu.memory_space<vmem_shared>>) offsets(%dma_start3A_548 : memref<128xi32, #tpu.memory_space<vmem>>) semaphore(%arg18 : memref<!tpu.dma_semaphore, #tpu.memory_space<semaphore_mem>>) {add = true}
      %sub3A_552 = arith.constant 2 : i32
      %sub3A_553 = arith.subi %add3A_537, %sub3A_552 : i32
      %ge3A_554 = arith.constant 0 : i32
      %ge3A_555 = arith.cmpi sge, %sub3A_553, %ge3A_554 : i32
      %convert_element_type3A_556 = arith.extui %ge3A_555 : i1 to i32
      %cond3A_557 = arith.constant 0 : i32
      %cond3A_558 = arith.cmpi ne, %convert_element_type3A_556, %cond3A_557 : i32
      scf.if %cond3A_558 {
        %dma_wait3A_599 = arith.constant 1 : i32
        %dma_wait3A_600 = arith.constant 0 : i32
        %dma_wait3A_601 = tpu.memref_slice %arg5[%sub3A_553, %dma_wait3A_599, %dma_wait3A_600] : memref<80x2x128xi32, #tpu.memory_space<vmem>> -> memref<1x1x128xi32, #tpu.memory_space<vmem>>
        %dma_wait3A_602 = tpu.memref_squeeze %dma_wait3A_601 : memref<1x1x128xi32, #tpu.memory_space<vmem>> -> memref<128xi32, #tpu.memory_space<vmem>>
        %dma_wait3A_603 = arith.constant 0 : i32
        %dma_wait3A_604 = arith.constant 0 : i32
        %dma_wait3A_605 = tpu.memref_slice %arg11[%dma_wait3A_603, %dma_wait3A_604] : memref<10112x32xf32, #tpu.memory_space<vmem_shared>> -> memref<10112x32xf32, #tpu.memory_space<vmem_shared>>
        tpu.wait_indirect_dma semaphore(%arg16 : memref<!tpu.dma_semaphore, #tpu.memory_space<semaphore_mem>>) src(%arg6 : memref<128x32xf32, #tpu.memory_space<vmem>>) dst(%dma_wait3A_605 : memref<10112x32xf32, #tpu.memory_space<vmem_shared>>)
      } else {
      }
      %add3A_559 = arith.constant 2 : i32
      %add3A_560 = arith.addi %add3A_537, %add3A_559 : i32
      %lt3A_561 = arith.constant 80 : i32
      %lt3A_562 = arith.cmpi slt, %add3A_560, %lt3A_561 : i32
      %convert_element_type3A_563 = arith.extui %lt3A_562 : i1 to i32
      %cond3A_564 = arith.constant 0 : i32
      %cond3A_565 = arith.cmpi ne, %convert_element_type3A_563, %cond3A_564 : i32
      scf.if %cond3A_565 {
        %add3A_599 = arith.constant 2 : i32
        %add3A_600 = arith.addi %add3A_537, %add3A_599 : i32
        %dma_start3A_601 = arith.constant 0 : i32
        %dma_start3A_602 = arith.constant 0 : i32
        %dma_start3A_603 = tpu.memref_slice %arg5[%add3A_600, %dma_start3A_601, %dma_start3A_602] : memref<80x2x128xi32, #tpu.memory_space<vmem>> -> memref<1x1x128xi32, #tpu.memory_space<vmem>>
        %dma_start3A_604 = tpu.memref_squeeze %dma_start3A_603 : memref<1x1x128xi32, #tpu.memory_space<vmem>> -> memref<128xi32, #tpu.memory_space<vmem>>
        %dma_start3A_605 = arith.constant 0 : i32
        %dma_start3A_606 = arith.constant 0 : i32
        %dma_start3A_607 = tpu.memref_slice %arg10[%dma_start3A_605, %dma_start3A_606] : memref<10000x32xf32, #tpu.memory_space<vmem_shared>> -> memref<10000x32xf32, #tpu.memory_space<vmem_shared>>
        tpu.enqueue_indirect_dma source(%dma_start3A_607 : memref<10000x32xf32, #tpu.memory_space<vmem_shared>>) target(%arg6 : memref<128x32xf32, #tpu.memory_space<vmem>>) offsets(%dma_start3A_604 : memref<128xi32, #tpu.memory_space<vmem>>) semaphore(%arg12 : memref<!tpu.dma_semaphore, #tpu.memory_space<semaphore_mem>>)
      } else {
      }
      %mul3A_566 = arith.constant 4 : i32
      %mul3A_567 = arith.muli %mul3A_566, %scan3A_473 : i32
      %add3A_568 = arith.constant 3 : i32
      %add3A_569 = arith.addi %mul3A_567, %add3A_568 : i32
      %dma_wait3A_570 = arith.constant 0 : i32
      %dma_wait3A_571 = arith.constant 0 : i32
      %dma_wait3A_572 = tpu.memref_slice %arg5[%add3A_569, %dma_wait3A_570, %dma_wait3A_571] : memref<80x2x128xi32, #tpu.memory_space<vmem>> -> memref<1x1x128xi32, #tpu.memory_space<vmem>>
      %dma_wait3A_573 = tpu.memref_squeeze %dma_wait3A_572 : memref<1x1x128xi32, #tpu.memory_space<vmem>> -> memref<128xi32, #tpu.memory_space<vmem>>
      %dma_wait3A_574 = arith.constant 0 : i32
      %dma_wait3A_575 = arith.constant 0 : i32
      %dma_wait3A_576 = tpu.memref_slice %arg10[%dma_wait3A_574, %dma_wait3A_575] : memref<10000x32xf32, #tpu.memory_space<vmem_shared>> -> memref<10000x32xf32, #tpu.memory_space<vmem_shared>>
      tpu.wait_indirect_dma semaphore(%arg15 : memref<!tpu.dma_semaphore, #tpu.memory_space<semaphore_mem>>) src(%dma_wait3A_576 : memref<10000x32xf32, #tpu.memory_space<vmem_shared>>) dst(%arg9 : memref<128x32xf32, #tpu.memory_space<vmem>>)
      %dma_start3A_577 = arith.constant 1 : i32
      %dma_start3A_578 = arith.constant 0 : i32
      %dma_start3A_579 = tpu.memref_slice %arg5[%add3A_569, %dma_start3A_577, %dma_start3A_578] : memref<80x2x128xi32, #tpu.memory_space<vmem>> -> memref<1x1x128xi32, #tpu.memory_space<vmem>>
      %dma_start3A_580 = tpu.memref_squeeze %dma_start3A_579 : memref<1x1x128xi32, #tpu.memory_space<vmem>> -> memref<128xi32, #tpu.memory_space<vmem>>
      %dma_start3A_581 = arith.constant 0 : i32
      %dma_start3A_582 = arith.constant 0 : i32
      %dma_start3A_583 = tpu.memref_slice %arg11[%dma_start3A_581, %dma_start3A_582] : memref<10112x32xf32, #tpu.memory_space<vmem_shared>> -> memref<10112x32xf32, #tpu.memory_space<vmem_shared>>
      tpu.enqueue_indirect_dma source(%arg9 : memref<128x32xf32, #tpu.memory_space<vmem>>) target(%dma_start3A_583 : memref<10112x32xf32, #tpu.memory_space<vmem_shared>>) offsets(%dma_start3A_580 : memref<128xi32, #tpu.memory_space<vmem>>) semaphore(%arg19 : memref<!tpu.dma_semaphore, #tpu.memory_space<semaphore_mem>>) {add = true}
      %sub3A_584 = arith.constant 2 : i32
      %sub3A_585 = arith.subi %add3A_569, %sub3A_584 : i32
      %ge3A_586 = arith.constant 0 : i32
      %ge3A_587 = arith.cmpi sge, %sub3A_585, %ge3A_586 : i32
      %convert_element_type3A_588 = arith.extui %ge3A_587 : i1 to i32
      %cond3A_589 = arith.constant 0 : i32
      %cond3A_590 = arith.cmpi ne, %convert_element_type3A_588, %cond3A_589 : i32
      scf.if %cond3A_590 {
        %dma_wait3A_599 = arith.constant 1 : i32
        %dma_wait3A_600 = arith.constant 0 : i32
        %dma_wait3A_601 = tpu.memref_slice %arg5[%sub3A_585, %dma_wait3A_599, %dma_wait3A_600] : memref<80x2x128xi32, #tpu.memory_space<vmem>> -> memref<1x1x128xi32, #tpu.memory_space<vmem>>
        %dma_wait3A_602 = tpu.memref_squeeze %dma_wait3A_601 : memref<1x1x128xi32, #tpu.memory_space<vmem>> -> memref<128xi32, #tpu.memory_space<vmem>>
        %dma_wait3A_603 = arith.constant 0 : i32
        %dma_wait3A_604 = arith.constant 0 : i32
        %dma_wait3A_605 = tpu.memref_slice %arg11[%dma_wait3A_603, %dma_wait3A_604] : memref<10112x32xf32, #tpu.memory_space<vmem_shared>> -> memref<10112x32xf32, #tpu.memory_space<vmem_shared>>
        tpu.wait_indirect_dma semaphore(%arg17 : memref<!tpu.dma_semaphore, #tpu.memory_space<semaphore_mem>>) src(%arg7 : memref<128x32xf32, #tpu.memory_space<vmem>>) dst(%dma_wait3A_605 : memref<10112x32xf32, #tpu.memory_space<vmem_shared>>)
      } else {
      }
      %add3A_591 = arith.constant 2 : i32
      %add3A_592 = arith.addi %add3A_569, %add3A_591 : i32
      %lt3A_593 = arith.constant 80 : i32
      %lt3A_594 = arith.cmpi slt, %add3A_592, %lt3A_593 : i32
      %convert_element_type3A_595 = arith.extui %lt3A_594 : i1 to i32
      %cond3A_596 = arith.constant 0 : i32
      %cond3A_597 = arith.cmpi ne, %convert_element_type3A_595, %cond3A_596 : i32
      scf.if %cond3A_597 {
        %add3A_599 = arith.constant 2 : i32
        %add3A_600 = arith.addi %add3A_569, %add3A_599 : i32
        %dma_start3A_601 = arith.constant 0 : i32
        %dma_start3A_602 = arith.constant 0 : i32
        %dma_start3A_603 = tpu.memref_slice %arg5[%add3A_600, %dma_start3A_601, %dma_start3A_602] : memref<80x2x128xi32, #tpu.memory_space<vmem>> -> memref<1x1x128xi32, #tpu.memory_space<vmem>>
        %dma_start3A_604 = tpu.memref_squeeze %dma_start3A_603 : memref<1x1x128xi32, #tpu.memory_space<vmem>> -> memref<128xi32, #tpu.memory_space<vmem>>
        %dma_start3A_605 = arith.constant 0 : i32
        %dma_start3A_606 = arith.constant 0 : i32
        %dma_start3A_607 = tpu.memref_slice %arg10[%dma_start3A_605, %dma_start3A_606] : memref<10000x32xf32, #tpu.memory_space<vmem_shared>> -> memref<10000x32xf32, #tpu.memory_space<vmem_shared>>
        tpu.enqueue_indirect_dma source(%dma_start3A_607 : memref<10000x32xf32, #tpu.memory_space<vmem_shared>>) target(%arg7 : memref<128x32xf32, #tpu.memory_space<vmem>>) offsets(%dma_start3A_604 : memref<128xi32, #tpu.memory_space<vmem>>) semaphore(%arg13 : memref<!tpu.dma_semaphore, #tpu.memory_space<semaphore_mem>>)
      } else {
      }
      %scan3A_598 = arith.constant 0 : i32
      scf.yield %scan3A_598 : i32
    }
    %scan3A_455 = arith.constant 20 : i32
    %dma_wait3A_456 = arith.constant 78 : i32
    %dma_wait3A_457 = arith.constant 1 : i32
    %dma_wait3A_458 = arith.constant 0 : i32
    %dma_wait3A_459 = tpu.memref_slice %arg5[%dma_wait3A_456, %dma_wait3A_457, %dma_wait3A_458] : memref<80x2x128xi32, #tpu.memory_space<vmem>> -> memref<1x1x128xi32, #tpu.memory_space<vmem>>
    %dma_wait3A_460 = tpu.memref_squeeze %dma_wait3A_459 : memref<1x1x128xi32, #tpu.memory_space<vmem>> -> memref<128xi32, #tpu.memory_space<vmem>>
    %dma_wait3A_461 = arith.constant 0 : i32
    %dma_wait3A_462 = arith.constant 0 : i32
    %dma_wait3A_463 = tpu.memref_slice %arg11[%dma_wait3A_461, %dma_wait3A_462] : memref<10112x32xf32, #tpu.memory_space<vmem_shared>> -> memref<10112x32xf32, #tpu.memory_space<vmem_shared>>
    tpu.wait_indirect_dma semaphore(%arg18 : memref<!tpu.dma_semaphore, #tpu.memory_space<semaphore_mem>>) src(%arg8 : memref<128x32xf32, #tpu.memory_space<vmem>>) dst(%dma_wait3A_463 : memref<10112x32xf32, #tpu.memory_space<vmem_shared>>)
    %dma_wait3A_464 = arith.constant 79 : i32
    %dma_wait3A_465 = arith.constant 1 : i32
    %dma_wait3A_466 = arith.constant 0 : i32
    %dma_wait3A_467 = tpu.memref_slice %arg5[%dma_wait3A_464, %dma_wait3A_465, %dma_wait3A_466] : memref<80x2x128xi32, #tpu.memory_space<vmem>> -> memref<1x1x128xi32, #tpu.memory_space<vmem>>
    %dma_wait3A_468 = tpu.memref_squeeze %dma_wait3A_467 : memref<1x1x128xi32, #tpu.memory_space<vmem>> -> memref<128xi32, #tpu.memory_space<vmem>>
    %dma_wait3A_469 = arith.constant 0 : i32
    %dma_wait3A_470 = arith.constant 0 : i32
    %dma_wait3A_471 = tpu.memref_slice %arg11[%dma_wait3A_469, %dma_wait3A_470] : memref<10112x32xf32, #tpu.memory_space<vmem_shared>> -> memref<10112x32xf32, #tpu.memory_space<vmem_shared>>
    tpu.wait_indirect_dma semaphore(%arg19 : memref<!tpu.dma_semaphore, #tpu.memory_space<semaphore_mem>>) src(%arg9 : memref<128x32xf32, #tpu.memory_space<vmem>>) dst(%dma_wait3A_471 : memref<10112x32xf32, #tpu.memory_space<vmem_shared>>)
    %barrier3A_472 = arith.constant 0 : index
    tpu.barrier barrier_id(%barrier3A_472)
    "tpu.region"() ({
      %run_scoped3A = tpu.sem_alloc : memref<!tpu.dma_semaphore, #tpu.memory_space<semaphore_mem>>
      %dma_start3A_473 = arith.constant 0 : i32
      %dma_start3A_474 = tpu.memref_slice %arg4[%arg0, %mul3A_23, %dma_start3A_473] : memref<2x10112x32xf32, #tpu.memory_space<hbm>> -> memref<1x632x32xf32, #tpu.memory_space<hbm>>
      %dma_start3A_475 = tpu.memref_squeeze %dma_start3A_474 : memref<1x632x32xf32, #tpu.memory_space<hbm>> -> memref<632x32xf32, #tpu.memory_space<hbm>>
      %dma_start3A_476 = arith.constant 0 : i32
      %dma_start3A_477 = tpu.memref_slice %arg11[%mul3A_23, %dma_start3A_476] : memref<10112x32xf32, #tpu.memory_space<vmem_shared>> -> memref<632x32xf32, #tpu.memory_space<vmem_shared>>
      tpu.enqueue_dma source(%dma_start3A_477 : memref<632x32xf32, #tpu.memory_space<vmem_shared>>) target(%dma_start3A_475 : memref<632x32xf32, #tpu.memory_space<hbm>>) target_semaphore(%run_scoped3A : memref<!tpu.dma_semaphore, #tpu.memory_space<semaphore_mem>>)
      %dma_wait3A_478 = arith.constant 0 : i32
      %dma_wait3A_479 = tpu.memref_slice %arg4[%arg0, %mul3A_23, %dma_wait3A_478] : memref<2x10112x32xf32, #tpu.memory_space<hbm>> -> memref<1x632x32xf32, #tpu.memory_space<hbm>>
      %dma_wait3A_480 = tpu.memref_squeeze %dma_wait3A_479 : memref<1x632x32xf32, #tpu.memory_space<hbm>> -> memref<632x32xf32, #tpu.memory_space<hbm>>
      %dma_wait3A_481 = arith.constant 0 : i32
      %dma_wait3A_482 = tpu.memref_slice %arg11[%mul3A_23, %dma_wait3A_481] : memref<10112x32xf32, #tpu.memory_space<vmem_shared>> -> memref<632x32xf32, #tpu.memory_space<vmem_shared>>
      tpu.wait_dma2 semaphore(%run_scoped3A : memref<!tpu.dma_semaphore, #tpu.memory_space<semaphore_mem>>) src(%dma_wait3A_482 : memref<632x32xf32, #tpu.memory_space<vmem_shared>>) dst(%dma_wait3A_480 : memref<632x32xf32, #tpu.memory_space<hbm>>)
      tpu.yield
    }) : () -> ()
    return
  }
}

module attributes {stable_mosaic.version = 14 : i64} {
  func.func @_pre_body(%arg0: i32, %arg1: memref<2000x128xf32, #tpu.memory_space<vmem>>, %arg2: memref<32x128xf32, #tpu.memory_space<vmem>>, %arg3: memref<32x128xf32, #tpu.memory_space<vmem>>, %arg4: memref<2000x48xf32, #tpu.memory_space<vmem>>, %arg5: memref<2000x32xf32, #tpu.memory_space<vmem>>) attributes {dimension_semantics = [#tpu.dimension_semantics<arbitrary>], iteration_bounds = array<i64: 5>, scalar_prefetch = 0 : i64, scratch_operands = 0 : i64, tpu.core_type = #tpu.core_type<tc>, window_params = [{transform_indices = @transform_0, window_bounds = array<i64: 2000, 128>}, {pipeline_mode = #tpu.pipeline_mode<synchronous>, transform_indices = @transform_1, window_bounds = array<i64: 32, 128>}, {pipeline_mode = #tpu.pipeline_mode<synchronous>, transform_indices = @transform_2, window_bounds = array<i64: 32, 128>}, {transform_indices = @transform_3, window_bounds = array<i64: 2000, 48>}, {transform_indices = @transform_4, window_bounds = array<i64: 2000, 32>}]} {
    %get3A = arith.constant 0 : index
    %get3A_0 = arith.constant 0 : index
    %get3A_1 = vector.load %arg1[%get3A, %get3A_0] : memref<2000x128xf32, #tpu.memory_space<vmem>>, vector<2000x128xf32>
    %get3A_2 = arith.constant 0 : index
    %get3A_3 = arith.constant 0 : index
    %get3A_4 = vector.load %arg2[%get3A_2, %get3A_3] : memref<32x128xf32, #tpu.memory_space<vmem>>, vector<32x128xf32>
    %dot_general3A = arith.constant dense<0.000000e+00> : vector<2000x32xf32>
    %dot_general3A_5 = tpu.matmul %get3A_1, %get3A_4, %dot_general3A {dimension_numbers = #tpu.dot_dimension_numbers<[1], [1], [0], [0], [0, 0, 1, 0], [], []>, transpose_lhs_hint = false} : vector<2000x128xf32>, vector<32x128xf32>, vector<2000x32xf32> -> vector<2000x32xf32>
    %broadcast_in_dim3A = arith.constant 1.000000e+00 : f32
    %broadcast_in_dim3A_6 = vector.broadcast %broadcast_in_dim3A : f32 to vector<2000x16xf32>
    %concatenate3A = tpu.concatenate %dot_general3A_5, %broadcast_in_dim3A_6 in 1 : vector<2000x32xf32>, vector<2000x16xf32> -> vector<2000x48xf32>
    %swap3A = arith.constant 0 : index
    %swap3A_7 = arith.constant 0 : index
    %swap3A_8 = vector.load %arg4[%swap3A, %swap3A_7] : memref<2000x48xf32, #tpu.memory_space<vmem>>, vector<2000x48xf32>
    tpu.vector_store %arg4[%swap3A, %swap3A_7], %concatenate3A {strides = array<i32>} : memref<2000x48xf32, #tpu.memory_space<vmem>>, vector<2000x48xf32>,
    %get3A_9 = arith.constant 0 : index
    %get3A_10 = arith.constant 0 : index
    %get3A_11 = vector.load %arg3[%get3A_9, %get3A_10] : memref<32x128xf32, #tpu.memory_space<vmem>>, vector<32x128xf32>
    %dot_general3A_12 = arith.constant dense<0.000000e+00> : vector<2000x32xf32>
    %dot_general3A_13 = tpu.matmul %get3A_1, %get3A_11, %dot_general3A_12 {dimension_numbers = #tpu.dot_dimension_numbers<[1], [1], [0], [0], [0, 0, 1, 0], [], []>, transpose_lhs_hint = false} : vector<2000x128xf32>, vector<32x128xf32>, vector<2000x32xf32> -> vector<2000x32xf32>
    %swap3A_14 = arith.constant 0 : index
    %swap3A_15 = arith.constant 0 : index
    %swap3A_16 = vector.load %arg5[%swap3A_14, %swap3A_15] : memref<2000x32xf32, #tpu.memory_space<vmem>>, vector<2000x32xf32>
    tpu.vector_store %arg5[%swap3A_14, %swap3A_15], %dot_general3A_13 {strides = array<i32>} : memref<2000x32xf32, #tpu.memory_space<vmem>>, vector<2000x32xf32>,
    return
  }
  func.func @transform_0(%arg0: i32) -> (i32, i32) {
    %c0_i32 = arith.constant 0 : i32
    %c0_i32_0 = arith.constant 0 : i32
    return %arg0, %c0_i32 : i32, i32
  }
  func.func @transform_1(%arg0: i32) -> (i32, i32) {
    %c0_i32 = arith.constant 0 : i32
    %c0_i32_0 = arith.constant 0 : i32
    %c0_i32_1 = arith.constant 0 : i32
    return %c0_i32, %c0_i32_0 : i32, i32
  }
  func.func @transform_2(%arg0: i32) -> (i32, i32) {
    %c0_i32 = arith.constant 0 : i32
    %c0_i32_0 = arith.constant 0 : i32
    %c0_i32_1 = arith.constant 0 : i32
    return %c0_i32, %c0_i32_0 : i32, i32
  }
  func.func @transform_3(%arg0: i32) -> (i32, i32) {
    %c0_i32 = arith.constant 0 : i32
    %c0_i32_0 = arith.constant 0 : i32
    return %arg0, %c0_i32 : i32, i32
  }
  func.func @transform_4(%arg0: i32) -> (i32, i32) {
    %c0_i32 = arith.constant 0 : i32
    %c0_i32_0 = arith.constant 0 : i32
    return %arg0, %c0_i32 : i32, i32
  }
}

module attributes {stable_mosaic.version = 14 : i64} {
  func.func @_mid_body(%arg0: i32, %arg1: memref<2x2000x48xf32, #tpu.memory_space<vmem>>, %arg2: memref<2000x32xf32, #tpu.memory_space<vmem>>, %arg3: memref<1x32xf32, #tpu.memory_space<vmem>>, %arg4: memref<32x32xf32, #tpu.memory_space<vmem>>, %arg5: memref<32x32xf32, #tpu.memory_space<vmem>>, %arg6: memref<2000x32xf32, #tpu.memory_space<vmem>>, %arg7: memref<2000x32xf32, #tpu.memory_space<vmem>>, %arg8: memref<2000x32xf32, #tpu.memory_space<vmem>>) attributes {dimension_semantics = [#tpu.dimension_semantics<arbitrary>], iteration_bounds = array<i64: 5>, scalar_prefetch = 0 : i64, scratch_operands = 0 : i64, tpu.core_type = #tpu.core_type<tc>, window_params = [{transform_indices = @transform_0, window_bounds = array<i64: 2, 2000, 48>}, {transform_indices = @transform_1, window_bounds = array<i64: 2000, 32>}, {pipeline_mode = #tpu.pipeline_mode<synchronous>, transform_indices = @transform_2, window_bounds = array<i64: 1, 32>}, {pipeline_mode = #tpu.pipeline_mode<synchronous>, transform_indices = @transform_3, window_bounds = array<i64: 32, 32>}, {pipeline_mode = #tpu.pipeline_mode<synchronous>, transform_indices = @transform_4, window_bounds = array<i64: 32, 32>}, {transform_indices = @transform_5, window_bounds = array<i64: 2000, 32>}, {transform_indices = @transform_6, window_bounds = array<i64: 2000, 32>}, {transform_indices = @transform_7, window_bounds = array<i64: 2000, 32>}]} {
    %get3A = arith.constant 0 : index
    %get3A_0 = arith.constant 0 : index
    %get3A_1 = arith.constant 0 : index
    %get3A_2 = vector.load %arg1[%get3A, %get3A_0, %get3A_1] : memref<2x2000x48xf32, #tpu.memory_space<vmem>>, vector<1x2000x32xf32>
    %get3A_3 = vector.shape_cast %get3A_2 : vector<1x2000x32xf32> to vector<2000x32xf32>
    %get3A_4 = arith.constant 1 : index
    %get3A_5 = arith.constant 0 : index
    %get3A_6 = arith.constant 0 : index
    %get3A_7 = vector.load %arg1[%get3A_4, %get3A_5, %get3A_6] : memref<2x2000x48xf32, #tpu.memory_space<vmem>>, vector<1x2000x32xf32>
    %get3A_8 = vector.shape_cast %get3A_7 : vector<1x2000x32xf32> to vector<2000x32xf32>
    %add3A = arith.addf %get3A_3, %get3A_8 : vector<2000x32xf32>
    %get3A_9 = arith.constant 0 : index
    %get3A_10 = arith.constant 0 : index
    %get3A_11 = arith.constant 32 : index
    %get3A_12 = vector.load %arg1[%get3A_9, %get3A_10, %get3A_11] : memref<2x2000x48xf32, #tpu.memory_space<vmem>>, vector<1x2000x1xf32>
    %get3A_13 = vector.shape_cast %get3A_12 : vector<1x2000x1xf32> to vector<2000x1xf32>
    %get3A_14 = arith.constant 1 : index
    %get3A_15 = arith.constant 0 : index
    %get3A_16 = arith.constant 32 : index
    %get3A_17 = vector.load %arg1[%get3A_14, %get3A_15, %get3A_16] : memref<2x2000x48xf32, #tpu.memory_space<vmem>>, vector<1x2000x1xf32>
    %get3A_18 = vector.shape_cast %get3A_17 : vector<1x2000x1xf32> to vector<2000x1xf32>
    %add3A_19 = arith.addf %get3A_13, %get3A_18 : vector<2000x1xf32>
    %jit3A = arith.constant 1.000000e+00 : f32
    %max3A = vector.broadcast %jit3A : f32 to vector<2000x1xf32>
    %max3A_20 = arith.maximumf %max3A, %add3A_19 : vector<2000x1xf32>
    %div3A = vector.broadcast %max3A_20 : vector<2000x1xf32> to vector<2000x32xf32>
    %div3A_21 = arith.divf %add3A, %div3A : vector<2000x32xf32>
    %get3A_22 = arith.constant 0 : index
    %get3A_23 = arith.constant 0 : index
    %get3A_24 = vector.load %arg3[%get3A_22, %get3A_23] : memref<1x32xf32, #tpu.memory_space<vmem>>, vector<1x32xf32>
    %get3A_25 = vector.shape_cast %get3A_24 : vector<1x32xf32> to vector<32xf32>
    %broadcast_in_dim3A = vector.shape_cast %get3A_25 : vector<32xf32> to vector<1x32xf32>
    %add3A_26 = vector.broadcast %broadcast_in_dim3A : vector<1x32xf32> to vector<2000x32xf32>
    %add3A_27 = arith.addf %div3A_21, %add3A_26 : vector<2000x32xf32>
    %get3A_28 = arith.constant 0 : index
    %get3A_29 = arith.constant 0 : index
    %get3A_30 = vector.load %arg2[%get3A_28, %get3A_29] : memref<2000x32xf32, #tpu.memory_space<vmem>>, vector<2000x32xf32>
    %add3A_31 = arith.addf %add3A_27, %get3A_30 : vector<2000x32xf32>
    %mul3A = arith.mulf %add3A_31, %add3A_31 : vector<2000x32xf32>
    %reduce_sum3A = arith.constant dense<0.000000e+00> : vector<2000xf32>
    %reduce_sum3A_32 = vector.multi_reduction <add>, %mul3A, %reduce_sum3A [1] : vector<2000x32xf32> to vector<2000xf32>
    %broadcast_in_dim3A_33 = vector.shape_cast %reduce_sum3A_32 : vector<2000xf32> to vector<2000x1xf32>
    %sqrt3A = math.sqrt %broadcast_in_dim3A_33 : vector<2000x1xf32>
    %jit3A_34 = arith.constant 9.99999996E-13 : f32
    %max3A_35 = vector.broadcast %jit3A_34 : f32 to vector<2000x1xf32>
    %max3A_36 = arith.maximumf %max3A_35, %sqrt3A : vector<2000x1xf32>
    %div3A_37 = vector.broadcast %max3A_36 : vector<2000x1xf32> to vector<2000x32xf32>
    %div3A_38 = arith.divf %add3A_31, %div3A_37 : vector<2000x32xf32>
    %swap3A = arith.constant 0 : index
    %swap3A_39 = arith.constant 0 : index
    %swap3A_40 = vector.load %arg6[%swap3A, %swap3A_39] : memref<2000x32xf32, #tpu.memory_space<vmem>>, vector<2000x32xf32>
    tpu.vector_store %arg6[%swap3A, %swap3A_39], %div3A_38 {strides = array<i32>} : memref<2000x32xf32, #tpu.memory_space<vmem>>, vector<2000x32xf32>,
    %max3A_41 = arith.constant 0.000000e+00 : f32
    %max3A_42 = vector.broadcast %max3A_41 : f32 to vector<2000x32xf32>
    %max3A_43 = arith.maximumf %div3A_38, %max3A_42 : vector<2000x32xf32>
    %get3A_44 = arith.constant 0 : index
    %get3A_45 = arith.constant 0 : index
    %get3A_46 = vector.load %arg4[%get3A_44, %get3A_45] : memref<32x32xf32, #tpu.memory_space<vmem>>, vector<32x32xf32>
    %dot_general3A = arith.constant dense<0.000000e+00> : vector<2000x32xf32>
    %dot_general3A_47 = tpu.matmul %max3A_43, %get3A_46, %dot_general3A {dimension_numbers = #tpu.dot_dimension_numbers<[1], [1], [0], [0], [0, 0, 1, 0], [], []>, transpose_lhs_hint = false} : vector<2000x32xf32>, vector<32x32xf32>, vector<2000x32xf32> -> vector<2000x32xf32>
    %swap3A_48 = arith.constant 0 : index
    %swap3A_49 = arith.constant 0 : index
    %swap3A_50 = vector.load %arg7[%swap3A_48, %swap3A_49] : memref<2000x32xf32, #tpu.memory_space<vmem>>, vector<2000x32xf32>
    tpu.vector_store %arg7[%swap3A_48, %swap3A_49], %dot_general3A_47 {strides = array<i32>} : memref<2000x32xf32, #tpu.memory_space<vmem>>, vector<2000x32xf32>,
    %get3A_51 = arith.constant 0 : index
    %get3A_52 = arith.constant 0 : index
    %get3A_53 = vector.load %arg5[%get3A_51, %get3A_52] : memref<32x32xf32, #tpu.memory_space<vmem>>, vector<32x32xf32>
    %dot_general3A_54 = arith.constant dense<0.000000e+00> : vector<2000x32xf32>
    %dot_general3A_55 = tpu.matmul %max3A_43, %get3A_53, %dot_general3A_54 {dimension_numbers = #tpu.dot_dimension_numbers<[1], [1], [0], [0], [0, 0, 1, 0], [], []>, transpose_lhs_hint = false} : vector<2000x32xf32>, vector<32x32xf32>, vector<2000x32xf32> -> vector<2000x32xf32>
    %swap3A_56 = arith.constant 0 : index
    %swap3A_57 = arith.constant 0 : index
    %swap3A_58 = vector.load %arg8[%swap3A_56, %swap3A_57] : memref<2000x32xf32, #tpu.memory_space<vmem>>, vector<2000x32xf32>
    tpu.vector_store %arg8[%swap3A_56, %swap3A_57], %dot_general3A_55 {strides = array<i32>} : memref<2000x32xf32, #tpu.memory_space<vmem>>, vector<2000x32xf32>,
    return
  }
  func.func @transform_0(%arg0: i32) -> (i32, i32, i32) {
    %c0_i32 = arith.constant 0 : i32
    %c0_i32_0 = arith.constant 0 : i32
    %c0_i32_1 = arith.constant 0 : i32
    return %c0_i32, %arg0, %c0_i32_0 : i32, i32, i32
  }
  func.func @transform_1(%arg0: i32) -> (i32, i32) {
    %c0_i32 = arith.constant 0 : i32
    %c0_i32_0 = arith.constant 0 : i32
    return %arg0, %c0_i32 : i32, i32
  }
  func.func @transform_2(%arg0: i32) -> (i32, i32) {
    %c0_i32 = arith.constant 0 : i32
    %c0_i32_0 = arith.constant 0 : i32
    %c0_i32_1 = arith.constant 0 : i32
    return %c0_i32, %c0_i32_0 : i32, i32
  }
  func.func @transform_3(%arg0: i32) -> (i32, i32) {
    %c0_i32 = arith.constant 0 : i32
    %c0_i32_0 = arith.constant 0 : i32
    %c0_i32_1 = arith.constant 0 : i32
    return %c0_i32, %c0_i32_0 : i32, i32
  }
  func.func @transform_4(%arg0: i32) -> (i32, i32) {
    %c0_i32 = arith.constant 0 : i32
    %c0_i32_0 = arith.constant 0 : i32
    %c0_i32_1 = arith.constant 0 : i32
    return %c0_i32, %c0_i32_0 : i32, i32
  }
  func.func @transform_5(%arg0: i32) -> (i32, i32) {
    %c0_i32 = arith.constant 0 : i32
    %c0_i32_0 = arith.constant 0 : i32
    return %arg0, %c0_i32 : i32, i32
  }
  func.func @transform_6(%arg0: i32) -> (i32, i32) {
    %c0_i32 = arith.constant 0 : i32
    %c0_i32_0 = arith.constant 0 : i32
    return %arg0, %c0_i32 : i32, i32
  }
  func.func @transform_7(%arg0: i32) -> (i32, i32) {
    %c0_i32 = arith.constant 0 : i32
    %c0_i32_0 = arith.constant 0 : i32
    return %arg0, %c0_i32 : i32, i32
  }
}

module attributes {stable_mosaic.version = 14 : i64} {
  func.func @_post_body(%arg0: i32, %arg1: memref<2x2000x32xf32, #tpu.memory_space<vmem>>, %arg2: memref<2x2000x48xf32, #tpu.memory_space<vmem>>, %arg3: memref<2000x32xf32, #tpu.memory_space<vmem>>, %arg4: memref<1x32xf32, #tpu.memory_space<vmem>>, %arg5: memref<2000x32xf32, #tpu.memory_space<vmem>>) attributes {dimension_semantics = [#tpu.dimension_semantics<arbitrary>], iteration_bounds = array<i64: 5>, scalar_prefetch = 0 : i64, scratch_operands = 0 : i64, tpu.core_type = #tpu.core_type<tc>, window_params = [{transform_indices = @transform_0, window_bounds = array<i64: 2, 2000, 32>}, {transform_indices = @transform_1, window_bounds = array<i64: 2, 2000, 48>}, {transform_indices = @transform_2, window_bounds = array<i64: 2000, 32>}, {pipeline_mode = #tpu.pipeline_mode<synchronous>, transform_indices = @transform_3, window_bounds = array<i64: 1, 32>}, {transform_indices = @transform_4, window_bounds = array<i64: 2000, 32>}]} {
    %get3A = arith.constant 0 : index
    %get3A_0 = arith.constant 0 : index
    %get3A_1 = arith.constant 0 : index
    %get3A_2 = vector.load %arg1[%get3A, %get3A_0, %get3A_1] : memref<2x2000x32xf32, #tpu.memory_space<vmem>>, vector<1x2000x32xf32>
    %get3A_3 = vector.shape_cast %get3A_2 : vector<1x2000x32xf32> to vector<2000x32xf32>
    %get3A_4 = arith.constant 1 : index
    %get3A_5 = arith.constant 0 : index
    %get3A_6 = arith.constant 0 : index
    %get3A_7 = vector.load %arg1[%get3A_4, %get3A_5, %get3A_6] : memref<2x2000x32xf32, #tpu.memory_space<vmem>>, vector<1x2000x32xf32>
    %get3A_8 = vector.shape_cast %get3A_7 : vector<1x2000x32xf32> to vector<2000x32xf32>
    %add3A = arith.addf %get3A_3, %get3A_8 : vector<2000x32xf32>
    %get3A_9 = arith.constant 0 : index
    %get3A_10 = arith.constant 0 : index
    %get3A_11 = arith.constant 32 : index
    %get3A_12 = vector.load %arg2[%get3A_9, %get3A_10, %get3A_11] : memref<2x2000x48xf32, #tpu.memory_space<vmem>>, vector<1x2000x1xf32>
    %get3A_13 = vector.shape_cast %get3A_12 : vector<1x2000x1xf32> to vector<2000x1xf32>
    %get3A_14 = arith.constant 1 : index
    %get3A_15 = arith.constant 0 : index
    %get3A_16 = arith.constant 32 : index
    %get3A_17 = vector.load %arg2[%get3A_14, %get3A_15, %get3A_16] : memref<2x2000x48xf32, #tpu.memory_space<vmem>>, vector<1x2000x1xf32>
    %get3A_18 = vector.shape_cast %get3A_17 : vector<1x2000x1xf32> to vector<2000x1xf32>
    %add3A_19 = arith.addf %get3A_13, %get3A_18 : vector<2000x1xf32>
    %jit3A = arith.constant 1.000000e+00 : f32
    %max3A = vector.broadcast %jit3A : f32 to vector<2000x1xf32>
    %max3A_20 = arith.maximumf %max3A, %add3A_19 : vector<2000x1xf32>
    %div3A = vector.broadcast %max3A_20 : vector<2000x1xf32> to vector<2000x32xf32>
    %div3A_21 = arith.divf %add3A, %div3A : vector<2000x32xf32>
    %get3A_22 = arith.constant 0 : index
    %get3A_23 = arith.constant 0 : index
    %get3A_24 = vector.load %arg4[%get3A_22, %get3A_23] : memref<1x32xf32, #tpu.memory_space<vmem>>, vector<1x32xf32>
    %get3A_25 = vector.shape_cast %get3A_24 : vector<1x32xf32> to vector<32xf32>
    %broadcast_in_dim3A = vector.shape_cast %get3A_25 : vector<32xf32> to vector<1x32xf32>
    %add3A_26 = vector.broadcast %broadcast_in_dim3A : vector<1x32xf32> to vector<2000x32xf32>
    %add3A_27 = arith.addf %div3A_21, %add3A_26 : vector<2000x32xf32>
    %get3A_28 = arith.constant 0 : index
    %get3A_29 = arith.constant 0 : index
    %get3A_30 = vector.load %arg3[%get3A_28, %get3A_29] : memref<2000x32xf32, #tpu.memory_space<vmem>>, vector<2000x32xf32>
    %add3A_31 = arith.addf %add3A_27, %get3A_30 : vector<2000x32xf32>
    %mul3A = arith.mulf %add3A_31, %add3A_31 : vector<2000x32xf32>
    %reduce_sum3A = arith.constant dense<0.000000e+00> : vector<2000xf32>
    %reduce_sum3A_32 = vector.multi_reduction <add>, %mul3A, %reduce_sum3A [1] : vector<2000x32xf32> to vector<2000xf32>
    %broadcast_in_dim3A_33 = vector.shape_cast %reduce_sum3A_32 : vector<2000xf32> to vector<2000x1xf32>
    %sqrt3A = math.sqrt %broadcast_in_dim3A_33 : vector<2000x1xf32>
    %jit3A_34 = arith.constant 9.99999996E-13 : f32
    %max3A_35 = vector.broadcast %jit3A_34 : f32 to vector<2000x1xf32>
    %max3A_36 = arith.maximumf %max3A_35, %sqrt3A : vector<2000x1xf32>
    %div3A_37 = vector.broadcast %max3A_36 : vector<2000x1xf32> to vector<2000x32xf32>
    %div3A_38 = arith.divf %add3A_31, %div3A_37 : vector<2000x32xf32>
    %reduce_max3A = arith.constant dense<0xFF800000> : vector<2000xf32>
    %reduce_max3A_39 = vector.multi_reduction <maximumf>, %div3A_38, %reduce_max3A [1] : vector<2000x32xf32> to vector<2000xf32>
    %broadcast_in_dim3A_40 = vector.shape_cast %reduce_max3A_39 : vector<2000xf32> to vector<2000x1xf32>
    %sub3A = vector.broadcast %broadcast_in_dim3A_40 : vector<2000x1xf32> to vector<2000x32xf32>
    %sub3A_41 = arith.subf %div3A_38, %sub3A : vector<2000x32xf32>
    %exp3A = math.exp %sub3A_41 : vector<2000x32xf32>
    %reduce_sum3A_42 = arith.constant dense<0.000000e+00> : vector<2000xf32>
    %reduce_sum3A_43 = vector.multi_reduction <add>, %exp3A, %reduce_sum3A_42 [1] : vector<2000x32xf32> to vector<2000xf32>
    %broadcast_in_dim3A_44 = vector.shape_cast %reduce_sum3A_43 : vector<2000xf32> to vector<2000x1xf32>
    %log3A = math.log %broadcast_in_dim3A_44 : vector<2000x1xf32>
    %add3A_45 = arith.addf %log3A, %broadcast_in_dim3A_40 : vector<2000x1xf32>
    %sub3A_46 = vector.broadcast %add3A_45 : vector<2000x1xf32> to vector<2000x32xf32>
    %sub3A_47 = arith.subf %div3A_38, %sub3A_46 : vector<2000x32xf32>
    %swap3A = arith.constant 0 : index
    %swap3A_48 = arith.constant 0 : index
    %swap3A_49 = vector.load %arg5[%swap3A, %swap3A_48] : memref<2000x32xf32, #tpu.memory_space<vmem>>, vector<2000x32xf32>
    tpu.vector_store %arg5[%swap3A, %swap3A_48], %sub3A_47 {strides = array<i32>} : memref<2000x32xf32, #tpu.memory_space<vmem>>, vector<2000x32xf32>,
    return
  }
  func.func @transform_0(%arg0: i32) -> (i32, i32, i32) {
    %c0_i32 = arith.constant 0 : i32
    %c0_i32_0 = arith.constant 0 : i32
    %c0_i32_1 = arith.constant 0 : i32
    return %c0_i32, %arg0, %c0_i32_0 : i32, i32, i32
  }
  func.func @transform_1(%arg0: i32) -> (i32, i32, i32) {
    %c0_i32 = arith.constant 0 : i32
    %c0_i32_0 = arith.constant 0 : i32
    %c0_i32_1 = arith.constant 0 : i32
    return %c0_i32, %arg0, %c0_i32_0 : i32, i32, i32
  }
  func.func @transform_2(%arg0: i32) -> (i32, i32) {
    %c0_i32 = arith.constant 0 : i32
    %c0_i32_0 = arith.constant 0 : i32
    return %arg0, %c0_i32 : i32, i32
  }
  func.func @transform_3(%arg0: i32) -> (i32, i32) {
    %c0_i32 = arith.constant 0 : i32
    %c0_i32_0 = arith.constant 0 : i32
    %c0_i32_1 = arith.constant 0 : i32
    return %c0_i32, %c0_i32_0 : i32, i32
  }
  func.func @transform_4(%arg0: i32) -> (i32, i32) {
    %c0_i32 = arith.constant 0 : i32
    %c0_i32_0 = arith.constant 0 : i32
    return %arg0, %c0_i32 : i32, i32
  }
}

</mosaic_0001>

<sc_bundles>
// kernel: kernel.10.cloned.1.call-start
scs
__scs_entry_jumppad:
0x0: {  	(pc) =	sbr.rel $0x88, $3  }
0x1: {  	(tag) =	ssettag $0x0;
	lr =	simm.s32 $0x1  }
0x2: {  	[smem:$0x3F99] =	sst lr;
	_ =	strace $0xD0000000  }
0x3: {  	_ = 	snop  }
0x4: {  	_ = 	snop  }
0x5: {  	_ = 	snop  }
0x6: {  	_ = 	snop  }
0x7: {  	_ = 	snop  }
__scs_overlays_trampoline_lowered:
0x8: {  	[smem:$0x3FA8] =	sst s0  }
0x9: {  	[smem:$0x3FA9] =	sst s1  }
0xa: {  	[smem:$0x3FAA] =	sst s2  }
0xb: {  	[smem:$0x3FAB] =	sst s3  }
0xc: {  	[smem:$0x3FAC] =	sst s4  }
0xd: {  	[smem:$0x3FAD] =	sst s5  }
0xe: {  	[smem:$0x3FAE] =	sst s6  }
0xf: {  	[smem:$0x3FAF] =	sst s7  }
0x10: {  	[smem:$0x3FB0] =	sst s8  }
0x11: {  	[smem:$0x3FB1] =	sst s9;
	s0 =	simm.s32 @!p0 $0x0  }
0x12: {  	s1 =	sld [smem:$0x3F97];
	s0 =	simm.s32 @p0 $0x1  }
0x13: {  	[smem:$0x3FB2] =	sst s0;
	s0 =	simm.s32 @!p1 $0x0  }
0x14: {  	s2 =	sld [smem:$0x3F96];
	s0 =	simm.s32 @p1 $0x1  }
0x15: {  	[smem:$0x3FB3] =	sst s0;
	s0 =	simm.s32 @!p2 $0x0  }
0x16: {  	s3 =	sld [smem:$0x3FDB];
	s0 =	simm.s32 @p2 $0x1  }
0x17: {  	s4 =	simm.s32 $0x1BF5;
	[smem:$0x3FB5] =	sst s0  }
0x18: {  	s0 =	sld [smem:$0x3F98];
	_ =	swait.ge [sflag:s4], $0x0  }
0x19: {  	s7 =	sld [smem:$0x3F99]  }
0x1a: {  	s8 =	sadd.s32 $0xFFFFE003, lr  }
0x1b: {  	s9 =	sadd.s32 $0xFFFFFEF7, lr;
	s5 =	simm.s32 $0xFFFFFFFF;
	p2 =	slt.u32 s8, $0xFFFFF086  }
0x1c: {  	p1 =	slt.u32 s9, $0xF7A;
	s5 =	simm.s32 @!p2 $0x0  }
0x1d: {  	s5 =	simm.s32 @p1 $0x1;
	p0 =	seq.s32 s7, s2  }
0x1e: {  	s7 =	smul.u32 @!p0 $0xF7A, s2;
	p2 =	seq.s32 @!p0 s5, $0x0  }
0x1f: {  	s9 =	smul.u32 $0xF7A, s1;
	s8 =	simm.s32 @!p0 $0x1BF5;
	p2 =	por !p2, p0  }
0x20: {  	[sflag:s8] =	ssyncset.s32 @!p0 $0xFFFFF086;
	s6 =	sadd.s32 @!p0 s3, s7;
	s7 =	simm.s32 @!p0 $0x108  }
0x21: {  	s3 =	sadd.s32 s3, s9;
	s6 =	sadd.s32 @!p0 $0x88, s6;
	s7 =	simm.s32 @p2 $0x1082  }
0x22: {  	[simem:s7], [sflag:s8] =	dma.local @!p0 [hbm:s6], $0xF7A  }
0x23: {  	s9 =	sor.u32 $0xD0000000, s2;
	s6 =	simm.s32 $0x108;
	_ =	swait.ge @!p0 [sflag:s8], $0x0  }
0x24: {  	s3 =	sadd.s32 $0x88, s3;
	s6 =	simm.s32 @!p1 $0x1082;
	[sflag:s4] =	ssyncset.s32 $0xFFFFF086  }
0x25: {  	[simem:s6], [sflag:s4] =	dma.local [hbm:s3], $0xF7A  }
0x26: {  	[smem:$0x3F99] =	sst s1;
	(tag) =	ssettag s2;
	_ =	strace s9  }
0x27: {  	s1 =	sld [smem:$0x3FA9]  }
0x28: {  	s2 =	sld [smem:$0x3FAA]  }
0x29: {  	s4 =	sld [smem:$0x3FAC]  }
0x2a: {  	p0 =	seq.s32 s5, $0x0;
	s5 =	sld [smem:$0x3FAD]  }
0x2b: {  	s6 =	sld [smem:$0x3FAE]  }
0x2c: {  	s7 =	sld [smem:$0x3FAF]  }
0x2d: {  	s3 =	simm.s32 $0x108;
	s8 =	sld [smem:$0x3FB0]  }
0x2e: {  	s3 =	simm.s32 @!p0 $0x1082;
	s9 =	sld [smem:$0x3FB1]  }
0x2f: {  	lr =	sadd.s32 s0, s3;
	s0 =	sld [smem:$0x3FA8]  }
0x30: {  	s3 =	sld [smem:$0x3FAB]  }
0x31: {  	[smem:$0x3FB4] =	sst s10  }
0x32: {  	s10 =	sld [smem:$0x3FB2];
	_ =	sdelay $0x3  }
0x33: {  	p0 =	seq.s32 s10, $0x1;
	s10 =	sld [smem:$0x3FB4];
	_ =	sdelay $0x3  }
0x34: {  	[smem:$0x3FB4] =	sst s10  }
0x35: {  	s10 =	sld [smem:$0x3FB3];
	_ =	sdelay $0x3  }
0x36: {  	p1 =	seq.s32 s10, $0x1;
	s10 =	sld [smem:$0x3FB4];
	_ =	sdelay $0x3  }
0x37: {  	[smem:$0x3FB4] =	sst s10  }
0x38: {  	s10 =	sld [smem:$0x3FB5]  }
0x39: {  	_ = 	snop;
	(pc) =	sbr.ind lr, $3  }
0x3a: {  	_ = 	snop  }
0x3b: {  	_ = 	snop  }
0x3c: {  	p2 =	seq.s32 s10, $0x1;
	s10 =	sld [smem:$0x3FB4]  }
0x3d: {  	_ =	shalt  }
0x3e: {  	_ =	shalt  }
0x3f: {  	_ =	shalt  }
0x40: {  	_ =	shalt  }
0x41: {  	_ =	shalt  }
0x42: {  	_ =	shalt  }
0x43: {  	_ =	shalt  }
0x44: {  	_ =	shalt  }
0x45: {  	_ =	shalt  }
0x46: {  	_ =	shalt  }
0x47: {  	_ =	shalt  }
0x48: {  	_ =	shalt  }
0x49: {  	_ =	shalt  }
0x4a: {  	_ =	shalt  }
0x4b: {  	_ =	shalt  }
0x4c: {  	_ =	shalt  }
0x4d: {  	_ =	shalt  }
0x4e: {  	_ =	shalt  }
0x4f: {  	_ =	shalt  }
0x50: {  	_ =	shalt  }
0x51: {  	_ =	shalt  }
0x52: {  	_ =	shalt  }
0x53: {  	_ =	shalt  }
0x54: {  	_ =	shalt  }
0x55: {  	_ =	shalt  }
0x56: {  	_ =	shalt  }
0x57: {  	_ =	shalt  }
0x58: {  	_ =	shalt  }
0x59: {  	_ =	shalt  }
0x5a: {  	_ =	shalt  }
0x5b: {  	_ =	shalt  }
0x5c: {  	_ =	shalt  }
0x5d: {  	_ =	shalt  }
0x5e: {  	_ =	shalt  }
0x5f: {  	_ =	shalt  }
0x60: {  	_ =	shalt  }
0x61: {  	_ =	shalt  }
0x62: {  	_ =	shalt  }
0x63: {  	_ =	shalt  }
0x64: {  	_ =	shalt  }
0x65: {  	_ =	shalt  }
0x66: {  	_ =	shalt  }
0x67: {  	_ =	shalt  }
0x68: {  	_ =	shalt  }
0x69: {  	_ =	shalt  }
0x6a: {  	_ =	shalt  }
0x6b: {  	_ =	shalt  }
0x6c: {  	_ =	shalt  }
0x6d: {  	_ =	shalt  }
0x6e: {  	_ =	shalt  }
0x6f: {  	_ =	shalt  }
0x70: {  	_ =	shalt  }
0x71: {  	_ =	shalt  }
0x72: {  	_ =	shalt  }
0x73: {  	_ =	shalt  }
0x74: {  	_ =	shalt  }
0x75: {  	_ =	shalt  }
0x76: {  	_ =	shalt  }
0x77: {  	_ =	shalt  }
0x78: {  	_ =	shalt  }
0x79: {  	_ =	shalt  }
0x7a: {  	_ =	shalt  }
0x7b: {  	_ =	shalt  }
0x7c: {  	_ =	shalt  }
0x7d: {  	_ =	shalt  }
0x7e: {  	_ =	shalt  }
0x7f: {  	_ =	shalt  }
0x80: {  	_ =	shalt  }
0x81: {  	_ =	shalt  }
0x82: {  	_ =	shalt  }
0x83: {  	_ =	shalt  }
0x84: {  	_ =	shalt  }
0x85: {  	_ =	shalt  }
0x86: {  	_ =	shalt  }
0x87: {  	_ =	shalt  }
.Lfunc_end0:
.L_simem_size_0:
called_computation.1_lowered:
.L_overlay_start_0:
0x88: {  	s2 =	sld [smem:$0x3FD9]  }
0x89: {  	s3 =	sld [smem:$0x3FFE];
	_ =	sdelay $0x1  }
0x8a: {  	s1 =	srdreg.scid  }
0x8b: {  	s0 =	sand.u32 $0x1, s1  }
0x8c: {  	s14 =	sshll.u32 s0, $0xA;
	s2 =	sadd.s32 s3, s2  }
0x8d: {  	s2 =	sadd.s32 s2, s14  }
0x8e: {  	[smem:$0x3FC0] =	sst s2  }
0x8f: {  	_ = 	snop  }
0x90: {  	s2 =	sld [smem:$0x3FD0];
	_ =	sdelay $0x2  }
0x91: {  	s15 =	simm.s32 $0xA;
	s4 =	simm.s32 $0x10  }
0x92: {  	[smem:s4], [sflag:s15] =	dma.local [hbm:s2], $0x1  }
0x93: {  	_ =	swait.eq [sflag:s15], $0x1  }
0x94: {  	[sflag:s15] =	ssyncset.done $0x0  }
0x95: {  	[sflag:s15] =	ssyncadd.s32 $0xFFFFFFFF  }
0x96: {  	s16 =	sld [smem:$0x11];
	(tm) =	ssettm $0x1  }
0x97: {  	s17 =	sld [smem:$0x3FFB];
	_ =	sdelay $0x3  }
0x98: {  	_ =	strace s17  }
0x99: {  	s3 =	sld [smem:$0x3FFC];
	_ =	sdelay $0x3  }
0x9a: {  	_ =	strace s3  }
0x9b: {  	s3 =	sld [smem:$0x3FFD];
	_ =	sdelay $0x3  }
0x9c: {  	_ =	strace s3  }
0x9d: {  	_ =	strace $0x8FFFFFFF  }
0x9e: {  	s18 =	sld [smem:$0x3FDB];
	_ =	sdelay $0x1  }
0x9f: {  	s19 =	simm.s32 $_scs_section_size  }
0xa0: {  	s5 =	simm.s32 $_size__tile_overlayer_lowered;
	s6 =	simm.s32 $_tile_overlayer_lowered  }
0xa1: {  	s22 =	simm.s32 $0x1BFF;
	s21 =	sshll.u32 s6, $0x1;
	s3 =	sadd.s32 s19, s18  }
0xa2: {  	s7 =	simm.s32 $0x0;
	s20 =	sshll.u32 s5, $0x1;
	s5 =	sadd.s32 s21, s3  }
0xa3: {  	[timem:s7], [sflag:s22] =	dma.local [hbm:s5], s20  }
0xa4: {  	_ =	swait.ge [sflag:s22], s20  }
0xa5: {  	s4 =	ssub.s32 $0x0, s20;
	[sflag:s22] =	ssyncset.done $0x0  }
0xa6: {  	[sflag:s22] =	ssyncadd.s32 s4;
	_ =	sdelay $0x1  }
0xa7: {  	s23 =	simm.s32 $0x1B8B  }
0xa8: {  	_ =	swait.ge [sflag:s23], $0x1  }
0xa9: {  	[sflag:s23] =	ssyncset.done $0x0  }
0xaa: {  	s25 =	simm.s32 $0x1B8E;
	s24 =	sld [smem:$0x3FFE];
	[sflag:s23] =	ssyncadd.s32 $0xFFFFFFFF  }
0xab: {  	s26 =	simm.s32 $execute0_lowered;
	[smem:$0x3FD2] =	sst s25  }
0xac: {  	s5 =	sshll.u32 s26, $0x1;
	_ =	strace $0x80000049;
	[dreg:$0x1] =	wrdreg $0xFFFFFFFF  }
0xad: {  	s28 =	simm.s32 $_size_execute0_lowered;
	s3 =	sadd.s32 s3, s5;
	[dreg:$0x0] =	wrdreg $0x0  }
0xae: {  	s5 =	sshll.u32 s28, $0x1;
	[dreg:$0x2] =	wrdreg s3  }
0xaf: {  	[dreg:$0x3] =	wrdreg s5  }
0xb0: {  	[dreg:$0x4] =	wrdreg $0xC0  }
0xb1: {  	_ =	task [dreg:s7], $0x5FFFF  }
0xb2: {  	[dreg:$0x1] =	wrdreg $0xFFFFFFFF  }
0xb3: {  	[dreg:$0x0] =	wrdreg $0x60  }
0xb4: {  	[dreg:$0x2] =	wrdreg s16  }
0xb5: {  	[dreg:$0x3] =	wrdreg s24  }
0xb6: {  	[dreg:$0x4] =	wrdreg $0x90000  }
0xb7: {  	[dreg:$0x5] =	wrdreg $0xDE200  }
0xb8: {  	[dreg:$0x6] =	wrdreg $0x9  }
0xb9: {  	_ =	task.clear_ibuf [dreg:s7], $0x7FFFF;
	_ =	strace $0x90000049  }
0xba: {  	s29 =	simm.s32 $0x9;
	_ =	strace $0x8000004B  }
0xbb: {  	_ =	swait.ge [sflag:s29], $0x1  }
0xbc: {  	[sflag:s29] =	ssyncadd.s32 $0xFFFFFFFF  }
0xbd: {  	_ =	strace $0x9000004B  }
0xbe: {  	_ =	sfence  }
0xbf: {  	s30 =	sld [smem:$0x0];
	_ =	sdelay $0x2  }
0xc0: {  	s31 =	sshll.u32 s1, $0xD;
	s1 =	sshrl.u32 s1, $0x2  }
0xc1: {  	s3 =	sand.u32 $0x4000, s31;
	s1 =	sadd.s32 s1, s30  }
0xc2: {  	s0 =	sor.u32 s3, s0;
	s1 =	sshll.u32 s1, $0x11  }
0xc3: {  	s0 =	sor.u32 s1, s0  }
0xc4: {  	s0 =	sadd.s32 $0x8F2B, s0  }
0xc5: {  	[sflag:s0] =	ssyncadd.remote.s32 $0x1  }
0xc6: {  	_ =	sfence.sel $0xFFFF  }
0xc7: {  	[dreg:$0x0] =	wrdreg $0xFFFFFFFF;
	(pc) =	sbr.abs _section_cstart, $3  }
0xc8: {  	[dreg:$0x1] =	wrdreg $0xFFFFFFFF  }
0xc9: {  	_ =	task.clear_ibuf [dreg:s7], $0x2FFFF;
	_ =	strace $0x9FFFFFFF  }
0xca: {  	(tm) =	ssettm $0x7FFFFFFF  }
0xcb: {  	_ =	shalt  }
tec
execute0_lowered:
.L_overlay_start_1:
0x0: {  	(tag) =	ssettag $0x1  }
0x1: {  	s0 =	rddreg [dreg:$0x0]  }
0x2: {  	s1 =	rddreg [dreg:$0x1]  }
0x3: {  	s3 =	srdreg.scid;
	s17 =	stileid.u32  }
0x4: {  	s2 =	rddreg [dreg:$0x2];
	s7 =	simm.s32 $0x0;
	s5 =	smul.u32 $0x4F00, s17  }
0x5: {  	s28 =	simm.s32 $0x7;
	s29 =	simm.s32 $0x8;
	s10 =	smul.u32 $0x4E20, s17  }
0x6: {  	s31 =	simm.s32 $0x6000;
	s30 =	simm.s32 $0x4;
	s16 =	smul.u32 $0x13C00, s17  }
0x7: {  	s4 =	sand.u32 $0x1, s3;
	s3 =	rddreg [dreg:$0x3];
	s21 =	smul.u32 $0x2710, s17  }
0x8: {  	[smem:$0x7FF] =	sst s7;
	s7 =	sadd.s32 $0x1A00, s1;
	s6 =	smul.u32 $0x4F000, s4  }
0x9: {  	_ =	strace $0x8000004A;
	s14 =	ssub.s32 $0x2, s4;
	s9 =	sshll.u32 s4, $0x4  }
0xa: {  	s4 =	smul.u32 $0x27100, s4;
	s8 =	sshrl.u32 s14, $0x1;
	s15 =	sor.u32 s17, s9  }
0xb: {  	s19 =	sadd.s32 s10, s2;
	s18 =	sshrl.u32 s10, $0x3;
	s20 =	sshrl.u32 s16, $0x2  }
0xc: {  	s16 =	simm.s32 $0x4E200;
	s17 =	sshll.u32 s17, $0x6;
	s6 =	sadd.s32 s5, s6  }
0xd: {  	s8 =	ssub.s32 s14, s8;
	s11 =	smul.u32 $0x2710, s15;
	s0 =	sadd.s32 s0, s18  }
0xe: {  	s4 =	sadd.s32 s21, s4;
	s15 =	simm.s32 $0x80;
	s18 =	sor.u32 $0x1C02, s17  }
0xf: {  	s19 =	sshrl.u32 s19, $0x3;
	s21 =	simm.s32 $0x7000;
	s6 =	sshrl.u32 s6, $0x3  }
0x10: {  	[dreg:$0x5] =	wrdreg s0;
	s0 =	sadd.s32 s20, s3;
	s26 =	sshrl.u32 s4, $0x3  }
0x11: {  	s13 =	smax.u32 s8, $0x1;
	s20 =	simm.s32 $0x5000;
	s4 =	simm.s32 $0xA  }
0x12: {  	s1 =	sadd.s32 s6, s1;
	s6 =	sadd.s32 s5, s3;
	s22 =	sadd.s32 $0x1000, s0  }
0x13: {  	s23 =	sadd.s32 $0x2000, s0;
	s24 =	sshrl.u32 s11, $0x3;
	s25 =	sadd.s32 $0x3000, s0  }
0x14: {  	s0 =	sadd.s32 $0x4000, s0;
	s14 =	sadd.s32 s26, s7;
	[dreg:$0x6] =	wrdreg s22  }
.Ltmp0:
0x15: {  	s26 =	simm.s32 $0x6;
	[dreg:$0x7] =	wrdreg s23;
	(pc) =	sbr.rel .LBB2_1-.Ltmp0, $4  }
0x16: {  	s5 =	simm.s32 $0x0;
	[dreg:$0x8] =	wrdreg s25;
	s9 =	sadd.s32 s7, s24  }
0x17: {  	[dreg:$0x9] =	wrdreg s0;
	s12 =	sadd.s32 $0x15400, s1;
	s23 =	simm.s32 $0x9  }
0x18: {  	s24 =	simm.s32 $0x2;
	s25 =	simm.s32 $0x5;
	s1 =	simm.s32 $0x1  }
0x19: {  	v0 =	vimm.f32 $0.0e+00;
	v1 =	vimm.s32 $0x0;
	v2 =	vimm.s32 $0x2710;
	s0 =	simm.s32 $0x8000;
	s22 =	simm.s32 $0x3;
	s11 =	sadd.s32 $0x4E0, s9  }
.LBB2_10:
0x1a: {  	_ =	swait.ge [sflag:s30], $0x1000  }
0x1b: {  	[sflag:s30] =	ssyncset.done $0x0  }
0x1c: {  	[sflag:s30] =	ssyncadd.s32 $0xFFFFF000  }
0x1d: {  	[spmem:s3] =	stream.indirect.scatter.add.f32 [tilespmem:s0], [sflag:$0x8], $0x20, s9, s15, $0xb8;
	[tilespmem:$0x12D20] =	vst v63  }
0x1e: {  	_ =	swait.ge [sflag:s26], $0x1000  }
0x1f: {  	[sflag:s26] =	ssyncset.done $0x0  }
0x20: {  	[sflag:s26] =	ssyncadd.s32 $0xFFFFF000  }
0x21: {  	_ =	swait.ge [sflag:s28], $0x1000  }
0x22: {  	[sflag:s28] =	ssyncset.done $0x0  }
0x23: {  	[sflag:s28] =	ssyncadd.s32 $0xFFFFF000  }
0x24: {  	_ =	swait.ge [sflag:s29], $0x1000  }
0x25: {  	s5 =	sadd.s32 $0x1, s5;
	[sflag:s29] =	ssyncset.done $0x0  }
0x26: {  	s7 =	sor.u32 $0x1C0A, s17;
	p0 =	sne.s32 s5, s13;
	[sflag:s29] =	ssyncadd.s32 $0xFFFFF000  }
.Ltmp1:
0x27: {  	s8 =	sshrl.u32 s6, $0x3;
	[bflag:$0x0] =	sbarrier.arrive $0xFFFF;
	(pc) =	sbr.rel @!p0 .LBB2_11-.Ltmp1, $4  }
0x28: {  	[hbm:s12], [sflag:s7] =	dma.local [spmem:s8], $0x9E0  }
0x29: {  	_ =	swait.ge [sflag:s4], $0x9E0  }
0x2a: {  	[sflag:s4] =	ssyncset.done $0x0  }
0x2b: {  	[sflag:s4] =	ssyncadd.s32 $0xFFFFF620  }
.LBB2_1:
0x2c: {  	s7 =	simm.s32 $0x10  }
0x2d: {  	s10 =	sadd.s32 $0x0, s14;
	s8 =	simm.s32 $0x100;
	s9 =	simm.s32 $0x0  }
.LBB2_2:
0x2e: {  	[tilespmem:s9], [sflag:$0x9] =	stream.strided.gather [hbm4b:s10+s15], $0x100, s16, s15, $0x38;
	[tilespmem:$0x12D20] =	vst v63  }
0x2f: {  	s10 =	smov.u32 s7;
	s9 =	smov.u32 s8;
	p0 =	sne.s32 s7, $0x4D0  }
.Ltmp2:
0x30: {  	s7 =	sadd.s32 $0x10, s7;
	(pc) =	sbr.rel @p0 .LBB2_2-.Ltmp2, $2  }
0x31: {  	_ =	sdelay $0x2  }
0x32: {  	s8 =	sadd.s32 $0x100, s8;
	s10 =	sadd.s32 s10, s14  }
0x33: {  	[tilespmem:s9], [sflag:$0x9] =	stream.strided.gather [hbm4b:s10+s15], $0x100, s16, s15, $0x38;
	[tilespmem:$0x12D20] =	vst v63  }
0x34: {  	s7 =	rddreg [dreg:$0x5]  }
0x35: {  	[spmem:s19], [sflag:s18] =	dma.local [hbm:s7], $0x9C4  }
0x36: {  	s7 =	simm.s32 $0x0  }
0x37: {  	s8 =	sand.u32 $0x3F80, s7  }
0x38: {  	s9 =	sand.u32 $0x10, s7;
	s10 =	sshrl.u32 s8, $0x2  }
0x39: {  	s8 =	simm.s32 $0x40;
	s9 =	sor.u32 s9, s10  }
.LBB2_4:
0x3a: {  	p0 =	sne.s32 s8, $0x3FC0  }
0x3b: {  	[tilespmem:s9+$0x5000] =	vst v0;
	s7 =	sadd.s32 $0x10, s7;
	s9 =	smov.u32 s8;
	s8 =	sadd.s32 $0x40, s8  }
.Ltmp3:
0x3c: {  	(pc) =	sbr.rel @p0 .LBB2_4-.Ltmp3, $4  }
0x3d: {  	_ = 	snop  }
0x3e: {  	s9 =	sand.u32 $0x3F80, s9  }
0x3f: {  	s10 =	sand.u32 $0x10, s7;
	s9 =	sshrl.u32 s9, $0x2  }
0x40: {  	s9 =	sor.u32 s10, s9  }
0x41: {  	[tilespmem:s9+$0x5000] =	vst v0  }
0x42: {  	[spmem:s6] =	stream.linear.scatter [tilespmem:s20], [sflag:$0x5], $0x1000, $0x38;
	[tilespmem:$0x12D20] =	vst v63  }
0x43: {  	s7 =	rddreg [dreg:$0x6]  }
0x44: {  	[spmem:s7] =	stream.linear.scatter [tilespmem:s20], [sflag:$0x6], $0x1000, $0x38;
	[tilespmem:$0x12D20] =	vst v63  }
0x45: {  	s10 =	rddreg [dreg:$0x7]  }
0x46: {  	[spmem:s10] =	stream.linear.scatter [tilespmem:s20], [sflag:$0x7], $0x1000, $0x38;
	[tilespmem:$0x12D20] =	vst v63  }
0x47: {  	s8 =	rddreg [dreg:$0x8]  }
0x48: {  	[spmem:s8] =	stream.linear.scatter [tilespmem:s20], [sflag:$0x8], $0x1000, $0x38;
	[tilespmem:$0x12D20] =	vst v63  }
0x49: {  	s9 =	rddreg [dreg:$0x9]  }
0x4a: {  	[spmem:s9] =	stream.linear.scatter [tilespmem:s20], [sflag:$0x5], $0xF00, $0x38;
	[tilespmem:$0x12D20] =	vst v63  }
0x4b: {  	[tilespmem:$0x4E00] =	vst v1  }
0x4c: {  	[tilespmem:$0x4E80] =	vst v2  }
0x4d: {  	[tilespmem:$0x4E10] =	vst v1  }
0x4e: {  	[tilespmem:$0x4E90] =	vst v2  }
0x4f: {  	[tilespmem:$0x4E20] =	vst v1  }
0x50: {  	[tilespmem:$0x4EA0] =	vst v2  }
0x51: {  	[tilespmem:$0x4E30] =	vst v1  }
0x52: {  	[tilespmem:$0x4EB0] =	vst v2  }
0x53: {  	[tilespmem:$0x4E40] =	vst v1  }
0x54: {  	[tilespmem:$0x4EC0] =	vst v2  }
0x55: {  	[tilespmem:$0x4E50] =	vst v1  }
0x56: {  	[tilespmem:$0x4ED0] =	vst v2  }
0x57: {  	[tilespmem:$0x4E60] =	vst v1  }
0x58: {  	[tilespmem:$0x4EE0] =	vst v2  }
0x59: {  	[tilespmem:$0x4E70] =	vst v1  }
0x5a: {  	[tilespmem:$0x4EF0] =	vst v2  }
0x5b: {  	[tilespmem:$0x4F00] =	vst v1  }
0x5c: {  	[tilespmem:$0x4F80] =	vst v2  }
0x5d: {  	[tilespmem:$0x4F10] =	vst v1  }
0x5e: {  	[tilespmem:$0x4F90] =	vst v2  }
0x5f: {  	[tilespmem:$0x4F20] =	vst v1  }
0x60: {  	[tilespmem:$0x4FA0] =	vst v2  }
0x61: {  	[tilespmem:$0x4F30] =	vst v1  }
0x62: {  	[tilespmem:$0x4FB0] =	vst v2  }
0x63: {  	[tilespmem:$0x4F40] =	vst v1  }
0x64: {  	[tilespmem:$0x4FC0] =	vst v2  }
0x65: {  	[tilespmem:$0x4F50] =	vst v1  }
0x66: {  	[tilespmem:$0x4FD0] =	vst v2  }
0x67: {  	[tilespmem:$0x4F60] =	vst v1  }
0x68: {  	[tilespmem:$0x4FE0] =	vst v2  }
0x69: {  	[tilespmem:$0x4F70] =	vst v1  }
0x6a: {  	s10 =	simm.s32 $0x4E00;
	s8 =	simm.s32 $0x0;
	[tilespmem:$0x4FF0] =	vst v2  }
0x6b: {  	[tilespmem:s10], [sflag:$0x9] =	stream.linear.gather [hbm4b:s11+s8], $0x10, $0x38;
	[tilespmem:$0x12D20] =	vst v63  }
0x6c: {  	s9 =	sadd.s32 $0x9C40, s11;
	s10 =	simm.s32 $0x4E80  }
0x6d: {  	[tilespmem:s10], [sflag:$0x9] =	stream.linear.gather [hbm4b:s9+s8], $0x10, $0x38;
	[tilespmem:$0x12D20] =	vst v63  }
0x6e: {  	_ =	swait.ge [sflag:s23], $0x100  }
0x6f: {  	s7 =	simm.s32 $0x4D;
	[sflag:s23] =	ssyncset.done $0x0  }
.LBB2_6:
0x70: {  	p0 =	sne.s32 s7, $0x1;
	s7 =	sadd.s32 $0xFFFFFFFF, s7;
	[sflag:s23] =	ssyncadd.s32 $0xFFFFFF00  }
.Ltmp4:
0x71: {  	(pc) =	sbr.rel @p0 .LBB2_6-.Ltmp4, $3  }
0x72: {  	_ =	sdelay $0x1  }
0x73: {  	_ =	swait.ge [sflag:s23], $0x100  }
0x74: {  	[sflag:s23] =	ssyncset.done $0x0  }
0x75: {  	[sflag:s23] =	ssyncadd.s32 $0xFFFFFF00  }
0x76: {  	_ =	swait.ge [sflag:s23], $0x20  }
0x77: {  	[sflag:s23] =	ssyncset.done $0x0  }
0x78: {  	[sflag:s23] =	ssyncadd.s32 $0xFFFFFFE0  }
0x79: {  	_ =	swait.ge [sflag:s24], $0x9C4  }
0x7a: {  	[sflag:s24] =	ssyncset.done $0x0  }
0x7b: {  	[sflag:s24] =	ssyncadd.s32 $0xFFFFF63C  }
0x7c: {  	_ =	swait.ge [sflag:s25], $0x1000  }
0x7d: {  	[sflag:s25] =	ssyncset.done $0x0  }
0x7e: {  	[sflag:s25] =	ssyncadd.s32 $0xFFFFF000  }
0x7f: {  	_ =	swait.ge [sflag:s26], $0x1000  }
0x80: {  	[sflag:s26] =	ssyncset.done $0x0  }
0x81: {  	[sflag:s26] =	ssyncadd.s32 $0xFFFFF000  }
0x82: {  	_ =	swait.ge [sflag:s28], $0x1000  }
0x83: {  	[sflag:s28] =	ssyncset.done $0x0  }
0x84: {  	[sflag:s28] =	ssyncadd.s32 $0xFFFFF000  }
0x85: {  	_ =	swait.ge [sflag:s29], $0x1000  }
0x86: {  	[sflag:s29] =	ssyncset.done $0x0  }
0x87: {  	[sflag:s29] =	ssyncadd.s32 $0xFFFFF000  }
0x88: {  	_ =	swait.ge [sflag:s25], $0xF00  }
0x89: {  	[sflag:s25] =	ssyncset.done $0x0  }
0x8a: {  	[sflag:s25] =	ssyncadd.s32 $0xFFFFF100  }
0x8b: {  	s7 =	simm.s32 $0x0;
	[bflag:$0x0] =	sbarrier.arrive $0xFFFF  }
0x8c: {  	[tilespmem:s20], [sflag:$0x1] =	stream.indirect.gather [spmem:s2], $0x20, s7, s15, $0xb8;
	[tilespmem:$0x12D20] =	vst v63  }
0x8d: {  	s8 =	simm.s32 $0x100  }
0x8e: {  	[tilespmem:s31], [sflag:$0x2] =	stream.indirect.gather [spmem:s2], $0x20, s8, s15, $0xb8;
	[tilespmem:$0x12D20] =	vst v63  }
0x8f: {  	_ =	swait.ge [sflag:s1], $0x1000  }
0x90: {  	[sflag:s1] =	ssyncset.done $0x0  }
0x91: {  	[sflag:s1] =	ssyncadd.s32 $0xFFFFF000  }
0x92: {  	[spmem:s3] =	stream.indirect.scatter.add.f32 [tilespmem:s20], [sflag:$0x5], $0x20, s15, s15, $0xb8;
	[tilespmem:$0x12D20] =	vst v63  }
0x93: {  	s10 =	simm.s32 $0x200  }
0x94: {  	[tilespmem:s21], [sflag:$0x3] =	stream.indirect.gather [spmem:s2], $0x20, s10, s15, $0xb8;
	[tilespmem:$0x12D20] =	vst v63  }
0x95: {  	_ =	swait.ge [sflag:s24], $0x1000  }
0x96: {  	[sflag:s24] =	ssyncset.done $0x0  }
0x97: {  	s9 =	simm.s32 $0x180;
	[sflag:s24] =	ssyncadd.s32 $0xFFFFF000  }
0x98: {  	[spmem:s3] =	stream.indirect.scatter.add.f32 [tilespmem:s31], [sflag:$0x6], $0x20, s9, s15, $0xb8;
	[tilespmem:$0x12D20] =	vst v63  }
0x99: {  	s10 =	simm.s32 $0x300  }
0x9a: {  	[tilespmem:s0], [sflag:$0x4] =	stream.indirect.gather [spmem:s2], $0x20, s10, s15, $0xb8;
	[tilespmem:$0x12D20] =	vst v63  }
0x9b: {  	_ =	swait.ge [sflag:s22], $0x1000  }
0x9c: {  	[sflag:s22] =	ssyncset.done $0x0  }
0x9d: {  	s9 =	simm.s32 $0x280;
	[sflag:s22] =	ssyncadd.s32 $0xFFFFF000  }
0x9e: {  	[spmem:s3] =	stream.indirect.scatter.add.f32 [tilespmem:s21], [sflag:$0x7], $0x20, s9, s15, $0xb8;
	[tilespmem:$0x12D20] =	vst v63  }
0x9f: {  	_ =	swait.ge [sflag:s25], $0x1000  }
0xa0: {  	[sflag:s25] =	ssyncset.done $0x0  }
0xa1: {  	s10 =	simm.s32 $0x400;
	[sflag:s25] =	ssyncadd.s32 $0xFFFFF000  }
0xa2: {  	[tilespmem:s20], [sflag:$0x1] =	stream.indirect.gather [spmem:s2], $0x20, s10, s15, $0xb8;
	[tilespmem:$0x12D20] =	vst v63  }
0xa3: {  	_ =	swait.ge [sflag:s30], $0x1000  }
0xa4: {  	[sflag:s30] =	ssyncset.done $0x0  }
0xa5: {  	s9 =	simm.s32 $0x380;
	[sflag:s30] =	ssyncadd.s32 $0xFFFFF000  }
0xa6: {  	[spmem:s3] =	stream.indirect.scatter.add.f32 [tilespmem:s0], [sflag:$0x8], $0x20, s9, s15, $0xb8;
	[tilespmem:$0x12D20] =	vst v63  }
0xa7: {  	_ =	swait.ge [sflag:s26], $0x1000  }
0xa8: {  	[sflag:s26] =	ssyncset.done $0x0  }
0xa9: {  	s10 =	simm.s32 $0x500;
	[sflag:s26] =	ssyncadd.s32 $0xFFFFF000  }
0xaa: {  	[tilespmem:s31], [sflag:$0x2] =	stream.indirect.gather [spmem:s2], $0x20, s10, s15, $0xb8;
	[tilespmem:$0x12D20] =	vst v63  }
.LBB2_8:
0xab: {  	_ =	swait.ge [sflag:s1], $0x1000  }
0xac: {  	s8 =	sshra.s32 s7, $0x2;
	[sflag:s1] =	ssyncset.done $0x0  }
0xad: {  	s9 =	sadd.s32 $0x480, s8;
	[sflag:s1] =	ssyncadd.s32 $0xFFFFF000  }
0xae: {  	[spmem:s3] =	stream.indirect.scatter.add.f32 [tilespmem:s20], [sflag:$0x5], $0x20, s9, s15, $0xb8;
	[tilespmem:$0x12D20] =	vst v63  }
0xaf: {  	_ =	swait.ge [sflag:s28], $0x1000  }
0xb0: {  	[sflag:s28] =	ssyncset.done $0x0  }
0xb1: {  	s10 =	sadd.s32 $0x600, s8;
	[sflag:s28] =	ssyncadd.s32 $0xFFFFF000  }
0xb2: {  	[tilespmem:s21], [sflag:$0x3] =	stream.indirect.gather [spmem:s2], $0x20, s10, s15, $0xb8;
	[tilespmem:$0x12D20] =	vst v63  }
0xb3: {  	_ =	swait.ge [sflag:s24], $0x1000  }
0xb4: {  	[sflag:s24] =	ssyncset.done $0x0  }
0xb5: {  	s10 =	sadd.s32 $0x580, s8;
	[sflag:s24] =	ssyncadd.s32 $0xFFFFF000  }
0xb6: {  	[spmem:s3] =	stream.indirect.scatter.add.f32 [tilespmem:s31], [sflag:$0x6], $0x20, s10, s15, $0xb8;
	[tilespmem:$0x12D20] =	vst v63  }
0xb7: {  	_ =	swait.ge [sflag:s29], $0x1000  }
0xb8: {  	[sflag:s29] =	ssyncset.done $0x0  }
0xb9: {  	s10 =	sadd.s32 $0x700, s8;
	[sflag:s29] =	ssyncadd.s32 $0xFFFFF000  }
0xba: {  	[tilespmem:s0], [sflag:$0x4] =	stream.indirect.gather [spmem:s2], $0x20, s10, s15, $0xb8;
	[tilespmem:$0x12D20] =	vst v63  }
0xbb: {  	_ =	swait.ge [sflag:s22], $0x1000  }
0xbc: {  	p0 =	seq.s32 s7, $0x12000;
	[sflag:s22] =	ssyncset.done $0x0  }
.Ltmp5:
0xbd: {  	s10 =	sadd.s32 $0x680, s8;
	[sflag:s22] =	ssyncadd.s32 $0xFFFFF000;
	(pc) =	sbr.rel @p0 .LBB2_10-.Ltmp5, $4  }
0xbe: {  	[spmem:s3] =	stream.indirect.scatter.add.f32 [tilespmem:s21], [sflag:$0x7], $0x20, s10, s15, $0xb8;
	[tilespmem:$0x12D20] =	vst v63  }
0xbf: {  	_ =	swait.ge [sflag:s25], $0x1000  }
0xc0: {  	[sflag:s25] =	ssyncset.done $0x0  }
0xc1: {  	s9 =	sadd.s32 $0x780, s8;
	[sflag:s25] =	ssyncadd.s32 $0xFFFFF000  }
0xc2: {  	s10 =	sadd.s32 $0x800, s8  }
0xc3: {  	[tilespmem:s20], [sflag:$0x1] =	stream.indirect.gather [spmem:s2], $0x20, s10, s15, $0xb8;
	[tilespmem:$0x12D20] =	vst v63  }
0xc4: {  	_ =	swait.ge [sflag:s30], $0x1000  }
0xc5: {  	[sflag:s30] =	ssyncset.done $0x0  }
0xc6: {  	[sflag:s30] =	ssyncadd.s32 $0xFFFFF000  }
0xc7: {  	[spmem:s3] =	stream.indirect.scatter.add.f32 [tilespmem:s0], [sflag:$0x8], $0x20, s9, s15, $0xb8;
	[tilespmem:$0x12D20] =	vst v63  }
.Ltmp6:
0xc8: {  	_ = 	snop;
	(pc) =	sbr.rel .LBB2_8-.Ltmp6, $4  }
0xc9: {  	_ =	swait.ge [sflag:s26], $0x1000  }
0xca: {  	[sflag:s26] =	ssyncset.done $0x0  }
0xcb: {  	s7 =	sadd.s32 $0x1000, s7;
	s10 =	sadd.s32 $0x900, s8;
	[sflag:s26] =	ssyncadd.s32 $0xFFFFF000  }
0xcc: {  	[tilespmem:s31], [sflag:$0x2] =	stream.indirect.gather [spmem:s2], $0x20, s10, s15, $0xb8;
	[tilespmem:$0x12D20] =	vst v63  }
.LBB2_11:
0xcd: {  	_ =	sfence.sel $0x180000  }
0xce: {  	[bflag:$0x0] =	sbarrier.arrive $0xFFFF  }
0xcf: {  	_ =	strace $0x9000004A  }
0xd0: {  	s0 =	stileid.u32;
	[bflag:$0x2] =	sbarrier.arrive $0xFFFF  }
0xd1: {  	p0 =	sne.s32 s0, $0x0;
	s0 =	rddreg [dreg:$0x4]  }
0xd2: {  	s0 =	sadd.s32 @!p0 $0x100000, s0  }
0xd3: {  	[sflag:s0] =	ssyncadd.tile.s32 @!p0 $0x1;
	_ =	shalt  }
.Lfunc_end2:
_tile_overlayer_lowered:
.L_overlay_start_2:
0xd4: {  	(tag) =	ssettag $0x2  }
0xd5: {  	s0 =	rddreg [dreg:$0x0];
	s2 =	stileid.u32  }
0xd6: {  	s1 =	rddreg [dreg:$0x1];
	p0 =	sne.s32 s2, $0x0  }
0xd7: {  	s3 =	rddreg [dreg:$0x2];
	[bflag:$0x3] =	sbarrier.arrive $0xFFFF;
	s2 =	simm.s32 @!p0 $0x1C0A  }
0xd8: {  	[timem:s3], [sflag:s2] =	dma.local @!p0 [hbm:s0], s1  }
0xd9: {  	s0 =	simm.s32 @!p0 $0xA  }
0xda: {  	_ =	swait.ge @!p0 [sflag:s0], s1  }
0xdb: {  	s1 =	ssub.s32 @!p0 $0x0, s1;
	[sflag:s0] =	ssyncset.done @!p0 $0x0  }
0xdc: {  	[sflag:s0] =	ssyncadd.s32 @!p0 s1  }
0xdd: {  	[bflag:$0x3] =	sbarrier.arrive $0xFFFF  }
0xde: {  	_ =	shalt  }

// kernel: kernel.7.cloned.1.call-start
scs
__scs_entry_jumppad:
0x0: {  	(pc) =	sbr.rel $0x88, $3  }
0x1: {  	(tag) =	ssettag $0x0;
	lr =	simm.s32 $0x1  }
0x2: {  	[smem:$0x3F99] =	sst lr;
	_ =	strace $0xD0000000  }
0x3: {  	_ = 	snop  }
0x4: {  	_ = 	snop  }
0x5: {  	_ = 	snop  }
0x6: {  	_ = 	snop  }
0x7: {  	_ = 	snop  }
__scs_overlays_trampoline_lowered:
0x8: {  	[smem:$0x3FA8] =	sst s0  }
0x9: {  	[smem:$0x3FA9] =	sst s1  }
0xa: {  	[smem:$0x3FAA] =	sst s2  }
0xb: {  	[smem:$0x3FAB] =	sst s3  }
0xc: {  	[smem:$0x3FAC] =	sst s4  }
0xd: {  	[smem:$0x3FAD] =	sst s5  }
0xe: {  	[smem:$0x3FAE] =	sst s6  }
0xf: {  	[smem:$0x3FAF] =	sst s7  }
0x10: {  	[smem:$0x3FB0] =	sst s8  }
0x11: {  	[smem:$0x3FB1] =	sst s9;
	s0 =	simm.s32 @!p0 $0x0  }
0x12: {  	s1 =	sld [smem:$0x3F97];
	s0 =	simm.s32 @p0 $0x1  }
0x13: {  	[smem:$0x3FB2] =	sst s0;
	s0 =	simm.s32 @!p1 $0x0  }
0x14: {  	s2 =	sld [smem:$0x3F96];
	s0 =	simm.s32 @p1 $0x1  }
0x15: {  	[smem:$0x3FB3] =	sst s0;
	s0 =	simm.s32 @!p2 $0x0  }
0x16: {  	s3 =	sld [smem:$0x3FDB];
	s0 =	simm.s32 @p2 $0x1  }
0x17: {  	s4 =	simm.s32 $0x1BF5;
	[smem:$0x3FB5] =	sst s0  }
0x18: {  	s0 =	sld [smem:$0x3F98];
	_ =	swait.ge [sflag:s4], $0x0  }
0x19: {  	s7 =	sld [smem:$0x3F99]  }
0x1a: {  	s8 =	sadd.s32 $0xFFFFE003, lr  }
0x1b: {  	s9 =	sadd.s32 $0xFFFFFEF7, lr;
	s5 =	simm.s32 $0xFFFFFFFF;
	p2 =	slt.u32 s8, $0xFFFFF086  }
0x1c: {  	p1 =	slt.u32 s9, $0xF7A;
	s5 =	simm.s32 @!p2 $0x0  }
0x1d: {  	s5 =	simm.s32 @p1 $0x1;
	p0 =	seq.s32 s7, s2  }
0x1e: {  	s7 =	smul.u32 @!p0 $0xF7A, s2;
	p2 =	seq.s32 @!p0 s5, $0x0  }
0x1f: {  	s9 =	smul.u32 $0xF7A, s1;
	s8 =	simm.s32 @!p0 $0x1BF5;
	p2 =	por !p2, p0  }
0x20: {  	[sflag:s8] =	ssyncset.s32 @!p0 $0xFFFFF086;
	s6 =	sadd.s32 @!p0 s3, s7;
	s7 =	simm.s32 @!p0 $0x108  }
0x21: {  	s3 =	sadd.s32 s3, s9;
	s6 =	sadd.s32 @!p0 $0x88, s6;
	s7 =	simm.s32 @p2 $0x1082  }
0x22: {  	[simem:s7], [sflag:s8] =	dma.local @!p0 [hbm:s6], $0xF7A  }
0x23: {  	s9 =	sor.u32 $0xD0000000, s2;
	s6 =	simm.s32 $0x108;
	_ =	swait.ge @!p0 [sflag:s8], $0x0  }
0x24: {  	s3 =	sadd.s32 $0x88, s3;
	s6 =	simm.s32 @!p1 $0x1082;
	[sflag:s4] =	ssyncset.s32 $0xFFFFF086  }
0x25: {  	[simem:s6], [sflag:s4] =	dma.local [hbm:s3], $0xF7A  }
0x26: {  	[smem:$0x3F99] =	sst s1;
	(tag) =	ssettag s2;
	_ =	strace s9  }
0x27: {  	s1 =	sld [smem:$0x3FA9]  }
0x28: {  	s2 =	sld [smem:$0x3FAA]  }
0x29: {  	s4 =	sld [smem:$0x3FAC]  }
0x2a: {  	p0 =	seq.s32 s5, $0x0;
	s5 =	sld [smem:$0x3FAD]  }
0x2b: {  	s6 =	sld [smem:$0x3FAE]  }
0x2c: {  	s7 =	sld [smem:$0x3FAF]  }
0x2d: {  	s3 =	simm.s32 $0x108;
	s8 =	sld [smem:$0x3FB0]  }
0x2e: {  	s3 =	simm.s32 @!p0 $0x1082;
	s9 =	sld [smem:$0x3FB1]  }
0x2f: {  	lr =	sadd.s32 s0, s3;
	s0 =	sld [smem:$0x3FA8]  }
0x30: {  	s3 =	sld [smem:$0x3FAB]  }
0x31: {  	[smem:$0x3FB4] =	sst s10  }
0x32: {  	s10 =	sld [smem:$0x3FB2];
	_ =	sdelay $0x3  }
0x33: {  	p0 =	seq.s32 s10, $0x1;
	s10 =	sld [smem:$0x3FB4];
	_ =	sdelay $0x3  }
0x34: {  	[smem:$0x3FB4] =	sst s10  }
0x35: {  	s10 =	sld [smem:$0x3FB3];
	_ =	sdelay $0x3  }
0x36: {  	p1 =	seq.s32 s10, $0x1;
	s10 =	sld [smem:$0x3FB4];
	_ =	sdelay $0x3  }
0x37: {  	[smem:$0x3FB4] =	sst s10  }
0x38: {  	s10 =	sld [smem:$0x3FB5]  }
0x39: {  	_ = 	snop;
	(pc) =	sbr.ind lr, $3  }
0x3a: {  	_ = 	snop  }
0x3b: {  	_ = 	snop  }
0x3c: {  	p2 =	seq.s32 s10, $0x1;
	s10 =	sld [smem:$0x3FB4]  }
0x3d: {  	_ =	shalt  }
0x3e: {  	_ =	shalt  }
0x3f: {  	_ =	shalt  }
0x40: {  	_ =	shalt  }
0x41: {  	_ =	shalt  }
0x42: {  	_ =	shalt  }
0x43: {  	_ =	shalt  }
0x44: {  	_ =	shalt  }
0x45: {  	_ =	shalt  }
0x46: {  	_ =	shalt  }
0x47: {  	_ =	shalt  }
0x48: {  	_ =	shalt  }
0x49: {  	_ =	shalt  }
0x4a: {  	_ =	shalt  }
0x4b: {  	_ =	shalt  }
0x4c: {  	_ =	shalt  }
0x4d: {  	_ =	shalt  }
0x4e: {  	_ =	shalt  }
0x4f: {  	_ =	shalt  }
0x50: {  	_ =	shalt  }
0x51: {  	_ =	shalt  }
0x52: {  	_ =	shalt  }
0x53: {  	_ =	shalt  }
0x54: {  	_ =	shalt  }
0x55: {  	_ =	shalt  }
0x56: {  	_ =	shalt  }
0x57: {  	_ =	shalt  }
0x58: {  	_ =	shalt  }
0x59: {  	_ =	shalt  }
0x5a: {  	_ =	shalt  }
0x5b: {  	_ =	shalt  }
0x5c: {  	_ =	shalt  }
0x5d: {  	_ =	shalt  }
0x5e: {  	_ =	shalt  }
0x5f: {  	_ =	shalt  }
0x60: {  	_ =	shalt  }
0x61: {  	_ =	shalt  }
0x62: {  	_ =	shalt  }
0x63: {  	_ =	shalt  }
0x64: {  	_ =	shalt  }
0x65: {  	_ =	shalt  }
0x66: {  	_ =	shalt  }
0x67: {  	_ =	shalt  }
0x68: {  	_ =	shalt  }
0x69: {  	_ =	shalt  }
0x6a: {  	_ =	shalt  }
0x6b: {  	_ =	shalt  }
0x6c: {  	_ =	shalt  }
0x6d: {  	_ =	shalt  }
0x6e: {  	_ =	shalt  }
0x6f: {  	_ =	shalt  }
0x70: {  	_ =	shalt  }
0x71: {  	_ =	shalt  }
0x72: {  	_ =	shalt  }
0x73: {  	_ =	shalt  }
0x74: {  	_ =	shalt  }
0x75: {  	_ =	shalt  }
0x76: {  	_ =	shalt  }
0x77: {  	_ =	shalt  }
0x78: {  	_ =	shalt  }
0x79: {  	_ =	shalt  }
0x7a: {  	_ =	shalt  }
0x7b: {  	_ =	shalt  }
0x7c: {  	_ =	shalt  }
0x7d: {  	_ =	shalt  }
0x7e: {  	_ =	shalt  }
0x7f: {  	_ =	shalt  }
0x80: {  	_ =	shalt  }
0x81: {  	_ =	shalt  }
0x82: {  	_ =	shalt  }
0x83: {  	_ =	shalt  }
0x84: {  	_ =	shalt  }
0x85: {  	_ =	shalt  }
0x86: {  	_ =	shalt  }
0x87: {  	_ =	shalt  }
.Lfunc_end0:
.L_simem_size_0:
called_computation_lowered:
.L_overlay_start_0:
0x88: {  	s2 =	sld [smem:$0x3FD9]  }
0x89: {  	s3 =	sld [smem:$0x3FFE];
	_ =	sdelay $0x1  }
0x8a: {  	s1 =	srdreg.scid  }
0x8b: {  	s0 =	sand.u32 $0x1, s1  }
0x8c: {  	s16 =	sshll.u32 s0, $0xA;
	s2 =	sadd.s32 s3, s2  }
0x8d: {  	s2 =	sadd.s32 s2, s16  }
0x8e: {  	[smem:$0x3FC0] =	sst s2  }
0x8f: {  	_ = 	snop  }
0x90: {  	(tm) =	ssettm $0x1  }
0x91: {  	s17 =	sld [smem:$0x3FFB];
	_ =	sdelay $0x3  }
0x92: {  	_ =	strace s17  }
0x93: {  	s2 =	sld [smem:$0x3FFC];
	_ =	sdelay $0x3  }
0x94: {  	_ =	strace s2  }
0x95: {  	s2 =	sld [smem:$0x3FFD];
	_ =	sdelay $0x3  }
0x96: {  	_ =	strace s2  }
0x97: {  	_ =	strace $0x8FFFFFFF  }
0x98: {  	s18 =	sld [smem:$0x3FDB];
	_ =	sdelay $0x1  }
0x99: {  	s19 =	simm.s32 $_scs_section_size  }
0x9a: {  	s4 =	simm.s32 $_size__tile_overlayer_lowered;
	s5 =	simm.s32 $_tile_overlayer_lowered  }
0x9b: {  	s22 =	simm.s32 $0x1BFF;
	s21 =	sshll.u32 s5, $0x1;
	s2 =	sadd.s32 s19, s18  }
0x9c: {  	s6 =	simm.s32 $0x0;
	s20 =	sshll.u32 s4, $0x1;
	s4 =	sadd.s32 s21, s2  }
0x9d: {  	[timem:s6], [sflag:s22] =	dma.local [hbm:s4], s20  }
0x9e: {  	_ =	swait.ge [sflag:s22], s20  }
0x9f: {  	s3 =	ssub.s32 $0x0, s20;
	[sflag:s22] =	ssyncset.done $0x0  }
0xa0: {  	[sflag:s22] =	ssyncadd.s32 s3;
	_ =	sdelay $0x1  }
0xa1: {  	s23 =	simm.s32 $0x1B8B  }
0xa2: {  	_ =	swait.ge [sflag:s23], $0x1  }
0xa3: {  	[sflag:s23] =	ssyncset.done $0x0  }
0xa4: {  	s25 =	simm.s32 $0x1B8E;
	s24 =	sld [smem:$0x3FFE];
	[sflag:s23] =	ssyncadd.s32 $0xFFFFFFFF  }
0xa5: {  	s26 =	simm.s32 $execute0_lowered;
	[smem:$0x3FD2] =	sst s25  }
0xa6: {  	s4 =	sshll.u32 s26, $0x1;
	_ =	strace $0x80000046;
	[dreg:$0x1] =	wrdreg $0xFFFFFFFF  }
0xa7: {  	s28 =	simm.s32 $_size_execute0_lowered;
	s2 =	sadd.s32 s2, s4;
	[dreg:$0x0] =	wrdreg $0x0  }
0xa8: {  	s4 =	sshll.u32 s28, $0x1;
	[dreg:$0x2] =	wrdreg s2  }
0xa9: {  	[dreg:$0x3] =	wrdreg s4  }
0xaa: {  	[dreg:$0x4] =	wrdreg $0xC0  }
0xab: {  	_ =	task [dreg:s6], $0x5FFFF  }
0xac: {  	[dreg:$0x1] =	wrdreg $0xFFFFFFFF  }
0xad: {  	[dreg:$0x0] =	wrdreg $0x60  }
0xae: {  	[dreg:$0x2] =	wrdreg s24  }
0xaf: {  	[dreg:$0x3] =	wrdreg $0xB0000  }
0xb0: {  	[dreg:$0x4] =	wrdreg $0x125300  }
0xb1: {  	[dreg:$0x5] =	wrdreg $0x9  }
0xb2: {  	_ =	task.clear_ibuf [dreg:s6], $0x6FFFF;
	_ =	strace $0x90000046  }
0xb3: {  	s29 =	simm.s32 $0x9;
	_ =	strace $0x80000048  }
0xb4: {  	_ =	swait.ge [sflag:s29], $0x1  }
0xb5: {  	[sflag:s29] =	ssyncadd.s32 $0xFFFFFFFF  }
0xb6: {  	_ =	strace $0x90000048  }
0xb7: {  	_ =	sfence  }
0xb8: {  	s30 =	sld [smem:$0x0];
	_ =	sdelay $0x2  }
0xb9: {  	s31 =	sshll.u32 s1, $0xD;
	s1 =	sshrl.u32 s1, $0x2  }
0xba: {  	s3 =	sand.u32 $0x4000, s31;
	s1 =	sadd.s32 s1, s30  }
0xbb: {  	s0 =	sor.u32 s3, s0;
	s1 =	sshll.u32 s1, $0x11  }
0xbc: {  	s0 =	sor.u32 s1, s0  }
0xbd: {  	s0 =	sadd.s32 $0x8F2B, s0  }
0xbe: {  	[sflag:s0] =	ssyncadd.remote.s32 $0x1  }
0xbf: {  	_ =	sfence.sel $0xFFFF  }
0xc0: {  	[dreg:$0x0] =	wrdreg $0xFFFFFFFF;
	(pc) =	sbr.abs _section_cstart, $3  }
0xc1: {  	[dreg:$0x1] =	wrdreg $0xFFFFFFFF  }
0xc2: {  	_ =	task.clear_ibuf [dreg:s6], $0x2FFFF;
	_ =	strace $0x9FFFFFFF  }
0xc3: {  	(tm) =	ssettm $0x7FFFFFFF  }
tec
execute0_lowered:
.L_overlay_start_1:
0x0: {  	(tag) =	ssettag $0x1  }
0x1: {  	s0 =	rddreg [dreg:$0x0]  }
0x2: {  	s1 =	rddreg [dreg:$0x1]  }
0x3: {  	s12 =	stileid.u32;
	s4 =	srdreg.scid  }
0x4: {  	s3 =	rddreg [dreg:$0x2];
	s7 =	simm.s32 $0x0;
	s2 =	smul.u32 $0x7530, s12  }
0x5: {  	s15 =	simm.s32 $0x80;
	s28 =	simm.s32 $0x7;
	s5 =	smul.u32 $0x7680, s12  }
0x6: {  	s29 =	simm.s32 $0x8;
	s31 =	simm.s32 $0x6800;
	s11 =	smul.u32 $0x1DA00, s12  }
0x7: {  	s30 =	simm.s32 $0x4;
	s4 =	sand.u32 $0x1, s4;
	s21 =	smul.u32 $0x2710, s12  }
0x8: {  	[smem:$0x7FF] =	sst s7;
	s8 =	sadd.s32 $0x1A00, s0;
	s6 =	smul.u32 $0x76800, s4  }
0x9: {  	_ =	strace $0x80000047;
	s17 =	ssub.s32 $0x2, s4;
	s9 =	sshll.u32 s4, $0x4  }
0xa: {  	s4 =	smul.u32 $0x27100, s4;
	s16 =	sshrl.u32 s2, $0x3;
	s10 =	sshrl.u32 s17, $0x1  }
0xb: {  	s9 =	sor.u32 s12, s9;
	s2 =	sadd.s32 s2, s1;
	s19 =	sshrl.u32 s11, $0x2  }
0xc: {  	s6 =	sadd.s32 s5, s6;
	s7 =	sadd.s32 s16, s0;
	s10 =	ssub.s32 s17, s10  }
0xd: {  	s9 =	smul.u32 $0x2710, s9;
	s20 =	sadd.s32 s19, s3;
	s4 =	sadd.s32 s21, s4  }
0xe: {  	s16 =	simm.s32 $0x4E200;
	s17 =	sshll.u32 s12, $0x6;
	s19 =	sshrl.u32 s2, $0x3  }
0xf: {  	s2 =	simm.s32 $0x1;
	s21 =	simm.s32 $0x8000;
	s18 =	sadd.s32 $0x15400, s7  }
0x10: {  	s6 =	sshrl.u32 s6, $0x3;
	s22 =	sadd.s32 $0x1800, s20;
	[dreg:$0x4] =	wrdreg s18  }
0x11: {  	s23 =	sadd.s32 $0x3000, s20;
	s24 =	sadd.s32 $0x4800, s20;
	[dreg:$0x5] =	wrdreg s22  }
0x12: {  	s4 =	sshrl.u32 s4, $0x3;
	s25 =	smax.u32 s10, $0x1;
	[dreg:$0x6] =	wrdreg s23  }
0x13: {  	s26 =	sor.u32 $0x1C02, s17;
	s0 =	sadd.s32 s6, s0;
	[dreg:$0x7] =	wrdreg s24  }
0x14: {  	s6 =	sadd.s32 s5, s3;
	s9 =	sshrl.u32 s9, $0x3;
	[dreg:$0xa] =	wrdreg s25  }
0x15: {  	s5 =	sadd.s32 $0x6000, s20;
	s14 =	sadd.s32 s4, s8;
	[dreg:$0xb] =	wrdreg s26  }
.Ltmp0:
0x16: {  	s20 =	simm.s32 $0x5000;
	s23 =	simm.s32 $0x9;
	(pc) =	sbr.rel .LBB2_1-.Ltmp0, $4  }
0x17: {  	s24 =	simm.s32 $0x2;
	s25 =	simm.s32 $0x5;
	s26 =	simm.s32 $0x6  }
0x18: {  	s22 =	simm.s32 $0x3;
	s4 =	simm.s32 $0xA;
	s9 =	sadd.s32 s8, s9  }
0x19: {  	[dreg:$0x8] =	wrdreg s5;
	s0 =	sadd.s32 $0x24000, s0;
	s5 =	simm.s32 $0x0  }
0x1a: {  	v0 =	vimm.f32 $0.0e+00;
	v1 =	vimm.s32 $0x0;
	v2 =	vimm.s32 $0x2710;
	s11 =	sadd.s32 $0x4E0, s9;
	[dreg:$0x9] =	wrdreg s0;
	s0 =	simm.s32 $0x9800  }
.LBB2_10:
0x1b: {  	_ =	swait.ge [sflag:s30], $0x1800  }
0x1c: {  	[sflag:s30] =	ssyncset.done $0x0  }
0x1d: {  	[sflag:s30] =	ssyncadd.s32 $0xFFFFE800  }
0x1e: {  	[spmem:s3] =	stream.indirect.scatter.add.f32 [tilespmem:s0], [sflag:$0x8], $0x30, s9, s15, $0xb8;
	[tilespmem:$0x19BB0] =	vst v63  }
0x1f: {  	_ =	swait.ge [sflag:s26], $0x1800  }
0x20: {  	[sflag:s26] =	ssyncset.done $0x0  }
0x21: {  	[sflag:s26] =	ssyncadd.s32 $0xFFFFE800  }
0x22: {  	_ =	swait.ge [sflag:s28], $0x1800  }
0x23: {  	[sflag:s28] =	ssyncset.done $0x0  }
0x24: {  	[sflag:s28] =	ssyncadd.s32 $0xFFFFE800  }
0x25: {  	_ =	swait.ge [sflag:s29], $0x1800  }
0x26: {  	[sflag:s29] =	ssyncset.done $0x0  }
0x27: {  	[sflag:s29] =	ssyncadd.s32 $0xFFFFE800  }
0x28: {  	[bflag:$0x0] =	sbarrier.arrive $0xFFFF  }
0x29: {  	s7 =	sor.u32 $0x1C0A, s17;
	s8 =	sshrl.u32 s6, $0x3;
	s13 =	rddreg [dreg:$0x9]  }
0x2a: {  	[hbm:s13], [sflag:s7] =	dma.local [spmem:s8], $0xED0  }
0x2b: {  	_ =	swait.ge [sflag:s4], $0xED0  }
0x2c: {  	s5 =	sadd.s32 $0x1, s5;
	s18 =	rddreg [dreg:$0xa]  }
0x2d: {  	p0 =	sne.s32 s5, s18  }
.Ltmp1:
0x2e: {  	_ = 	snop;
	(pc) =	sbr.rel @!p0 .LBB2_11-.Ltmp1, $3  }
0x2f: {  	_ =	sdelay $0x1  }
0x30: {  	[sflag:s4] =	ssyncset.done $0x0  }
0x31: {  	[sflag:s4] =	ssyncadd.s32 $0xFFFFF130  }
.LBB2_1:
0x32: {  	s7 =	simm.s32 $0x10  }
0x33: {  	s10 =	sadd.s32 $0x0, s14;
	s8 =	simm.s32 $0x100;
	s9 =	simm.s32 $0x0  }
.LBB2_2:
0x34: {  	[tilespmem:s9], [sflag:$0x9] =	stream.strided.gather [hbm4b:s10+s15], $0x100, s16, s15, $0x38;
	[tilespmem:$0x19BB0] =	vst v63  }
0x35: {  	s10 =	smov.u32 s7;
	s9 =	smov.u32 s8;
	p0 =	sne.s32 s7, $0x4D0  }
.Ltmp2:
0x36: {  	s7 =	sadd.s32 $0x10, s7;
	(pc) =	sbr.rel @p0 .LBB2_2-.Ltmp2, $2  }
0x37: {  	_ =	sdelay $0x2  }
0x38: {  	s8 =	sadd.s32 $0x100, s8;
	s10 =	sadd.s32 s10, s14  }
0x39: {  	[tilespmem:s9], [sflag:$0x9] =	stream.strided.gather [hbm4b:s10+s15], $0x100, s16, s15, $0x38;
	[tilespmem:$0x19BB0] =	vst v63  }
0x3a: {  	s8 =	simm.s32 $0x0;
	s13 =	rddreg [dreg:$0x4]  }
0x3b: {  	s18 =	rddreg [dreg:$0xb];
	s7 =	smul.u32 $0xAAAB, s8  }
0x3c: {  	[spmem:s19], [sflag:s18] =	dma.local [hbm:s13], $0xEA6  }
0x3d: {  	s9 =	sshrl.u32 s7, $0x11  }
0x3e: {  	s7 =	simm.s32 $0x1;
	s10 =	smul.u32 $0x3, s9  }
.LBB2_4:
0x3f: {  	s12 =	smul.u32 $0xAAAB, s7  }
0x40: {  	s13 =	smov.u32 s7;
	s9 =	smul.u32 $0xC0, s9;
	p0 =	sne.s32 s7, $0x17F  }
.Ltmp3:
0x41: {  	s8 =	ssub.s32 s8, s10;
	(pc) =	sbr.rel @p0 .LBB2_4-.Ltmp3, $4  }
0x42: {  	s7 =	sadd.s32 $0x1, s7;
	s8 =	sand.u32 $0xFFFF, s8  }
0x43: {  	s10 =	sshrl.u32 s9, $0x2;
	s18 =	sshll.u32 s8, $0x4;
	s8 =	smov.u32 s13  }
0x44: {  	s9 =	sshrl.u32 s12, $0x11;
	s12 =	sadd.s32 s18, s10  }
0x45: {  	s10 =	smul.u32 $0x3, s9;
	[tilespmem:s12+$0x5000] =	vst v0  }
0x46: {  	_ = 	snop  }
0x47: {  	s12 =	smul.u32 $0xC0, s9;
	s7 =	ssub.s32 s8, s10  }
0x48: {  	s7 =	sand.u32 $0xFFFF, s7  }
0x49: {  	s8 =	sshrl.u32 s12, $0x2;
	s7 =	sshll.u32 s7, $0x4  }
0x4a: {  	s7 =	sadd.s32 s7, s8  }
0x4b: {  	[tilespmem:s7+$0x5000] =	vst v0  }
0x4c: {  	[spmem:s6] =	stream.linear.scatter [tilespmem:s20], [sflag:$0x5], $0x1800, $0x38;
	[tilespmem:$0x19BB0] =	vst v63  }
0x4d: {  	s13 =	rddreg [dreg:$0x5]  }
0x4e: {  	[spmem:s13] =	stream.linear.scatter [tilespmem:s20], [sflag:$0x6], $0x1800, $0x38;
	[tilespmem:$0x19BB0] =	vst v63  }
0x4f: {  	s18 =	rddreg [dreg:$0x6]  }
0x50: {  	[spmem:s18] =	stream.linear.scatter [tilespmem:s20], [sflag:$0x7], $0x1800, $0x38;
	[tilespmem:$0x19BB0] =	vst v63  }
0x51: {  	s8 =	rddreg [dreg:$0x7]  }
0x52: {  	[spmem:s8] =	stream.linear.scatter [tilespmem:s20], [sflag:$0x8], $0x1800, $0x38;
	[tilespmem:$0x19BB0] =	vst v63  }
0x53: {  	s9 =	rddreg [dreg:$0x8]  }
0x54: {  	[spmem:s9] =	stream.linear.scatter [tilespmem:s20], [sflag:$0x5], $0x1680, $0x38;
	[tilespmem:$0x19BB0] =	vst v63  }
0x55: {  	[tilespmem:$0x4E00] =	vst v1  }
0x56: {  	[tilespmem:$0x4E80] =	vst v2  }
0x57: {  	[tilespmem:$0x4E10] =	vst v1  }
0x58: {  	[tilespmem:$0x4E90] =	vst v2  }
0x59: {  	[tilespmem:$0x4E20] =	vst v1  }
0x5a: {  	[tilespmem:$0x4EA0] =	vst v2  }
0x5b: {  	[tilespmem:$0x4E30] =	vst v1  }
0x5c: {  	[tilespmem:$0x4EB0] =	vst v2  }
0x5d: {  	[tilespmem:$0x4E40] =	vst v1  }
0x5e: {  	[tilespmem:$0x4EC0] =	vst v2  }
0x5f: {  	[tilespmem:$0x4E50] =	vst v1  }
0x60: {  	[tilespmem:$0x4ED0] =	vst v2  }
0x61: {  	[tilespmem:$0x4E60] =	vst v1  }
0x62: {  	[tilespmem:$0x4EE0] =	vst v2  }
0x63: {  	[tilespmem:$0x4E70] =	vst v1  }
0x64: {  	[tilespmem:$0x4EF0] =	vst v2  }
0x65: {  	[tilespmem:$0x4F00] =	vst v1  }
0x66: {  	[tilespmem:$0x4F80] =	vst v2  }
0x67: {  	[tilespmem:$0x4F10] =	vst v1  }
0x68: {  	[tilespmem:$0x4F90] =	vst v2  }
0x69: {  	[tilespmem:$0x4F20] =	vst v1  }
0x6a: {  	[tilespmem:$0x4FA0] =	vst v2  }
0x6b: {  	[tilespmem:$0x4F30] =	vst v1  }
0x6c: {  	[tilespmem:$0x4FB0] =	vst v2  }
0x6d: {  	[tilespmem:$0x4F40] =	vst v1  }
0x6e: {  	[tilespmem:$0x4FC0] =	vst v2  }
0x6f: {  	[tilespmem:$0x4F50] =	vst v1  }
0x70: {  	[tilespmem:$0x4FD0] =	vst v2  }
0x71: {  	[tilespmem:$0x4F60] =	vst v1  }
0x72: {  	[tilespmem:$0x4FE0] =	vst v2  }
0x73: {  	[tilespmem:$0x4F70] =	vst v1  }
0x74: {  	s10 =	simm.s32 $0x0;
	s12 =	simm.s32 $0x4E00;
	[tilespmem:$0x4FF0] =	vst v2  }
0x75: {  	[tilespmem:s12], [sflag:$0x9] =	stream.linear.gather [hbm4b:s11+s10], $0x10, $0x38;
	[tilespmem:$0x19BB0] =	vst v63  }
0x76: {  	s13 =	sadd.s32 $0x9C40, s11;
	s18 =	simm.s32 $0x4E80  }
0x77: {  	[tilespmem:s18], [sflag:$0x9] =	stream.linear.gather [hbm4b:s13+s10], $0x10, $0x38;
	[tilespmem:$0x19BB0] =	vst v63  }
0x78: {  	_ =	swait.ge [sflag:s23], $0x100  }
0x79: {  	s7 =	simm.s32 $0x4D;
	[sflag:s23] =	ssyncset.done $0x0  }
.LBB2_6:
0x7a: {  	p0 =	sne.s32 s7, $0x1;
	s7 =	sadd.s32 $0xFFFFFFFF, s7;
	[sflag:s23] =	ssyncadd.s32 $0xFFFFFF00  }
.Ltmp4:
0x7b: {  	(pc) =	sbr.rel @p0 .LBB2_6-.Ltmp4, $3  }
0x7c: {  	_ =	sdelay $0x1  }
0x7d: {  	_ =	swait.ge [sflag:s23], $0x100  }
0x7e: {  	[sflag:s23] =	ssyncset.done $0x0  }
0x7f: {  	[sflag:s23] =	ssyncadd.s32 $0xFFFFFF00  }
0x80: {  	_ =	swait.ge [sflag:s23], $0x20  }
0x81: {  	[sflag:s23] =	ssyncset.done $0x0  }
0x82: {  	[sflag:s23] =	ssyncadd.s32 $0xFFFFFFE0  }
0x83: {  	_ =	swait.ge [sflag:s24], $0xEA6  }
0x84: {  	[sflag:s24] =	ssyncset.done $0x0  }
0x85: {  	[sflag:s24] =	ssyncadd.s32 $0xFFFFF15A  }
0x86: {  	_ =	swait.ge [sflag:s25], $0x1800  }
0x87: {  	[sflag:s25] =	ssyncset.done $0x0  }
0x88: {  	[sflag:s25] =	ssyncadd.s32 $0xFFFFE800  }
0x89: {  	_ =	swait.ge [sflag:s26], $0x1800  }
0x8a: {  	[sflag:s26] =	ssyncset.done $0x0  }
0x8b: {  	[sflag:s26] =	ssyncadd.s32 $0xFFFFE800  }
0x8c: {  	_ =	swait.ge [sflag:s28], $0x1800  }
0x8d: {  	[sflag:s28] =	ssyncset.done $0x0  }
0x8e: {  	[sflag:s28] =	ssyncadd.s32 $0xFFFFE800  }
0x8f: {  	_ =	swait.ge [sflag:s29], $0x1800  }
0x90: {  	[sflag:s29] =	ssyncset.done $0x0  }
0x91: {  	[sflag:s29] =	ssyncadd.s32 $0xFFFFE800  }
0x92: {  	_ =	swait.ge [sflag:s25], $0x1680  }
0x93: {  	[sflag:s25] =	ssyncset.done $0x0  }
0x94: {  	[sflag:s25] =	ssyncadd.s32 $0xFFFFE980  }
0x95: {  	s7 =	simm.s32 $0x0;
	[bflag:$0x0] =	sbarrier.arrive $0xFFFF  }
0x96: {  	[tilespmem:s20], [sflag:$0x1] =	stream.indirect.gather [spmem:s1], $0x30, s7, s15, $0xb8;
	[tilespmem:$0x19BB0] =	vst v63  }
0x97: {  	s8 =	simm.s32 $0x100  }
0x98: {  	[tilespmem:s31], [sflag:$0x2] =	stream.indirect.gather [spmem:s1], $0x30, s8, s15, $0xb8;
	[tilespmem:$0x19BB0] =	vst v63  }
0x99: {  	_ =	swait.ge [sflag:s2], $0x1800  }
0x9a: {  	[sflag:s2] =	ssyncset.done $0x0  }
0x9b: {  	[sflag:s2] =	ssyncadd.s32 $0xFFFFE800  }
0x9c: {  	[spmem:s3] =	stream.indirect.scatter.add.f32 [tilespmem:s20], [sflag:$0x5], $0x30, s15, s15, $0xb8;
	[tilespmem:$0x19BB0] =	vst v63  }
0x9d: {  	s13 =	simm.s32 $0x200  }
0x9e: {  	[tilespmem:s21], [sflag:$0x3] =	stream.indirect.gather [spmem:s1], $0x30, s13, s15, $0xb8;
	[tilespmem:$0x19BB0] =	vst v63  }
0x9f: {  	_ =	swait.ge [sflag:s24], $0x1800  }
0xa0: {  	[sflag:s24] =	ssyncset.done $0x0  }
0xa1: {  	s18 =	simm.s32 $0x180;
	[sflag:s24] =	ssyncadd.s32 $0xFFFFE800  }
0xa2: {  	[spmem:s3] =	stream.indirect.scatter.add.f32 [tilespmem:s31], [sflag:$0x6], $0x30, s18, s15, $0xb8;
	[tilespmem:$0x19BB0] =	vst v63  }
0xa3: {  	s9 =	simm.s32 $0x300  }
0xa4: {  	[tilespmem:s0], [sflag:$0x4] =	stream.indirect.gather [spmem:s1], $0x30, s9, s15, $0xb8;
	[tilespmem:$0x19BB0] =	vst v63  }
0xa5: {  	_ =	swait.ge [sflag:s22], $0x1800  }
0xa6: {  	[sflag:s22] =	ssyncset.done $0x0  }
0xa7: {  	s10 =	simm.s32 $0x280;
	[sflag:s22] =	ssyncadd.s32 $0xFFFFE800  }
0xa8: {  	[spmem:s3] =	stream.indirect.scatter.add.f32 [tilespmem:s21], [sflag:$0x7], $0x30, s10, s15, $0xb8;
	[tilespmem:$0x19BB0] =	vst v63  }
0xa9: {  	_ =	swait.ge [sflag:s25], $0x1800  }
0xaa: {  	[sflag:s25] =	ssyncset.done $0x0  }
0xab: {  	s12 =	simm.s32 $0x400;
	[sflag:s25] =	ssyncadd.s32 $0xFFFFE800  }
0xac: {  	[tilespmem:s20], [sflag:$0x1] =	stream.indirect.gather [spmem:s1], $0x30, s12, s15, $0xb8;
	[tilespmem:$0x19BB0] =	vst v63  }
0xad: {  	_ =	swait.ge [sflag:s30], $0x1800  }
0xae: {  	[sflag:s30] =	ssyncset.done $0x0  }
0xaf: {  	s13 =	simm.s32 $0x380;
	[sflag:s30] =	ssyncadd.s32 $0xFFFFE800  }
0xb0: {  	[spmem:s3] =	stream.indirect.scatter.add.f32 [tilespmem:s0], [sflag:$0x8], $0x30, s13, s15, $0xb8;
	[tilespmem:$0x19BB0] =	vst v63  }
0xb1: {  	_ =	swait.ge [sflag:s26], $0x1800  }
0xb2: {  	[sflag:s26] =	ssyncset.done $0x0  }
0xb3: {  	s18 =	simm.s32 $0x500;
	[sflag:s26] =	ssyncadd.s32 $0xFFFFE800  }
0xb4: {  	[tilespmem:s31], [sflag:$0x2] =	stream.indirect.gather [spmem:s1], $0x30, s18, s15, $0xb8;
	[tilespmem:$0x19BB0] =	vst v63  }
.LBB2_8:
0xb5: {  	_ =	swait.ge [sflag:s2], $0x1800  }
0xb6: {  	s8 =	sshra.s32 s7, $0x2;
	[sflag:s2] =	ssyncset.done $0x0  }
0xb7: {  	s9 =	sadd.s32 $0x480, s8;
	[sflag:s2] =	ssyncadd.s32 $0xFFFFE800  }
0xb8: {  	[spmem:s3] =	stream.indirect.scatter.add.f32 [tilespmem:s20], [sflag:$0x5], $0x30, s9, s15, $0xb8;
	[tilespmem:$0x19BB0] =	vst v63  }
0xb9: {  	_ =	swait.ge [sflag:s28], $0x1800  }
0xba: {  	[sflag:s28] =	ssyncset.done $0x0  }
0xbb: {  	s10 =	sadd.s32 $0x600, s8;
	[sflag:s28] =	ssyncadd.s32 $0xFFFFE800  }
0xbc: {  	[tilespmem:s21], [sflag:$0x3] =	stream.indirect.gather [spmem:s1], $0x30, s10, s15, $0xb8;
	[tilespmem:$0x19BB0] =	vst v63  }
0xbd: {  	_ =	swait.ge [sflag:s24], $0x1800  }
0xbe: {  	[sflag:s24] =	ssyncset.done $0x0  }
0xbf: {  	s12 =	sadd.s32 $0x580, s8;
	[sflag:s24] =	ssyncadd.s32 $0xFFFFE800  }
0xc0: {  	[spmem:s3] =	stream.indirect.scatter.add.f32 [tilespmem:s31], [sflag:$0x6], $0x30, s12, s15, $0xb8;
	[tilespmem:$0x19BB0] =	vst v63  }
0xc1: {  	_ =	swait.ge [sflag:s29], $0x1800  }
0xc2: {  	[sflag:s29] =	ssyncset.done $0x0  }
0xc3: {  	s13 =	sadd.s32 $0x700, s8;
	[sflag:s29] =	ssyncadd.s32 $0xFFFFE800  }
0xc4: {  	[tilespmem:s0], [sflag:$0x4] =	stream.indirect.gather [spmem:s1], $0x30, s13, s15, $0xb8;
	[tilespmem:$0x19BB0] =	vst v63  }
0xc5: {  	_ =	swait.ge [sflag:s22], $0x1800  }
0xc6: {  	p0 =	seq.s32 s7, $0x12000;
	[sflag:s22] =	ssyncset.done $0x0  }
.Ltmp5:
0xc7: {  	s18 =	sadd.s32 $0x680, s8;
	[sflag:s22] =	ssyncadd.s32 $0xFFFFE800;
	(pc) =	sbr.rel @p0 .LBB2_10-.Ltmp5, $4  }
0xc8: {  	[spmem:s3] =	stream.indirect.scatter.add.f32 [tilespmem:s21], [sflag:$0x7], $0x30, s18, s15, $0xb8;
	[tilespmem:$0x19BB0] =	vst v63  }
0xc9: {  	_ =	swait.ge [sflag:s25], $0x1800  }
0xca: {  	[sflag:s25] =	ssyncset.done $0x0  }
0xcb: {  	s9 =	sadd.s32 $0x780, s8;
	[sflag:s25] =	ssyncadd.s32 $0xFFFFE800  }
0xcc: {  	s10 =	sadd.s32 $0x800, s8  }
0xcd: {  	[tilespmem:s20], [sflag:$0x1] =	stream.indirect.gather [spmem:s1], $0x30, s10, s15, $0xb8;
	[tilespmem:$0x19BB0] =	vst v63  }
0xce: {  	_ =	swait.ge [sflag:s30], $0x1800  }
0xcf: {  	[sflag:s30] =	ssyncset.done $0x0  }
0xd0: {  	[sflag:s30] =	ssyncadd.s32 $0xFFFFE800  }
0xd1: {  	[spmem:s3] =	stream.indirect.scatter.add.f32 [tilespmem:s0], [sflag:$0x8], $0x30, s9, s15, $0xb8;
	[tilespmem:$0x19BB0] =	vst v63  }
.Ltmp6:
0xd2: {  	_ = 	snop;
	(pc) =	sbr.rel .LBB2_8-.Ltmp6, $4  }
0xd3: {  	_ =	swait.ge [sflag:s26], $0x1800  }
0xd4: {  	[sflag:s26] =	ssyncset.done $0x0  }
0xd5: {  	s18 =	sadd.s32 $0x900, s8;
	s7 =	sadd.s32 $0x1000, s7;
	[sflag:s26] =	ssyncadd.s32 $0xFFFFE800  }
0xd6: {  	[tilespmem:s31], [sflag:$0x2] =	stream.indirect.gather [spmem:s1], $0x30, s18, s15, $0xb8;
	[tilespmem:$0x19BB0] =	vst v63  }
.LBB2_11:
0xd7: {  	_ =	sfence.sel $0x180000  }
0xd8: {  	[bflag:$0x0] =	sbarrier.arrive $0xFFFF  }
0xd9: {  	_ =	strace $0x90000047  }
0xda: {  	s0 =	stileid.u32;
	[bflag:$0x2] =	sbarrier.arrive $0xFFFF  }
0xdb: {  	p0 =	sne.s32 s0, $0x0;
	s0 =	rddreg [dreg:$0x3]  }
0xdc: {  	s0 =	sadd.s32 @!p0 $0x100000, s0  }
0xdd: {  	[sflag:s0] =	ssyncadd.tile.s32 @!p0 $0x1;
	_ =	shalt  }
.Lfunc_end2:
_tile_overlayer_lowered:
.L_overlay_start_2:
0xde: {  	(tag) =	ssettag $0x2  }
0xdf: {  	s0 =	rddreg [dreg:$0x0];
	s2 =	stileid.u32  }
0xe0: {  	s1 =	rddreg [dreg:$0x1];
	p0 =	sne.s32 s2, $0x0  }
0xe1: {  	s3 =	rddreg [dreg:$0x2];
	[bflag:$0x3] =	sbarrier.arrive $0xFFFF;
	s2 =	simm.s32 @!p0 $0x1C0A  }
0xe2: {  	[timem:s3], [sflag:s2] =	dma.local @!p0 [hbm:s0], s1  }
0xe3: {  	s0 =	simm.s32 @!p0 $0xA  }
0xe4: {  	_ =	swait.ge @!p0 [sflag:s0], s1  }
0xe5: {  	s1 =	ssub.s32 @!p0 $0x0, s1;
	[sflag:s0] =	ssyncset.done @!p0 $0x0  }
0xe6: {  	[sflag:s0] =	ssyncadd.s32 @!p0 s1  }
0xe7: {  	[bflag:$0x3] =	sbarrier.arrive $0xFFFF  }
0xe8: {  	_ =	shalt  }

</sc_bundles>
